<compile_context>
chip_gen: v7x
topology: tpu7x:2x2x1
jax: 0.10.2.dev20260603
libtpu: 0.0.44.dev20260713+nightly
codegen_flags: <defaults>
</compile_context>

<pallas_src>
import functools

import jax
import jax.numpy as jnp
from jax import lax
from jax.experimental import pallas as pl
from jax.experimental.pallas import tpu as pltpu
from jax.experimental.pallas import tpu_sc as plsc

N_NODES = 10000
N_EDGES = 320000
D_IN = 128
D_HID = 64
D_OUT = 40
D_OUT_PAD = 40

NC = 2
NS = 16
NW = NC * NS

R = 10240
ROWS_PER_TILE = R // NS
PAD_ROW = N_NODES
CH = 125
TCH = 80
NBUF = 8
KPF = 4

BLK = 2048
GRID = R // BLK

_MESH = plsc.VectorSubcoreMesh(
    core_axis_name="c", subcore_axis_name="s", num_cores=NC, num_subcores=NS
)
_SC_PARAMS = pltpu.CompilerParams(use_tc_tiling_on_sc=False)


def _zero_acc(zeros_hbm, acc, s):
    pltpu.sync_copy(zeros_hbm, acc.at[pl.ds(s * ROWS_PER_TILE, ROWS_PER_TILE)])


def _writeback(acc, out_hbm, c, s):
    base = s * ROWS_PER_TILE
    pltpu.sync_copy(
        acc.at[pl.ds(base, ROWS_PER_TILE)],
        out_hbm.at[c, pl.ds(base, ROWS_PER_TILE)],
    )


def _make_deg_kernel():

    @functools.partial(
        pl.kernel,
        mesh=_MESH,
        compiler_params=_SC_PARAMS,
        out_type=jax.ShapeDtypeStruct((NC, R), jnp.float32),
        scratch_types=[
            pltpu.VMEM((TCH, CH), jnp.int32),
            pltpu.VMEM((CH, 16), jnp.float32),
            pltpu.VMEM((ROWS_PER_TILE, 16), jnp.float32),
            pltpu.VMEM((ROWS_PER_TILE,), jnp.float32),
            pltpu.VMEM_SHARED((R, 16), jnp.float32),
            pltpu.SemaphoreType.DMA,
        ],
    )
    def deg_kernel(edge_hbm, ones_hbm, zeros_hbm, out_hbm, dst_v, ones_v,
                   vbuf, cvbuf, acc, sem):
        c = lax.axis_index("c")
        s = lax.axis_index("s")
        w = c * NS + s
        _zero_acc(zeros_hbm, acc, s)
        pltpu.sync_copy(ones_hbm, ones_v)
        pltpu.sync_copy(edge_hbm.at[1, w], dst_v)
        plsc.subcore_barrier()

        def fire(j, carry):
            pltpu.async_copy(ones_v, acc.at[dst_v.at[j]], sem, add=True)
            return carry

        lax.fori_loop(0, TCH, fire, 0)

        def drain(j, carry):
            pltpu.make_async_copy(ones_v, acc.at[dst_v.at[j]], sem).wait()
            return carry

        lax.fori_loop(0, TCH, drain, 0)
        plsc.subcore_barrier()

        base = s * ROWS_PER_TILE
        pltpu.sync_copy(acc.at[pl.ds(base, ROWS_PER_TILE)], vbuf)
        lane = lax.iota(jnp.int32, 16)

        def compact(k, carry):
            vals = jnp.zeros((16,), jnp.float32)
            for jj in range(16):
                vals = jnp.where(lane == jj, vbuf[k * 16 + jj, :], vals)
            cvbuf[pl.ds(k * 16, 16)] = vals
            return carry

        lax.fori_loop(0, ROWS_PER_TILE // 16, compact, 0)
        pltpu.sync_copy(cvbuf, out_hbm.at[c, pl.ds(base, ROWS_PER_TILE)])

    return deg_kernel


def _make_agg_kernel(d):

    @functools.partial(
        pl.kernel,
        mesh=_MESH,
        compiler_params=_SC_PARAMS,
        out_type=jax.ShapeDtypeStruct((NC, R, d), jnp.float32),
        scratch_types=[
            pltpu.VMEM((TCH, CH), jnp.int32),
            pltpu.VMEM((TCH, CH), jnp.int32),
            [pltpu.VMEM((CH, d), jnp.float32)] * NBUF,
            pltpu.VMEM_SHARED((R, d), jnp.float32),
            [pltpu.SemaphoreType.DMA] * NBUF,
            [pltpu.SemaphoreType.DMA] * NBUF,
        ],
    )
    def agg_kernel(
        table_hbm, edge_hbm, zeros_hbm, out_hbm,
        src_v, dst_v, bufs, acc, gsem, ssem,
    ):
        c = lax.axis_index("c")
        s = lax.axis_index("s")
        w = c * NS + s
        _zero_acc(zeros_hbm, acc, s)
        pltpu.sync_copy(edge_hbm.at[0, w], src_v)
        pltpu.sync_copy(edge_hbm.at[1, w], dst_v)
        plsc.subcore_barrier()

        for j in range(KPF):
            pltpu.async_copy(table_hbm.at[src_v.at[j]], bufs[j], gsem[j])

        def body(jo, carry):
            for t in range(NBUF):
                j = NBUF * jo + t
                bp = (t + KPF) % NBUF
                pltpu.make_async_copy(
                    table_hbm.at[src_v.at[j]], bufs[t], gsem[t]
                ).wait()
                pltpu.async_copy(bufs[t], acc.at[dst_v.at[j]], ssem[t], add=True)

                @pl.when(j >= KPF)
                def _():
                    pltpu.make_async_copy(
                        bufs[bp], acc.at[dst_v.at[j - KPF]], ssem[bp]
                    ).wait()

                @pl.when(j + KPF < TCH)
                def _():
                    pltpu.async_copy(
                        table_hbm.at[src_v.at[j + KPF]], bufs[bp], gsem[bp]
                    )

            return carry

        lax.fori_loop(0, TCH // NBUF, body, 0)

        for j in range(TCH - KPF, TCH):
            b = j % NBUF
            pltpu.make_async_copy(bufs[b], acc.at[dst_v.at[j]], ssem[b]).wait()

        plsc.subcore_barrier()
        _writeback(acc, out_hbm, c, s)

    return agg_kernel


_deg_call = _make_deg_kernel()
_agg64_call = _make_agg_kernel(D_HID)
_agg48_call = _make_agg_kernel(D_OUT_PAD)


def _mm1_body(xb, w1b, degb, h1s_out, dis_out):
    i = pl.program_id(0)
    deg = degb[0:1, :] + degb[1:2, :] + 1.0
    dis = jnp.transpose(lax.rsqrt(deg))
    h = jnp.dot(xb[...], w1b[...], preferred_element_type=jnp.float32)
    rows = lax.broadcasted_iota(jnp.int32, (BLK, D_HID), 0) + i * BLK
    h1s_out[...] = jnp.where(rows < N_NODES, h * dis, 0.0)
    dis_out[...] = jnp.broadcast_to(dis, (BLK, 16))


def _mm2_body(aggb, h1sb, disb, b1b, w2b, h2s_out):
    i = pl.program_id(0)
    dis = disb[:, 0:1]
    agg = aggb[0] + aggb[1] + h1sb[...]
    z = jnp.maximum(agg * dis + b1b[...], 0.0)
    h2 = jnp.dot(z, w2b[...], preferred_element_type=jnp.float32) * dis
    rows = lax.broadcasted_iota(jnp.int32, (BLK, D_OUT_PAD), 0) + i * BLK
    h2s_out[...] = jnp.where(rows < N_NODES, h2, 0.0)


def _post_body(aggb, h2sb, disb, b2b, out):
    agg = aggb[0] + aggb[1] + h2sb[...]
    out[...] = agg * disb[:, 0:1] + b2b[...]


def _mm1(x_pad, W1, degp):
    return pl.pallas_call(
        _mm1_body,
        grid=(GRID,),
        in_specs=[
            pl.BlockSpec((BLK, D_IN), lambda i: (i, 0)),
            pl.BlockSpec((D_IN, D_HID), lambda i: (0, 0)),
            pl.BlockSpec((NC, BLK), lambda i: (0, i)),
        ],
        out_specs=[
            pl.BlockSpec((BLK, D_HID), lambda i: (i, 0)),
            pl.BlockSpec((BLK, 16), lambda i: (i, 0)),
        ],
        out_shape=[
            jax.ShapeDtypeStruct((R, D_HID), jnp.float32),
            jax.ShapeDtypeStruct((R, 16), jnp.float32),
        ],
    )(x_pad, W1, degp)


def _mm2(aggp, h1s, dis16, b1r, W2p):
    return pl.pallas_call(
        _mm2_body,
        grid=(GRID,),
        in_specs=[
            pl.BlockSpec((NC, BLK, D_HID), lambda i: (0, i, 0)),
            pl.BlockSpec((BLK, D_HID), lambda i: (i, 0)),
            pl.BlockSpec((BLK, 16), lambda i: (i, 0)),
            pl.BlockSpec((1, D_HID), lambda i: (0, 0)),
            pl.BlockSpec((D_HID, D_OUT_PAD), lambda i: (0, 0)),
        ],
        out_specs=pl.BlockSpec((BLK, D_OUT_PAD), lambda i: (i, 0)),
        out_shape=jax.ShapeDtypeStruct((R, D_OUT_PAD), jnp.float32),
    )(aggp, h1s, dis16, b1r, W2p)


PBLK = 2000


def _post(aggp, h2s, dis16, b2r):
    return pl.pallas_call(
        _post_body,
        grid=(N_NODES // PBLK,),
        in_specs=[
            pl.BlockSpec((NC, PBLK, D_OUT_PAD), lambda i: (0, i, 0)),
            pl.BlockSpec((PBLK, D_OUT_PAD), lambda i: (i, 0)),
            pl.BlockSpec((PBLK, 16), lambda i: (i, 0)),
            pl.BlockSpec((1, D_OUT_PAD), lambda i: (0, 0)),
        ],
        out_specs=pl.BlockSpec((PBLK, D_OUT_PAD), lambda i: (i, 0)),
        out_shape=jax.ShapeDtypeStruct((N_NODES, D_OUT_PAD), jnp.float32),
    )(aggp, h2s, dis16, b2r)


@jax.jit
def _run(x, edge_index, W1, b1, W2, b2):
    edge4 = edge_index.astype(jnp.int32).reshape(2, NW, TCH, CH)

    W2p = jnp.pad(W2, ((0, 0), (0, D_OUT_PAD - D_OUT)))
    b1r = b1.reshape(1, D_HID)
    b2r = jnp.pad(b2, (0, D_OUT_PAD - D_OUT)).reshape(1, D_OUT_PAD)

    ones16 = jnp.ones((CH, 16), jnp.float32)
    zeros64 = jnp.zeros((ROWS_PER_TILE, D_HID), jnp.float32)

    degp = _deg_call(edge4, ones16, zeros64[:, :16])
    h1s, dis16 = _mm1(x, W1, degp)
    aggp1 = _agg64_call(h1s, edge4, zeros64)
    h2s = _mm2(aggp1, h1s, dis16, b1r, W2p)
    aggp2 = _agg48_call(h2s, edge4, zeros64[:, :D_OUT_PAD])
    return _post(aggp2, h2s, dis16, b2r)


def kernel(x, edge_index, W1, b1, W2, b2):
    return _run(x, edge_index, W1, b1, W2, b2)

# --- scband reference (transcript-rebuilt; emitter-appended) ---
"""Pipeline reference for scband-node-gcn-62328565399617 (READ-ONLY COPY).

The authoritative reference and input builder live on the scoring server;
editing this copy changes nothing except your own understanding.
"""

import jax, jax.numpy as jnp
import numpy as np

N = 10000
E = 320000
D_IN = 128
D_HID = 64
N_CLASSES = 40


def setup_inputs(seed: int = 0) -> dict:
    key = jax.random.key(seed)
    k1, k2, k3, k4 = jax.random.split(key, 4)
    x = jax.random.normal(k1, (N, D_IN), dtype=jnp.float32)
    edge_index = jax.random.randint(k2, (2, E), 0, N)
    # GCNConv parameters (glorot-ish scale); layer1: 128->64, layer2: 64->40
    W1 = jax.random.normal(k3, (D_IN, D_HID), dtype=jnp.float32) * 0.05
    b1 = jnp.zeros((D_HID,), dtype=jnp.float32)
    W2 = jax.random.normal(k4, (D_HID, N_CLASSES), dtype=jnp.float32) * 0.05
    b2 = jnp.zeros((N_CLASSES,), dtype=jnp.float32)
    return {"x": x, "edge_index": edge_index, "W1": W1, "b1": b1, "W2": W2, "b2": b2}


def gcn_conv(x, edge_index, W, b):
    # Faithful PyG GCNConv: add self-loops, symmetric deg^{-1/2} normalization,
    # linear transform, gather messages by src, scatter-add into dst, add bias.
    n = x.shape[0]
    src = edge_index[0]
    dst = edge_index[1]
    loop = jnp.arange(n, dtype=src.dtype)
    src = jnp.concatenate([src, loop])
    dst = jnp.concatenate([dst, loop])
    deg = jnp.zeros((n,), dtype=x.dtype).at[dst].add(1.0)
    deg_inv_sqrt = jnp.where(deg > 0, jax.lax.rsqrt(jnp.maximum(deg, 1e-12)), 0.0)
    norm = deg_inv_sqrt[src] * deg_inv_sqrt[dst]
    h = x @ W
    msg = h[src] * norm[:, None]
    out = jnp.zeros((n, W.shape[1]), dtype=x.dtype).at[dst].add(msg)
    return out + b


def reference(x, edge_index, W1, b1, W2, b2):
    # NodeGCN.forward in eval mode (dropout is identity when train=False)
    h = gcn_conv(x, edge_index, W1, b1)
    h = jax.nn.relu(h)
    out = gcn_conv(h, edge_index, W2, b2)
    return out

if __name__ == "__main__":
    import jax
    _d = setup_inputs()
    print(jax.jit(kernel)(*tuple(_d.values())))

</pallas_src>

<mosaic_0001>
#map = affine_map<(d0, d1) -> (0, 0)>
#map1 = affine_map<(d0, d1) -> (0, 0, 0, 0)>
#map2 = affine_map<(d0, d1) -> (0, 0, 0)>
module attributes {stable_mosaic.version = 14 : i64} {
  func.func @agg_kernel(%arg0: i32, %arg1: i32, %arg2: memref<10240x40xf32, #tpu.memory_space<hbm>>, %arg3: memref<2x32x80x125xi32, #tpu.memory_space<hbm>>, %arg4: memref<640x40xf32, #tpu.memory_space<hbm>>, %arg5: memref<2x10240x40xf32, #tpu.memory_space<hbm>>, %arg6: memref<80x125xi32, #tpu.memory_space<vmem>>, %arg7: memref<80x125xi32, #tpu.memory_space<vmem>>, %arg8: memref<125x40xf32, #tpu.memory_space<vmem>>, %arg9: memref<125x40xf32, #tpu.memory_space<vmem>>, %arg10: memref<125x40xf32, #tpu.memory_space<vmem>>, %arg11: memref<125x40xf32, #tpu.memory_space<vmem>>, %arg12: memref<125x40xf32, #tpu.memory_space<vmem>>, %arg13: memref<125x40xf32, #tpu.memory_space<vmem>>, %arg14: memref<125x40xf32, #tpu.memory_space<vmem>>, %arg15: memref<125x40xf32, #tpu.memory_space<vmem>>, %arg16: memref<10240x40xf32, #tpu.memory_space<vmem_shared>>, %arg17: memref<!tpu.dma_semaphore, #tpu.memory_space<semaphore_mem>>, %arg18: memref<!tpu.dma_semaphore, #tpu.memory_space<semaphore_mem>>, %arg19: memref<!tpu.dma_semaphore, #tpu.memory_space<semaphore_mem>>, %arg20: memref<!tpu.dma_semaphore, #tpu.memory_space<semaphore_mem>>, %arg21: memref<!tpu.dma_semaphore, #tpu.memory_space<semaphore_mem>>, %arg22: memref<!tpu.dma_semaphore, #tpu.memory_space<semaphore_mem>>, %arg23: memref<!tpu.dma_semaphore, #tpu.memory_space<semaphore_mem>>, %arg24: memref<!tpu.dma_semaphore, #tpu.memory_space<semaphore_mem>>, %arg25: memref<!tpu.dma_semaphore, #tpu.memory_space<semaphore_mem>>, %arg26: memref<!tpu.dma_semaphore, #tpu.memory_space<semaphore_mem>>, %arg27: memref<!tpu.dma_semaphore, #tpu.memory_space<semaphore_mem>>, %arg28: memref<!tpu.dma_semaphore, #tpu.memory_space<semaphore_mem>>, %arg29: memref<!tpu.dma_semaphore, #tpu.memory_space<semaphore_mem>>, %arg30: memref<!tpu.dma_semaphore, #tpu.memory_space<semaphore_mem>>, %arg31: memref<!tpu.dma_semaphore, #tpu.memory_space<semaphore_mem>>, %arg32: memref<!tpu.dma_semaphore, #tpu.memory_space<semaphore_mem>>) attributes {dimension_semantics = [#tpu.dimension_semantics<core_parallel>, #tpu.dimension_semantics<subcore_parallel>], iteration_bounds = array<i64: 2, 16>, scalar_prefetch = 0 : i64, scratch_operands = 27 : i64, tpu.core_type = #tpu.core_type<sc_vector_subcore>, window_params = [{transform_indices = #map}, {transform_indices = #map1}, {transform_indices = #map}, {transform_indices = #map2}]} {
    %mul3A = arith.constant 16 : i32
    %mul3A_0 = arith.muli %arg0, %mul3A : i32
    %add3A = arith.addi %mul3A_0, %arg1 : i32
    %mul3A_1 = arith.constant 640 : i32
    %mul3A_2 = arith.muli %arg1, %mul3A_1 : i32
    "tpu.region"() ({
      %run_scoped3A_66 = tpu.sem_alloc : memref<!tpu.dma_semaphore, #tpu.memory_space<semaphore_mem>>
      %dma_start3A_67 = arith.constant 0 : i32
      %dma_start3A_68 = tpu.memref_slice %arg16[%mul3A_2, %dma_start3A_67] : memref<10240x40xf32, #tpu.memory_space<vmem_shared>> -> memref<640x40xf32, #tpu.memory_space<vmem_shared>>
      tpu.enqueue_dma source(%arg4 : memref<640x40xf32, #tpu.memory_space<hbm>>) target(%dma_start3A_68 : memref<640x40xf32, #tpu.memory_space<vmem_shared>>) target_semaphore(%run_scoped3A_66 : memref<!tpu.dma_semaphore, #tpu.memory_space<semaphore_mem>>)
      %dma_wait3A_69 = arith.constant 0 : i32
      %dma_wait3A_70 = tpu.memref_slice %arg16[%mul3A_2, %dma_wait3A_69] : memref<10240x40xf32, #tpu.memory_space<vmem_shared>> -> memref<640x40xf32, #tpu.memory_space<vmem_shared>>
      tpu.wait_dma2 semaphore(%run_scoped3A_66 : memref<!tpu.dma_semaphore, #tpu.memory_space<semaphore_mem>>) src(%arg4 : memref<640x40xf32, #tpu.memory_space<hbm>>) dst(%dma_wait3A_70 : memref<640x40xf32, #tpu.memory_space<vmem_shared>>)
      tpu.yield
    }) : () -> ()
    %run_scoped3A = arith.constant 0 : i32
    "tpu.region"() ({
      %run_scoped3A_66 = tpu.sem_alloc : memref<!tpu.dma_semaphore, #tpu.memory_space<semaphore_mem>>
      %dma_start3A_67 = arith.constant 0 : i32
      %dma_start3A_68 = arith.constant 0 : i32
      %dma_start3A_69 = tpu.memref_slice %arg3[%run_scoped3A, %add3A, %dma_start3A_67, %dma_start3A_68] : memref<2x32x80x125xi32, #tpu.memory_space<hbm>> -> memref<1x1x80x125xi32, #tpu.memory_space<hbm>>
      %dma_start3A_70 = tpu.memref_squeeze %dma_start3A_69 : memref<1x1x80x125xi32, #tpu.memory_space<hbm>> -> memref<80x125xi32, #tpu.memory_space<hbm>>
      %dma_start3A_71 = arith.constant 0 : i32
      %dma_start3A_72 = arith.constant 0 : i32
      %dma_start3A_73 = tpu.memref_slice %arg3[%run_scoped3A, %add3A, %dma_start3A_71, %dma_start3A_72] : memref<2x32x80x125xi32, #tpu.memory_space<hbm>> -> memref<1x1x80x125xi32, #tpu.memory_space<hbm>>
      %dma_start3A_74 = tpu.memref_squeeze %dma_start3A_73 : memref<1x1x80x125xi32, #tpu.memory_space<hbm>> -> memref<80x125xi32, #tpu.memory_space<hbm>>
      tpu.enqueue_dma source(%dma_start3A_74 : memref<80x125xi32, #tpu.memory_space<hbm>>) target(%arg6 : memref<80x125xi32, #tpu.memory_space<vmem>>) target_semaphore(%run_scoped3A_66 : memref<!tpu.dma_semaphore, #tpu.memory_space<semaphore_mem>>)
      %dma_wait3A_75 = arith.constant 0 : i32
      %dma_wait3A_76 = arith.constant 0 : i32
      %dma_wait3A_77 = tpu.memref_slice %arg3[%run_scoped3A, %add3A, %dma_wait3A_75, %dma_wait3A_76] : memref<2x32x80x125xi32, #tpu.memory_space<hbm>> -> memref<1x1x80x125xi32, #tpu.memory_space<hbm>>
      %dma_wait3A_78 = tpu.memref_squeeze %dma_wait3A_77 : memref<1x1x80x125xi32, #tpu.memory_space<hbm>> -> memref<80x125xi32, #tpu.memory_space<hbm>>
      %dma_wait3A_79 = arith.constant 0 : i32
      %dma_wait3A_80 = arith.constant 0 : i32
      %dma_wait3A_81 = tpu.memref_slice %arg3[%run_scoped3A, %add3A, %dma_wait3A_79, %dma_wait3A_80] : memref<2x32x80x125xi32, #tpu.memory_space<hbm>> -> memref<1x1x80x125xi32, #tpu.memory_space<hbm>>
      %dma_wait3A_82 = tpu.memref_squeeze %dma_wait3A_81 : memref<1x1x80x125xi32, #tpu.memory_space<hbm>> -> memref<80x125xi32, #tpu.memory_space<hbm>>
      tpu.wait_dma2 semaphore(%run_scoped3A_66 : memref<!tpu.dma_semaphore, #tpu.memory_space<semaphore_mem>>) src(%dma_wait3A_82 : memref<80x125xi32, #tpu.memory_space<hbm>>) dst(%arg6 : memref<80x125xi32, #tpu.memory_space<vmem>>)
      tpu.yield
    }) : () -> ()
    %run_scoped3A_3 = arith.constant 1 : i32
    "tpu.region"() ({
      %run_scoped3A_66 = tpu.sem_alloc : memref<!tpu.dma_semaphore, #tpu.memory_space<semaphore_mem>>
      %dma_start3A_67 = arith.constant 0 : i32
      %dma_start3A_68 = arith.constant 0 : i32
      %dma_start3A_69 = tpu.memref_slice %arg3[%run_scoped3A_3, %add3A, %dma_start3A_67, %dma_start3A_68] : memref<2x32x80x125xi32, #tpu.memory_space<hbm>> -> memref<1x1x80x125xi32, #tpu.memory_space<hbm>>
      %dma_start3A_70 = tpu.memref_squeeze %dma_start3A_69 : memref<1x1x80x125xi32, #tpu.memory_space<hbm>> -> memref<80x125xi32, #tpu.memory_space<hbm>>
      %dma_start3A_71 = arith.constant 0 : i32
      %dma_start3A_72 = arith.constant 0 : i32
      %dma_start3A_73 = tpu.memref_slice %arg3[%run_scoped3A_3, %add3A, %dma_start3A_71, %dma_start3A_72] : memref<2x32x80x125xi32, #tpu.memory_space<hbm>> -> memref<1x1x80x125xi32, #tpu.memory_space<hbm>>
      %dma_start3A_74 = tpu.memref_squeeze %dma_start3A_73 : memref<1x1x80x125xi32, #tpu.memory_space<hbm>> -> memref<80x125xi32, #tpu.memory_space<hbm>>
      tpu.enqueue_dma source(%dma_start3A_74 : memref<80x125xi32, #tpu.memory_space<hbm>>) target(%arg7 : memref<80x125xi32, #tpu.memory_space<vmem>>) target_semaphore(%run_scoped3A_66 : memref<!tpu.dma_semaphore, #tpu.memory_space<semaphore_mem>>)
      %dma_wait3A_75 = arith.constant 0 : i32
      %dma_wait3A_76 = arith.constant 0 : i32
      %dma_wait3A_77 = tpu.memref_slice %arg3[%run_scoped3A_3, %add3A, %dma_wait3A_75, %dma_wait3A_76] : memref<2x32x80x125xi32, #tpu.memory_space<hbm>> -> memref<1x1x80x125xi32, #tpu.memory_space<hbm>>
      %dma_wait3A_78 = tpu.memref_squeeze %dma_wait3A_77 : memref<1x1x80x125xi32, #tpu.memory_space<hbm>> -> memref<80x125xi32, #tpu.memory_space<hbm>>
      %dma_wait3A_79 = arith.constant 0 : i32
      %dma_wait3A_80 = arith.constant 0 : i32
      %dma_wait3A_81 = tpu.memref_slice %arg3[%run_scoped3A_3, %add3A, %dma_wait3A_79, %dma_wait3A_80] : memref<2x32x80x125xi32, #tpu.memory_space<hbm>> -> memref<1x1x80x125xi32, #tpu.memory_space<hbm>>
      %dma_wait3A_82 = tpu.memref_squeeze %dma_wait3A_81 : memref<1x1x80x125xi32, #tpu.memory_space<hbm>> -> memref<80x125xi32, #tpu.memory_space<hbm>>
      tpu.wait_dma2 semaphore(%run_scoped3A_66 : memref<!tpu.dma_semaphore, #tpu.memory_space<semaphore_mem>>) src(%dma_wait3A_82 : memref<80x125xi32, #tpu.memory_space<hbm>>) dst(%arg7 : memref<80x125xi32, #tpu.memory_space<vmem>>)
      tpu.yield
    }) : () -> ()
    %barrier3A = arith.constant 0 : index
    tpu.barrier barrier_id(%barrier3A)
    %dma_start3A = arith.constant 0 : i32
    %dma_start3A_4 = arith.constant 0 : i32
    %dma_start3A_5 = tpu.memref_slice %arg6[%dma_start3A, %dma_start3A_4] : memref<80x125xi32, #tpu.memory_space<vmem>> -> memref<1x125xi32, #tpu.memory_space<vmem>>
    %dma_start3A_6 = tpu.memref_squeeze %dma_start3A_5 : memref<1x125xi32, #tpu.memory_space<vmem>> -> memref<125xi32, #tpu.memory_space<vmem>>
    %dma_start3A_7 = arith.constant 0 : i32
    %dma_start3A_8 = arith.constant 0 : i32
    %dma_start3A_9 = tpu.memref_slice %arg2[%dma_start3A_7, %dma_start3A_8] : memref<10240x40xf32, #tpu.memory_space<hbm>> -> memref<10240x40xf32, #tpu.memory_space<hbm>>
    tpu.enqueue_indirect_dma source(%dma_start3A_9 : memref<10240x40xf32, #tpu.memory_space<hbm>>) target(%arg8 : memref<125x40xf32, #tpu.memory_space<vmem>>) offsets(%dma_start3A_6 : memref<125xi32, #tpu.memory_space<vmem>>) semaphore(%arg17 : memref<!tpu.dma_semaphore, #tpu.memory_space<semaphore_mem>>)
    %dma_start3A_10 = arith.constant 1 : i32
    %dma_start3A_11 = arith.constant 0 : i32
    %dma_start3A_12 = tpu.memref_slice %arg6[%dma_start3A_10, %dma_start3A_11] : memref<80x125xi32, #tpu.memory_space<vmem>> -> memref<1x125xi32, #tpu.memory_space<vmem>>
    %dma_start3A_13 = tpu.memref_squeeze %dma_start3A_12 : memref<1x125xi32, #tpu.memory_space<vmem>> -> memref<125xi32, #tpu.memory_space<vmem>>
    %dma_start3A_14 = arith.constant 0 : i32
    %dma_start3A_15 = arith.constant 0 : i32
    %dma_start3A_16 = tpu.memref_slice %arg2[%dma_start3A_14, %dma_start3A_15] : memref<10240x40xf32, #tpu.memory_space<hbm>> -> memref<10240x40xf32, #tpu.memory_space<hbm>>
    tpu.enqueue_indirect_dma source(%dma_start3A_16 : memref<10240x40xf32, #tpu.memory_space<hbm>>) target(%arg9 : memref<125x40xf32, #tpu.memory_space<vmem>>) offsets(%dma_start3A_13 : memref<125xi32, #tpu.memory_space<vmem>>) semaphore(%arg18 : memref<!tpu.dma_semaphore, #tpu.memory_space<semaphore_mem>>)
    %dma_start3A_17 = arith.constant 2 : i32
    %dma_start3A_18 = arith.constant 0 : i32
    %dma_start3A_19 = tpu.memref_slice %arg6[%dma_start3A_17, %dma_start3A_18] : memref<80x125xi32, #tpu.memory_space<vmem>> -> memref<1x125xi32, #tpu.memory_space<vmem>>
    %dma_start3A_20 = tpu.memref_squeeze %dma_start3A_19 : memref<1x125xi32, #tpu.memory_space<vmem>> -> memref<125xi32, #tpu.memory_space<vmem>>
    %dma_start3A_21 = arith.constant 0 : i32
    %dma_start3A_22 = arith.constant 0 : i32
    %dma_start3A_23 = tpu.memref_slice %arg2[%dma_start3A_21, %dma_start3A_22] : memref<10240x40xf32, #tpu.memory_space<hbm>> -> memref<10240x40xf32, #tpu.memory_space<hbm>>
    tpu.enqueue_indirect_dma source(%dma_start3A_23 : memref<10240x40xf32, #tpu.memory_space<hbm>>) target(%arg10 : memref<125x40xf32, #tpu.memory_space<vmem>>) offsets(%dma_start3A_20 : memref<125xi32, #tpu.memory_space<vmem>>) semaphore(%arg19 : memref<!tpu.dma_semaphore, #tpu.memory_space<semaphore_mem>>)
    %dma_start3A_24 = arith.constant 3 : i32
    %dma_start3A_25 = arith.constant 0 : i32
    %dma_start3A_26 = tpu.memref_slice %arg6[%dma_start3A_24, %dma_start3A_25] : memref<80x125xi32, #tpu.memory_space<vmem>> -> memref<1x125xi32, #tpu.memory_space<vmem>>
    %dma_start3A_27 = tpu.memref_squeeze %dma_start3A_26 : memref<1x125xi32, #tpu.memory_space<vmem>> -> memref<125xi32, #tpu.memory_space<vmem>>
    %dma_start3A_28 = arith.constant 0 : i32
    %dma_start3A_29 = arith.constant 0 : i32
    %dma_start3A_30 = tpu.memref_slice %arg2[%dma_start3A_28, %dma_start3A_29] : memref<10240x40xf32, #tpu.memory_space<hbm>> -> memref<10240x40xf32, #tpu.memory_space<hbm>>
    tpu.enqueue_indirect_dma source(%dma_start3A_30 : memref<10240x40xf32, #tpu.memory_space<hbm>>) target(%arg11 : memref<125x40xf32, #tpu.memory_space<vmem>>) offsets(%dma_start3A_27 : memref<125xi32, #tpu.memory_space<vmem>>) semaphore(%arg20 : memref<!tpu.dma_semaphore, #tpu.memory_space<semaphore_mem>>)
    %scan3A = arith.constant 0 : i32
    %scan3A_31 = arith.constant 0 : i32
    %scan3A_32 = arith.constant 10 : i32
    %scan3A_33 = arith.addi %scan3A_31, %scan3A_32 : i32
    %scan3A_34 = arith.constant 1 : i32
    scf.for %scan3A_66 = %scan3A_31 to %scan3A_33 step %scan3A_34  : i32 {
      %mul3A_67 = arith.constant 8 : i32
      %mul3A_68 = arith.muli %mul3A_67, %scan3A_66 : i32
      %add3A_69 = arith.constant 0 : i32
      %add3A_70 = arith.addi %mul3A_68, %add3A_69 : i32
      %dma_wait3A_71 = arith.constant 0 : i32
      %dma_wait3A_72 = tpu.memref_slice %arg6[%add3A_70, %dma_wait3A_71] : memref<80x125xi32, #tpu.memory_space<vmem>> -> memref<1x125xi32, #tpu.memory_space<vmem>>
      %dma_wait3A_73 = tpu.memref_squeeze %dma_wait3A_72 : memref<1x125xi32, #tpu.memory_space<vmem>> -> memref<125xi32, #tpu.memory_space<vmem>>
      %dma_wait3A_74 = arith.constant 0 : i32
      %dma_wait3A_75 = arith.constant 0 : i32
      %dma_wait3A_76 = tpu.memref_slice %arg2[%dma_wait3A_74, %dma_wait3A_75] : memref<10240x40xf32, #tpu.memory_space<hbm>> -> memref<10240x40xf32, #tpu.memory_space<hbm>>
      tpu.wait_indirect_dma semaphore(%arg17 : memref<!tpu.dma_semaphore, #tpu.memory_space<semaphore_mem>>) src(%dma_wait3A_76 : memref<10240x40xf32, #tpu.memory_space<hbm>>) dst(%arg8 : memref<125x40xf32, #tpu.memory_space<vmem>>)
      %dma_start3A_77 = arith.constant 0 : i32
      %dma_start3A_78 = tpu.memref_slice %arg7[%add3A_70, %dma_start3A_77] : memref<80x125xi32, #tpu.memory_space<vmem>> -> memref<1x125xi32, #tpu.memory_space<vmem>>
      %dma_start3A_79 = tpu.memref_squeeze %dma_start3A_78 : memref<1x125xi32, #tpu.memory_space<vmem>> -> memref<125xi32, #tpu.memory_space<vmem>>
      %dma_start3A_80 = arith.constant 0 : i32
      %dma_start3A_81 = arith.constant 0 : i32
      %dma_start3A_82 = tpu.memref_slice %arg16[%dma_start3A_80, %dma_start3A_81] : memref<10240x40xf32, #tpu.memory_space<vmem_shared>> -> memref<10240x40xf32, #tpu.memory_space<vmem_shared>>
      tpu.enqueue_indirect_dma source(%arg8 : memref<125x40xf32, #tpu.memory_space<vmem>>) target(%dma_start3A_82 : memref<10240x40xf32, #tpu.memory_space<vmem_shared>>) offsets(%dma_start3A_79 : memref<125xi32, #tpu.memory_space<vmem>>) semaphore(%arg25 : memref<!tpu.dma_semaphore, #tpu.memory_space<semaphore_mem>>) {add = true}
      %ge3A = arith.constant 4 : i32
      %ge3A_83 = arith.cmpi sge, %add3A_70, %ge3A : i32
      %convert_element_type3A = arith.extui %ge3A_83 : i1 to i32
      %cond3A = arith.constant 0 : i32
      %cond3A_84 = arith.cmpi ne, %convert_element_type3A, %cond3A : i32
      scf.if %cond3A_84 {
        %sub3A = arith.constant 4 : i32
        %sub3A_287 = arith.subi %add3A_70, %sub3A : i32
        %dma_wait3A_288 = arith.constant 0 : i32
        %dma_wait3A_289 = tpu.memref_slice %arg7[%sub3A_287, %dma_wait3A_288] : memref<80x125xi32, #tpu.memory_space<vmem>> -> memref<1x125xi32, #tpu.memory_space<vmem>>
        %dma_wait3A_290 = tpu.memref_squeeze %dma_wait3A_289 : memref<1x125xi32, #tpu.memory_space<vmem>> -> memref<125xi32, #tpu.memory_space<vmem>>
        %dma_wait3A_291 = arith.constant 0 : i32
        %dma_wait3A_292 = arith.constant 0 : i32
        %dma_wait3A_293 = tpu.memref_slice %arg16[%dma_wait3A_291, %dma_wait3A_292] : memref<10240x40xf32, #tpu.memory_space<vmem_shared>> -> memref<10240x40xf32, #tpu.memory_space<vmem_shared>>
        tpu.wait_indirect_dma semaphore(%arg29 : memref<!tpu.dma_semaphore, #tpu.memory_space<semaphore_mem>>) src(%arg12 : memref<125x40xf32, #tpu.memory_space<vmem>>) dst(%dma_wait3A_293 : memref<10240x40xf32, #tpu.memory_space<vmem_shared>>)
      } else {
      }
      %add3A_85 = arith.constant 4 : i32
      %add3A_86 = arith.addi %add3A_70, %add3A_85 : i32
      %lt3A = arith.constant 80 : i32
      %lt3A_87 = arith.cmpi slt, %add3A_86, %lt3A : i32
      %convert_element_type3A_88 = arith.extui %lt3A_87 : i1 to i32
      %cond3A_89 = arith.constant 0 : i32
      %cond3A_90 = arith.cmpi ne, %convert_element_type3A_88, %cond3A_89 : i32
      scf.if %cond3A_90 {
        %add3A_287 = arith.constant 4 : i32
        %add3A_288 = arith.addi %add3A_70, %add3A_287 : i32
        %dma_start3A_289 = arith.constant 0 : i32
        %dma_start3A_290 = tpu.memref_slice %arg6[%add3A_288, %dma_start3A_289] : memref<80x125xi32, #tpu.memory_space<vmem>> -> memref<1x125xi32, #tpu.memory_space<vmem>>
        %dma_start3A_291 = tpu.memref_squeeze %dma_start3A_290 : memref<1x125xi32, #tpu.memory_space<vmem>> -> memref<125xi32, #tpu.memory_space<vmem>>
        %dma_start3A_292 = arith.constant 0 : i32
        %dma_start3A_293 = arith.constant 0 : i32
        %dma_start3A_294 = tpu.memref_slice %arg2[%dma_start3A_292, %dma_start3A_293] : memref<10240x40xf32, #tpu.memory_space<hbm>> -> memref<10240x40xf32, #tpu.memory_space<hbm>>
        tpu.enqueue_indirect_dma source(%dma_start3A_294 : memref<10240x40xf32, #tpu.memory_space<hbm>>) target(%arg12 : memref<125x40xf32, #tpu.memory_space<vmem>>) offsets(%dma_start3A_291 : memref<125xi32, #tpu.memory_space<vmem>>) semaphore(%arg21 : memref<!tpu.dma_semaphore, #tpu.memory_space<semaphore_mem>>)
      } else {
      }
      %mul3A_91 = arith.constant 8 : i32
      %mul3A_92 = arith.muli %mul3A_91, %scan3A_66 : i32
      %add3A_93 = arith.constant 1 : i32
      %add3A_94 = arith.addi %mul3A_92, %add3A_93 : i32
      %dma_wait3A_95 = arith.constant 0 : i32
      %dma_wait3A_96 = tpu.memref_slice %arg6[%add3A_94, %dma_wait3A_95] : memref<80x125xi32, #tpu.memory_space<vmem>> -> memref<1x125xi32, #tpu.memory_space<vmem>>
      %dma_wait3A_97 = tpu.memref_squeeze %dma_wait3A_96 : memref<1x125xi32, #tpu.memory_space<vmem>> -> memref<125xi32, #tpu.memory_space<vmem>>
      %dma_wait3A_98 = arith.constant 0 : i32
      %dma_wait3A_99 = arith.constant 0 : i32
      %dma_wait3A_100 = tpu.memref_slice %arg2[%dma_wait3A_98, %dma_wait3A_99] : memref<10240x40xf32, #tpu.memory_space<hbm>> -> memref<10240x40xf32, #tpu.memory_space<hbm>>
      tpu.wait_indirect_dma semaphore(%arg18 : memref<!tpu.dma_semaphore, #tpu.memory_space<semaphore_mem>>) src(%dma_wait3A_100 : memref<10240x40xf32, #tpu.memory_space<hbm>>) dst(%arg9 : memref<125x40xf32, #tpu.memory_space<vmem>>)
      %dma_start3A_101 = arith.constant 0 : i32
      %dma_start3A_102 = tpu.memref_slice %arg7[%add3A_94, %dma_start3A_101] : memref<80x125xi32, #tpu.memory_space<vmem>> -> memref<1x125xi32, #tpu.memory_space<vmem>>
      %dma_start3A_103 = tpu.memref_squeeze %dma_start3A_102 : memref<1x125xi32, #tpu.memory_space<vmem>> -> memref<125xi32, #tpu.memory_space<vmem>>
      %dma_start3A_104 = arith.constant 0 : i32
      %dma_start3A_105 = arith.constant 0 : i32
      %dma_start3A_106 = tpu.memref_slice %arg16[%dma_start3A_104, %dma_start3A_105] : memref<10240x40xf32, #tpu.memory_space<vmem_shared>> -> memref<10240x40xf32, #tpu.memory_space<vmem_shared>>
      tpu.enqueue_indirect_dma source(%arg9 : memref<125x40xf32, #tpu.memory_space<vmem>>) target(%dma_start3A_106 : memref<10240x40xf32, #tpu.memory_space<vmem_shared>>) offsets(%dma_start3A_103 : memref<125xi32, #tpu.memory_space<vmem>>) semaphore(%arg26 : memref<!tpu.dma_semaphore, #tpu.memory_space<semaphore_mem>>) {add = true}
      %ge3A_107 = arith.constant 4 : i32
      %ge3A_108 = arith.cmpi sge, %add3A_94, %ge3A_107 : i32
      %convert_element_type3A_109 = arith.extui %ge3A_108 : i1 to i32
      %cond3A_110 = arith.constant 0 : i32
      %cond3A_111 = arith.cmpi ne, %convert_element_type3A_109, %cond3A_110 : i32
      scf.if %cond3A_111 {
        %sub3A = arith.constant 4 : i32
        %sub3A_287 = arith.subi %add3A_94, %sub3A : i32
        %dma_wait3A_288 = arith.constant 0 : i32
        %dma_wait3A_289 = tpu.memref_slice %arg7[%sub3A_287, %dma_wait3A_288] : memref<80x125xi32, #tpu.memory_space<vmem>> -> memref<1x125xi32, #tpu.memory_space<vmem>>
        %dma_wait3A_290 = tpu.memref_squeeze %dma_wait3A_289 : memref<1x125xi32, #tpu.memory_space<vmem>> -> memref<125xi32, #tpu.memory_space<vmem>>
        %dma_wait3A_291 = arith.constant 0 : i32
        %dma_wait3A_292 = arith.constant 0 : i32
        %dma_wait3A_293 = tpu.memref_slice %arg16[%dma_wait3A_291, %dma_wait3A_292] : memref<10240x40xf32, #tpu.memory_space<vmem_shared>> -> memref<10240x40xf32, #tpu.memory_space<vmem_shared>>
        tpu.wait_indirect_dma semaphore(%arg30 : memref<!tpu.dma_semaphore, #tpu.memory_space<semaphore_mem>>) src(%arg13 : memref<125x40xf32, #tpu.memory_space<vmem>>) dst(%dma_wait3A_293 : memref<10240x40xf32, #tpu.memory_space<vmem_shared>>)
      } else {
      }
      %add3A_112 = arith.constant 4 : i32
      %add3A_113 = arith.addi %add3A_94, %add3A_112 : i32
      %lt3A_114 = arith.constant 80 : i32
      %lt3A_115 = arith.cmpi slt, %add3A_113, %lt3A_114 : i32
      %convert_element_type3A_116 = arith.extui %lt3A_115 : i1 to i32
      %cond3A_117 = arith.constant 0 : i32
      %cond3A_118 = arith.cmpi ne, %convert_element_type3A_116, %cond3A_117 : i32
      scf.if %cond3A_118 {
        %add3A_287 = arith.constant 4 : i32
        %add3A_288 = arith.addi %add3A_94, %add3A_287 : i32
        %dma_start3A_289 = arith.constant 0 : i32
        %dma_start3A_290 = tpu.memref_slice %arg6[%add3A_288, %dma_start3A_289] : memref<80x125xi32, #tpu.memory_space<vmem>> -> memref<1x125xi32, #tpu.memory_space<vmem>>
        %dma_start3A_291 = tpu.memref_squeeze %dma_start3A_290 : memref<1x125xi32, #tpu.memory_space<vmem>> -> memref<125xi32, #tpu.memory_space<vmem>>
        %dma_start3A_292 = arith.constant 0 : i32
        %dma_start3A_293 = arith.constant 0 : i32
        %dma_start3A_294 = tpu.memref_slice %arg2[%dma_start3A_292, %dma_start3A_293] : memref<10240x40xf32, #tpu.memory_space<hbm>> -> memref<10240x40xf32, #tpu.memory_space<hbm>>
        tpu.enqueue_indirect_dma source(%dma_start3A_294 : memref<10240x40xf32, #tpu.memory_space<hbm>>) target(%arg13 : memref<125x40xf32, #tpu.memory_space<vmem>>) offsets(%dma_start3A_291 : memref<125xi32, #tpu.memory_space<vmem>>) semaphore(%arg22 : memref<!tpu.dma_semaphore, #tpu.memory_space<semaphore_mem>>)
      } else {
      }
      %mul3A_119 = arith.constant 8 : i32
      %mul3A_120 = arith.muli %mul3A_119, %scan3A_66 : i32
      %add3A_121 = arith.constant 2 : i32
      %add3A_122 = arith.addi %mul3A_120, %add3A_121 : i32
      %dma_wait3A_123 = arith.constant 0 : i32
      %dma_wait3A_124 = tpu.memref_slice %arg6[%add3A_122, %dma_wait3A_123] : memref<80x125xi32, #tpu.memory_space<vmem>> -> memref<1x125xi32, #tpu.memory_space<vmem>>
      %dma_wait3A_125 = tpu.memref_squeeze %dma_wait3A_124 : memref<1x125xi32, #tpu.memory_space<vmem>> -> memref<125xi32, #tpu.memory_space<vmem>>
      %dma_wait3A_126 = arith.constant 0 : i32
      %dma_wait3A_127 = arith.constant 0 : i32
      %dma_wait3A_128 = tpu.memref_slice %arg2[%dma_wait3A_126, %dma_wait3A_127] : memref<10240x40xf32, #tpu.memory_space<hbm>> -> memref<10240x40xf32, #tpu.memory_space<hbm>>
      tpu.wait_indirect_dma semaphore(%arg19 : memref<!tpu.dma_semaphore, #tpu.memory_space<semaphore_mem>>) src(%dma_wait3A_128 : memref<10240x40xf32, #tpu.memory_space<hbm>>) dst(%arg10 : memref<125x40xf32, #tpu.memory_space<vmem>>)
      %dma_start3A_129 = arith.constant 0 : i32
      %dma_start3A_130 = tpu.memref_slice %arg7[%add3A_122, %dma_start3A_129] : memref<80x125xi32, #tpu.memory_space<vmem>> -> memref<1x125xi32, #tpu.memory_space<vmem>>
      %dma_start3A_131 = tpu.memref_squeeze %dma_start3A_130 : memref<1x125xi32, #tpu.memory_space<vmem>> -> memref<125xi32, #tpu.memory_space<vmem>>
      %dma_start3A_132 = arith.constant 0 : i32
      %dma_start3A_133 = arith.constant 0 : i32
      %dma_start3A_134 = tpu.memref_slice %arg16[%dma_start3A_132, %dma_start3A_133] : memref<10240x40xf32, #tpu.memory_space<vmem_shared>> -> memref<10240x40xf32, #tpu.memory_space<vmem_shared>>
      tpu.enqueue_indirect_dma source(%arg10 : memref<125x40xf32, #tpu.memory_space<vmem>>) target(%dma_start3A_134 : memref<10240x40xf32, #tpu.memory_space<vmem_shared>>) offsets(%dma_start3A_131 : memref<125xi32, #tpu.memory_space<vmem>>) semaphore(%arg27 : memref<!tpu.dma_semaphore, #tpu.memory_space<semaphore_mem>>) {add = true}
      %ge3A_135 = arith.constant 4 : i32
      %ge3A_136 = arith.cmpi sge, %add3A_122, %ge3A_135 : i32
      %convert_element_type3A_137 = arith.extui %ge3A_136 : i1 to i32
      %cond3A_138 = arith.constant 0 : i32
      %cond3A_139 = arith.cmpi ne, %convert_element_type3A_137, %cond3A_138 : i32
      scf.if %cond3A_139 {
        %sub3A = arith.constant 4 : i32
        %sub3A_287 = arith.subi %add3A_122, %sub3A : i32
        %dma_wait3A_288 = arith.constant 0 : i32
        %dma_wait3A_289 = tpu.memref_slice %arg7[%sub3A_287, %dma_wait3A_288] : memref<80x125xi32, #tpu.memory_space<vmem>> -> memref<1x125xi32, #tpu.memory_space<vmem>>
        %dma_wait3A_290 = tpu.memref_squeeze %dma_wait3A_289 : memref<1x125xi32, #tpu.memory_space<vmem>> -> memref<125xi32, #tpu.memory_space<vmem>>
        %dma_wait3A_291 = arith.constant 0 : i32
        %dma_wait3A_292 = arith.constant 0 : i32
        %dma_wait3A_293 = tpu.memref_slice %arg16[%dma_wait3A_291, %dma_wait3A_292] : memref<10240x40xf32, #tpu.memory_space<vmem_shared>> -> memref<10240x40xf32, #tpu.memory_space<vmem_shared>>
        tpu.wait_indirect_dma semaphore(%arg31 : memref<!tpu.dma_semaphore, #tpu.memory_space<semaphore_mem>>) src(%arg14 : memref<125x40xf32, #tpu.memory_space<vmem>>) dst(%dma_wait3A_293 : memref<10240x40xf32, #tpu.memory_space<vmem_shared>>)
      } else {
      }
      %add3A_140 = arith.constant 4 : i32
      %add3A_141 = arith.addi %add3A_122, %add3A_140 : i32
      %lt3A_142 = arith.constant 80 : i32
      %lt3A_143 = arith.cmpi slt, %add3A_141, %lt3A_142 : i32
      %convert_element_type3A_144 = arith.extui %lt3A_143 : i1 to i32
      %cond3A_145 = arith.constant 0 : i32
      %cond3A_146 = arith.cmpi ne, %convert_element_type3A_144, %cond3A_145 : i32
      scf.if %cond3A_146 {
        %add3A_287 = arith.constant 4 : i32
        %add3A_288 = arith.addi %add3A_122, %add3A_287 : i32
        %dma_start3A_289 = arith.constant 0 : i32
        %dma_start3A_290 = tpu.memref_slice %arg6[%add3A_288, %dma_start3A_289] : memref<80x125xi32, #tpu.memory_space<vmem>> -> memref<1x125xi32, #tpu.memory_space<vmem>>
        %dma_start3A_291 = tpu.memref_squeeze %dma_start3A_290 : memref<1x125xi32, #tpu.memory_space<vmem>> -> memref<125xi32, #tpu.memory_space<vmem>>
        %dma_start3A_292 = arith.constant 0 : i32
        %dma_start3A_293 = arith.constant 0 : i32
        %dma_start3A_294 = tpu.memref_slice %arg2[%dma_start3A_292, %dma_start3A_293] : memref<10240x40xf32, #tpu.memory_space<hbm>> -> memref<10240x40xf32, #tpu.memory_space<hbm>>
        tpu.enqueue_indirect_dma source(%dma_start3A_294 : memref<10240x40xf32, #tpu.memory_space<hbm>>) target(%arg14 : memref<125x40xf32, #tpu.memory_space<vmem>>) offsets(%dma_start3A_291 : memref<125xi32, #tpu.memory_space<vmem>>) semaphore(%arg23 : memref<!tpu.dma_semaphore, #tpu.memory_space<semaphore_mem>>)
      } else {
      }
      %mul3A_147 = arith.constant 8 : i32
      %mul3A_148 = arith.muli %mul3A_147, %scan3A_66 : i32
      %add3A_149 = arith.constant 3 : i32
      %add3A_150 = arith.addi %mul3A_148, %add3A_149 : i32
      %dma_wait3A_151 = arith.constant 0 : i32
      %dma_wait3A_152 = tpu.memref_slice %arg6[%add3A_150, %dma_wait3A_151] : memref<80x125xi32, #tpu.memory_space<vmem>> -> memref<1x125xi32, #tpu.memory_space<vmem>>
      %dma_wait3A_153 = tpu.memref_squeeze %dma_wait3A_152 : memref<1x125xi32, #tpu.memory_space<vmem>> -> memref<125xi32, #tpu.memory_space<vmem>>
      %dma_wait3A_154 = arith.constant 0 : i32
      %dma_wait3A_155 = arith.constant 0 : i32
      %dma_wait3A_156 = tpu.memref_slice %arg2[%dma_wait3A_154, %dma_wait3A_155] : memref<10240x40xf32, #tpu.memory_space<hbm>> -> memref<10240x40xf32, #tpu.memory_space<hbm>>
      tpu.wait_indirect_dma semaphore(%arg20 : memref<!tpu.dma_semaphore, #tpu.memory_space<semaphore_mem>>) src(%dma_wait3A_156 : memref<10240x40xf32, #tpu.memory_space<hbm>>) dst(%arg11 : memref<125x40xf32, #tpu.memory_space<vmem>>)
      %dma_start3A_157 = arith.constant 0 : i32
      %dma_start3A_158 = tpu.memref_slice %arg7[%add3A_150, %dma_start3A_157] : memref<80x125xi32, #tpu.memory_space<vmem>> -> memref<1x125xi32, #tpu.memory_space<vmem>>
      %dma_start3A_159 = tpu.memref_squeeze %dma_start3A_158 : memref<1x125xi32, #tpu.memory_space<vmem>> -> memref<125xi32, #tpu.memory_space<vmem>>
      %dma_start3A_160 = arith.constant 0 : i32
      %dma_start3A_161 = arith.constant 0 : i32
      %dma_start3A_162 = tpu.memref_slice %arg16[%dma_start3A_160, %dma_start3A_161] : memref<10240x40xf32, #tpu.memory_space<vmem_shared>> -> memref<10240x40xf32, #tpu.memory_space<vmem_shared>>
      tpu.enqueue_indirect_dma source(%arg11 : memref<125x40xf32, #tpu.memory_space<vmem>>) target(%dma_start3A_162 : memref<10240x40xf32, #tpu.memory_space<vmem_shared>>) offsets(%dma_start3A_159 : memref<125xi32, #tpu.memory_space<vmem>>) semaphore(%arg28 : memref<!tpu.dma_semaphore, #tpu.memory_space<semaphore_mem>>) {add = true}
      %ge3A_163 = arith.constant 4 : i32
      %ge3A_164 = arith.cmpi sge, %add3A_150, %ge3A_163 : i32
      %convert_element_type3A_165 = arith.extui %ge3A_164 : i1 to i32
      %cond3A_166 = arith.constant 0 : i32
      %cond3A_167 = arith.cmpi ne, %convert_element_type3A_165, %cond3A_166 : i32
      scf.if %cond3A_167 {
        %sub3A = arith.constant 4 : i32
        %sub3A_287 = arith.subi %add3A_150, %sub3A : i32
        %dma_wait3A_288 = arith.constant 0 : i32
        %dma_wait3A_289 = tpu.memref_slice %arg7[%sub3A_287, %dma_wait3A_288] : memref<80x125xi32, #tpu.memory_space<vmem>> -> memref<1x125xi32, #tpu.memory_space<vmem>>
        %dma_wait3A_290 = tpu.memref_squeeze %dma_wait3A_289 : memref<1x125xi32, #tpu.memory_space<vmem>> -> memref<125xi32, #tpu.memory_space<vmem>>
        %dma_wait3A_291 = arith.constant 0 : i32
        %dma_wait3A_292 = arith.constant 0 : i32
        %dma_wait3A_293 = tpu.memref_slice %arg16[%dma_wait3A_291, %dma_wait3A_292] : memref<10240x40xf32, #tpu.memory_space<vmem_shared>> -> memref<10240x40xf32, #tpu.memory_space<vmem_shared>>
        tpu.wait_indirect_dma semaphore(%arg32 : memref<!tpu.dma_semaphore, #tpu.memory_space<semaphore_mem>>) src(%arg15 : memref<125x40xf32, #tpu.memory_space<vmem>>) dst(%dma_wait3A_293 : memref<10240x40xf32, #tpu.memory_space<vmem_shared>>)
      } else {
      }
      %add3A_168 = arith.constant 4 : i32
      %add3A_169 = arith.addi %add3A_150, %add3A_168 : i32
      %lt3A_170 = arith.constant 80 : i32
      %lt3A_171 = arith.cmpi slt, %add3A_169, %lt3A_170 : i32
      %convert_element_type3A_172 = arith.extui %lt3A_171 : i1 to i32
      %cond3A_173 = arith.constant 0 : i32
      %cond3A_174 = arith.cmpi ne, %convert_element_type3A_172, %cond3A_173 : i32
      scf.if %cond3A_174 {
        %add3A_287 = arith.constant 4 : i32
        %add3A_288 = arith.addi %add3A_150, %add3A_287 : i32
        %dma_start3A_289 = arith.constant 0 : i32
        %dma_start3A_290 = tpu.memref_slice %arg6[%add3A_288, %dma_start3A_289] : memref<80x125xi32, #tpu.memory_space<vmem>> -> memref<1x125xi32, #tpu.memory_space<vmem>>
        %dma_start3A_291 = tpu.memref_squeeze %dma_start3A_290 : memref<1x125xi32, #tpu.memory_space<vmem>> -> memref<125xi32, #tpu.memory_space<vmem>>
        %dma_start3A_292 = arith.constant 0 : i32
        %dma_start3A_293 = arith.constant 0 : i32
        %dma_start3A_294 = tpu.memref_slice %arg2[%dma_start3A_292, %dma_start3A_293] : memref<10240x40xf32, #tpu.memory_space<hbm>> -> memref<10240x40xf32, #tpu.memory_space<hbm>>
        tpu.enqueue_indirect_dma source(%dma_start3A_294 : memref<10240x40xf32, #tpu.memory_space<hbm>>) target(%arg15 : memref<125x40xf32, #tpu.memory_space<vmem>>) offsets(%dma_start3A_291 : memref<125xi32, #tpu.memory_space<vmem>>) semaphore(%arg24 : memref<!tpu.dma_semaphore, #tpu.memory_space<semaphore_mem>>)
      } else {
      }
      %mul3A_175 = arith.constant 8 : i32
      %mul3A_176 = arith.muli %mul3A_175, %scan3A_66 : i32
      %add3A_177 = arith.constant 4 : i32
      %add3A_178 = arith.addi %mul3A_176, %add3A_177 : i32
      %dma_wait3A_179 = arith.constant 0 : i32
      %dma_wait3A_180 = tpu.memref_slice %arg6[%add3A_178, %dma_wait3A_179] : memref<80x125xi32, #tpu.memory_space<vmem>> -> memref<1x125xi32, #tpu.memory_space<vmem>>
      %dma_wait3A_181 = tpu.memref_squeeze %dma_wait3A_180 : memref<1x125xi32, #tpu.memory_space<vmem>> -> memref<125xi32, #tpu.memory_space<vmem>>
      %dma_wait3A_182 = arith.constant 0 : i32
      %dma_wait3A_183 = arith.constant 0 : i32
      %dma_wait3A_184 = tpu.memref_slice %arg2[%dma_wait3A_182, %dma_wait3A_183] : memref<10240x40xf32, #tpu.memory_space<hbm>> -> memref<10240x40xf32, #tpu.memory_space<hbm>>
      tpu.wait_indirect_dma semaphore(%arg21 : memref<!tpu.dma_semaphore, #tpu.memory_space<semaphore_mem>>) src(%dma_wait3A_184 : memref<10240x40xf32, #tpu.memory_space<hbm>>) dst(%arg12 : memref<125x40xf32, #tpu.memory_space<vmem>>)
      %dma_start3A_185 = arith.constant 0 : i32
      %dma_start3A_186 = tpu.memref_slice %arg7[%add3A_178, %dma_start3A_185] : memref<80x125xi32, #tpu.memory_space<vmem>> -> memref<1x125xi32, #tpu.memory_space<vmem>>
      %dma_start3A_187 = tpu.memref_squeeze %dma_start3A_186 : memref<1x125xi32, #tpu.memory_space<vmem>> -> memref<125xi32, #tpu.memory_space<vmem>>
      %dma_start3A_188 = arith.constant 0 : i32
      %dma_start3A_189 = arith.constant 0 : i32
      %dma_start3A_190 = tpu.memref_slice %arg16[%dma_start3A_188, %dma_start3A_189] : memref<10240x40xf32, #tpu.memory_space<vmem_shared>> -> memref<10240x40xf32, #tpu.memory_space<vmem_shared>>
      tpu.enqueue_indirect_dma source(%arg12 : memref<125x40xf32, #tpu.memory_space<vmem>>) target(%dma_start3A_190 : memref<10240x40xf32, #tpu.memory_space<vmem_shared>>) offsets(%dma_start3A_187 : memref<125xi32, #tpu.memory_space<vmem>>) semaphore(%arg29 : memref<!tpu.dma_semaphore, #tpu.memory_space<semaphore_mem>>) {add = true}
      %ge3A_191 = arith.constant 4 : i32
      %ge3A_192 = arith.cmpi sge, %add3A_178, %ge3A_191 : i32
      %convert_element_type3A_193 = arith.extui %ge3A_192 : i1 to i32
      %cond3A_194 = arith.constant 0 : i32
      %cond3A_195 = arith.cmpi ne, %convert_element_type3A_193, %cond3A_194 : i32
      scf.if %cond3A_195 {
        %sub3A = arith.constant 4 : i32
        %sub3A_287 = arith.subi %add3A_178, %sub3A : i32
        %dma_wait3A_288 = arith.constant 0 : i32
        %dma_wait3A_289 = tpu.memref_slice %arg7[%sub3A_287, %dma_wait3A_288] : memref<80x125xi32, #tpu.memory_space<vmem>> -> memref<1x125xi32, #tpu.memory_space<vmem>>
        %dma_wait3A_290 = tpu.memref_squeeze %dma_wait3A_289 : memref<1x125xi32, #tpu.memory_space<vmem>> -> memref<125xi32, #tpu.memory_space<vmem>>
        %dma_wait3A_291 = arith.constant 0 : i32
        %dma_wait3A_292 = arith.constant 0 : i32
        %dma_wait3A_293 = tpu.memref_slice %arg16[%dma_wait3A_291, %dma_wait3A_292] : memref<10240x40xf32, #tpu.memory_space<vmem_shared>> -> memref<10240x40xf32, #tpu.memory_space<vmem_shared>>
        tpu.wait_indirect_dma semaphore(%arg25 : memref<!tpu.dma_semaphore, #tpu.memory_space<semaphore_mem>>) src(%arg8 : memref<125x40xf32, #tpu.memory_space<vmem>>) dst(%dma_wait3A_293 : memref<10240x40xf32, #tpu.memory_space<vmem_shared>>)
      } else {
      }
      %add3A_196 = arith.constant 4 : i32
      %add3A_197 = arith.addi %add3A_178, %add3A_196 : i32
      %lt3A_198 = arith.constant 80 : i32
      %lt3A_199 = arith.cmpi slt, %add3A_197, %lt3A_198 : i32
      %convert_element_type3A_200 = arith.extui %lt3A_199 : i1 to i32
      %cond3A_201 = arith.constant 0 : i32
      %cond3A_202 = arith.cmpi ne, %convert_element_type3A_200, %cond3A_201 : i32
      scf.if %cond3A_202 {
        %add3A_287 = arith.constant 4 : i32
        %add3A_288 = arith.addi %add3A_178, %add3A_287 : i32
        %dma_start3A_289 = arith.constant 0 : i32
        %dma_start3A_290 = tpu.memref_slice %arg6[%add3A_288, %dma_start3A_289] : memref<80x125xi32, #tpu.memory_space<vmem>> -> memref<1x125xi32, #tpu.memory_space<vmem>>
        %dma_start3A_291 = tpu.memref_squeeze %dma_start3A_290 : memref<1x125xi32, #tpu.memory_space<vmem>> -> memref<125xi32, #tpu.memory_space<vmem>>
        %dma_start3A_292 = arith.constant 0 : i32
        %dma_start3A_293 = arith.constant 0 : i32
        %dma_start3A_294 = tpu.memref_slice %arg2[%dma_start3A_292, %dma_start3A_293] : memref<10240x40xf32, #tpu.memory_space<hbm>> -> memref<10240x40xf32, #tpu.memory_space<hbm>>
        tpu.enqueue_indirect_dma source(%dma_start3A_294 : memref<10240x40xf32, #tpu.memory_space<hbm>>) target(%arg8 : memref<125x40xf32, #tpu.memory_space<vmem>>) offsets(%dma_start3A_291 : memref<125xi32, #tpu.memory_space<vmem>>) semaphore(%arg17 : memref<!tpu.dma_semaphore, #tpu.memory_space<semaphore_mem>>)
      } else {
      }
      %mul3A_203 = arith.constant 8 : i32
      %mul3A_204 = arith.muli %mul3A_203, %scan3A_66 : i32
      %add3A_205 = arith.constant 5 : i32
      %add3A_206 = arith.addi %mul3A_204, %add3A_205 : i32
      %dma_wait3A_207 = arith.constant 0 : i32
      %dma_wait3A_208 = tpu.memref_slice %arg6[%add3A_206, %dma_wait3A_207] : memref<80x125xi32, #tpu.memory_space<vmem>> -> memref<1x125xi32, #tpu.memory_space<vmem>>
      %dma_wait3A_209 = tpu.memref_squeeze %dma_wait3A_208 : memref<1x125xi32, #tpu.memory_space<vmem>> -> memref<125xi32, #tpu.memory_space<vmem>>
      %dma_wait3A_210 = arith.constant 0 : i32
      %dma_wait3A_211 = arith.constant 0 : i32
      %dma_wait3A_212 = tpu.memref_slice %arg2[%dma_wait3A_210, %dma_wait3A_211] : memref<10240x40xf32, #tpu.memory_space<hbm>> -> memref<10240x40xf32, #tpu.memory_space<hbm>>
      tpu.wait_indirect_dma semaphore(%arg22 : memref<!tpu.dma_semaphore, #tpu.memory_space<semaphore_mem>>) src(%dma_wait3A_212 : memref<10240x40xf32, #tpu.memory_space<hbm>>) dst(%arg13 : memref<125x40xf32, #tpu.memory_space<vmem>>)
      %dma_start3A_213 = arith.constant 0 : i32
      %dma_start3A_214 = tpu.memref_slice %arg7[%add3A_206, %dma_start3A_213] : memref<80x125xi32, #tpu.memory_space<vmem>> -> memref<1x125xi32, #tpu.memory_space<vmem>>
      %dma_start3A_215 = tpu.memref_squeeze %dma_start3A_214 : memref<1x125xi32, #tpu.memory_space<vmem>> -> memref<125xi32, #tpu.memory_space<vmem>>
      %dma_start3A_216 = arith.constant 0 : i32
      %dma_start3A_217 = arith.constant 0 : i32
      %dma_start3A_218 = tpu.memref_slice %arg16[%dma_start3A_216, %dma_start3A_217] : memref<10240x40xf32, #tpu.memory_space<vmem_shared>> -> memref<10240x40xf32, #tpu.memory_space<vmem_shared>>
      tpu.enqueue_indirect_dma source(%arg13 : memref<125x40xf32, #tpu.memory_space<vmem>>) target(%dma_start3A_218 : memref<10240x40xf32, #tpu.memory_space<vmem_shared>>) offsets(%dma_start3A_215 : memref<125xi32, #tpu.memory_space<vmem>>) semaphore(%arg30 : memref<!tpu.dma_semaphore, #tpu.memory_space<semaphore_mem>>) {add = true}
      %ge3A_219 = arith.constant 4 : i32
      %ge3A_220 = arith.cmpi sge, %add3A_206, %ge3A_219 : i32
      %convert_element_type3A_221 = arith.extui %ge3A_220 : i1 to i32
      %cond3A_222 = arith.constant 0 : i32
      %cond3A_223 = arith.cmpi ne, %convert_element_type3A_221, %cond3A_222 : i32
      scf.if %cond3A_223 {
        %sub3A = arith.constant 4 : i32
        %sub3A_287 = arith.subi %add3A_206, %sub3A : i32
        %dma_wait3A_288 = arith.constant 0 : i32
        %dma_wait3A_289 = tpu.memref_slice %arg7[%sub3A_287, %dma_wait3A_288] : memref<80x125xi32, #tpu.memory_space<vmem>> -> memref<1x125xi32, #tpu.memory_space<vmem>>
        %dma_wait3A_290 = tpu.memref_squeeze %dma_wait3A_289 : memref<1x125xi32, #tpu.memory_space<vmem>> -> memref<125xi32, #tpu.memory_space<vmem>>
        %dma_wait3A_291 = arith.constant 0 : i32
        %dma_wait3A_292 = arith.constant 0 : i32
        %dma_wait3A_293 = tpu.memref_slice %arg16[%dma_wait3A_291, %dma_wait3A_292] : memref<10240x40xf32, #tpu.memory_space<vmem_shared>> -> memref<10240x40xf32, #tpu.memory_space<vmem_shared>>
        tpu.wait_indirect_dma semaphore(%arg26 : memref<!tpu.dma_semaphore, #tpu.memory_space<semaphore_mem>>) src(%arg9 : memref<125x40xf32, #tpu.memory_space<vmem>>) dst(%dma_wait3A_293 : memref<10240x40xf32, #tpu.memory_space<vmem_shared>>)
      } else {
      }
      %add3A_224 = arith.constant 4 : i32
      %add3A_225 = arith.addi %add3A_206, %add3A_224 : i32
      %lt3A_226 = arith.constant 80 : i32
      %lt3A_227 = arith.cmpi slt, %add3A_225, %lt3A_226 : i32
      %convert_element_type3A_228 = arith.extui %lt3A_227 : i1 to i32
      %cond3A_229 = arith.constant 0 : i32
      %cond3A_230 = arith.cmpi ne, %convert_element_type3A_228, %cond3A_229 : i32
      scf.if %cond3A_230 {
        %add3A_287 = arith.constant 4 : i32
        %add3A_288 = arith.addi %add3A_206, %add3A_287 : i32
        %dma_start3A_289 = arith.constant 0 : i32
        %dma_start3A_290 = tpu.memref_slice %arg6[%add3A_288, %dma_start3A_289] : memref<80x125xi32, #tpu.memory_space<vmem>> -> memref<1x125xi32, #tpu.memory_space<vmem>>
        %dma_start3A_291 = tpu.memref_squeeze %dma_start3A_290 : memref<1x125xi32, #tpu.memory_space<vmem>> -> memref<125xi32, #tpu.memory_space<vmem>>
        %dma_start3A_292 = arith.constant 0 : i32
        %dma_start3A_293 = arith.constant 0 : i32
        %dma_start3A_294 = tpu.memref_slice %arg2[%dma_start3A_292, %dma_start3A_293] : memref<10240x40xf32, #tpu.memory_space<hbm>> -> memref<10240x40xf32, #tpu.memory_space<hbm>>
        tpu.enqueue_indirect_dma source(%dma_start3A_294 : memref<10240x40xf32, #tpu.memory_space<hbm>>) target(%arg9 : memref<125x40xf32, #tpu.memory_space<vmem>>) offsets(%dma_start3A_291 : memref<125xi32, #tpu.memory_space<vmem>>) semaphore(%arg18 : memref<!tpu.dma_semaphore, #tpu.memory_space<semaphore_mem>>)
      } else {
      }
      %mul3A_231 = arith.constant 8 : i32
      %mul3A_232 = arith.muli %mul3A_231, %scan3A_66 : i32
      %add3A_233 = arith.constant 6 : i32
      %add3A_234 = arith.addi %mul3A_232, %add3A_233 : i32
      %dma_wait3A_235 = arith.constant 0 : i32
      %dma_wait3A_236 = tpu.memref_slice %arg6[%add3A_234, %dma_wait3A_235] : memref<80x125xi32, #tpu.memory_space<vmem>> -> memref<1x125xi32, #tpu.memory_space<vmem>>
      %dma_wait3A_237 = tpu.memref_squeeze %dma_wait3A_236 : memref<1x125xi32, #tpu.memory_space<vmem>> -> memref<125xi32, #tpu.memory_space<vmem>>
      %dma_wait3A_238 = arith.constant 0 : i32
      %dma_wait3A_239 = arith.constant 0 : i32
      %dma_wait3A_240 = tpu.memref_slice %arg2[%dma_wait3A_238, %dma_wait3A_239] : memref<10240x40xf32, #tpu.memory_space<hbm>> -> memref<10240x40xf32, #tpu.memory_space<hbm>>
      tpu.wait_indirect_dma semaphore(%arg23 : memref<!tpu.dma_semaphore, #tpu.memory_space<semaphore_mem>>) src(%dma_wait3A_240 : memref<10240x40xf32, #tpu.memory_space<hbm>>) dst(%arg14 : memref<125x40xf32, #tpu.memory_space<vmem>>)
      %dma_start3A_241 = arith.constant 0 : i32
      %dma_start3A_242 = tpu.memref_slice %arg7[%add3A_234, %dma_start3A_241] : memref<80x125xi32, #tpu.memory_space<vmem>> -> memref<1x125xi32, #tpu.memory_space<vmem>>
      %dma_start3A_243 = tpu.memref_squeeze %dma_start3A_242 : memref<1x125xi32, #tpu.memory_space<vmem>> -> memref<125xi32, #tpu.memory_space<vmem>>
      %dma_start3A_244 = arith.constant 0 : i32
      %dma_start3A_245 = arith.constant 0 : i32
      %dma_start3A_246 = tpu.memref_slice %arg16[%dma_start3A_244, %dma_start3A_245] : memref<10240x40xf32, #tpu.memory_space<vmem_shared>> -> memref<10240x40xf32, #tpu.memory_space<vmem_shared>>
      tpu.enqueue_indirect_dma source(%arg14 : memref<125x40xf32, #tpu.memory_space<vmem>>) target(%dma_start3A_246 : memref<10240x40xf32, #tpu.memory_space<vmem_shared>>) offsets(%dma_start3A_243 : memref<125xi32, #tpu.memory_space<vmem>>) semaphore(%arg31 : memref<!tpu.dma_semaphore, #tpu.memory_space<semaphore_mem>>) {add = true}
      %ge3A_247 = arith.constant 4 : i32
      %ge3A_248 = arith.cmpi sge, %add3A_234, %ge3A_247 : i32
      %convert_element_type3A_249 = arith.extui %ge3A_248 : i1 to i32
      %cond3A_250 = arith.constant 0 : i32
      %cond3A_251 = arith.cmpi ne, %convert_element_type3A_249, %cond3A_250 : i32
      scf.if %cond3A_251 {
        %sub3A = arith.constant 4 : i32
        %sub3A_287 = arith.subi %add3A_234, %sub3A : i32
        %dma_wait3A_288 = arith.constant 0 : i32
        %dma_wait3A_289 = tpu.memref_slice %arg7[%sub3A_287, %dma_wait3A_288] : memref<80x125xi32, #tpu.memory_space<vmem>> -> memref<1x125xi32, #tpu.memory_space<vmem>>
        %dma_wait3A_290 = tpu.memref_squeeze %dma_wait3A_289 : memref<1x125xi32, #tpu.memory_space<vmem>> -> memref<125xi32, #tpu.memory_space<vmem>>
        %dma_wait3A_291 = arith.constant 0 : i32
        %dma_wait3A_292 = arith.constant 0 : i32
        %dma_wait3A_293 = tpu.memref_slice %arg16[%dma_wait3A_291, %dma_wait3A_292] : memref<10240x40xf32, #tpu.memory_space<vmem_shared>> -> memref<10240x40xf32, #tpu.memory_space<vmem_shared>>
        tpu.wait_indirect_dma semaphore(%arg27 : memref<!tpu.dma_semaphore, #tpu.memory_space<semaphore_mem>>) src(%arg10 : memref<125x40xf32, #tpu.memory_space<vmem>>) dst(%dma_wait3A_293 : memref<10240x40xf32, #tpu.memory_space<vmem_shared>>)
      } else {
      }
      %add3A_252 = arith.constant 4 : i32
      %add3A_253 = arith.addi %add3A_234, %add3A_252 : i32
      %lt3A_254 = arith.constant 80 : i32
      %lt3A_255 = arith.cmpi slt, %add3A_253, %lt3A_254 : i32
      %convert_element_type3A_256 = arith.extui %lt3A_255 : i1 to i32
      %cond3A_257 = arith.constant 0 : i32
      %cond3A_258 = arith.cmpi ne, %convert_element_type3A_256, %cond3A_257 : i32
      scf.if %cond3A_258 {
        %add3A_287 = arith.constant 4 : i32
        %add3A_288 = arith.addi %add3A_234, %add3A_287 : i32
        %dma_start3A_289 = arith.constant 0 : i32
        %dma_start3A_290 = tpu.memref_slice %arg6[%add3A_288, %dma_start3A_289] : memref<80x125xi32, #tpu.memory_space<vmem>> -> memref<1x125xi32, #tpu.memory_space<vmem>>
        %dma_start3A_291 = tpu.memref_squeeze %dma_start3A_290 : memref<1x125xi32, #tpu.memory_space<vmem>> -> memref<125xi32, #tpu.memory_space<vmem>>
        %dma_start3A_292 = arith.constant 0 : i32
        %dma_start3A_293 = arith.constant 0 : i32
        %dma_start3A_294 = tpu.memref_slice %arg2[%dma_start3A_292, %dma_start3A_293] : memref<10240x40xf32, #tpu.memory_space<hbm>> -> memref<10240x40xf32, #tpu.memory_space<hbm>>
        tpu.enqueue_indirect_dma source(%dma_start3A_294 : memref<10240x40xf32, #tpu.memory_space<hbm>>) target(%arg10 : memref<125x40xf32, #tpu.memory_space<vmem>>) offsets(%dma_start3A_291 : memref<125xi32, #tpu.memory_space<vmem>>) semaphore(%arg19 : memref<!tpu.dma_semaphore, #tpu.memory_space<semaphore_mem>>)
      } else {
      }
      %mul3A_259 = arith.constant 8 : i32
      %mul3A_260 = arith.muli %mul3A_259, %scan3A_66 : i32
      %add3A_261 = arith.constant 7 : i32
      %add3A_262 = arith.addi %mul3A_260, %add3A_261 : i32
      %dma_wait3A_263 = arith.constant 0 : i32
      %dma_wait3A_264 = tpu.memref_slice %arg6[%add3A_262, %dma_wait3A_263] : memref<80x125xi32, #tpu.memory_space<vmem>> -> memref<1x125xi32, #tpu.memory_space<vmem>>
      %dma_wait3A_265 = tpu.memref_squeeze %dma_wait3A_264 : memref<1x125xi32, #tpu.memory_space<vmem>> -> memref<125xi32, #tpu.memory_space<vmem>>
      %dma_wait3A_266 = arith.constant 0 : i32
      %dma_wait3A_267 = arith.constant 0 : i32
      %dma_wait3A_268 = tpu.memref_slice %arg2[%dma_wait3A_266, %dma_wait3A_267] : memref<10240x40xf32, #tpu.memory_space<hbm>> -> memref<10240x40xf32, #tpu.memory_space<hbm>>
      tpu.wait_indirect_dma semaphore(%arg24 : memref<!tpu.dma_semaphore, #tpu.memory_space<semaphore_mem>>) src(%dma_wait3A_268 : memref<10240x40xf32, #tpu.memory_space<hbm>>) dst(%arg15 : memref<125x40xf32, #tpu.memory_space<vmem>>)
      %dma_start3A_269 = arith.constant 0 : i32
      %dma_start3A_270 = tpu.memref_slice %arg7[%add3A_262, %dma_start3A_269] : memref<80x125xi32, #tpu.memory_space<vmem>> -> memref<1x125xi32, #tpu.memory_space<vmem>>
      %dma_start3A_271 = tpu.memref_squeeze %dma_start3A_270 : memref<1x125xi32, #tpu.memory_space<vmem>> -> memref<125xi32, #tpu.memory_space<vmem>>
      %dma_start3A_272 = arith.constant 0 : i32
      %dma_start3A_273 = arith.constant 0 : i32
      %dma_start3A_274 = tpu.memref_slice %arg16[%dma_start3A_272, %dma_start3A_273] : memref<10240x40xf32, #tpu.memory_space<vmem_shared>> -> memref<10240x40xf32, #tpu.memory_space<vmem_shared>>
      tpu.enqueue_indirect_dma source(%arg15 : memref<125x40xf32, #tpu.memory_space<vmem>>) target(%dma_start3A_274 : memref<10240x40xf32, #tpu.memory_space<vmem_shared>>) offsets(%dma_start3A_271 : memref<125xi32, #tpu.memory_space<vmem>>) semaphore(%arg32 : memref<!tpu.dma_semaphore, #tpu.memory_space<semaphore_mem>>) {add = true}
      %ge3A_275 = arith.constant 4 : i32
      %ge3A_276 = arith.cmpi sge, %add3A_262, %ge3A_275 : i32
      %convert_element_type3A_277 = arith.extui %ge3A_276 : i1 to i32
      %cond3A_278 = arith.constant 0 : i32
      %cond3A_279 = arith.cmpi ne, %convert_element_type3A_277, %cond3A_278 : i32
      scf.if %cond3A_279 {
        %sub3A = arith.constant 4 : i32
        %sub3A_287 = arith.subi %add3A_262, %sub3A : i32
        %dma_wait3A_288 = arith.constant 0 : i32
        %dma_wait3A_289 = tpu.memref_slice %arg7[%sub3A_287, %dma_wait3A_288] : memref<80x125xi32, #tpu.memory_space<vmem>> -> memref<1x125xi32, #tpu.memory_space<vmem>>
        %dma_wait3A_290 = tpu.memref_squeeze %dma_wait3A_289 : memref<1x125xi32, #tpu.memory_space<vmem>> -> memref<125xi32, #tpu.memory_space<vmem>>
        %dma_wait3A_291 = arith.constant 0 : i32
        %dma_wait3A_292 = arith.constant 0 : i32
        %dma_wait3A_293 = tpu.memref_slice %arg16[%dma_wait3A_291, %dma_wait3A_292] : memref<10240x40xf32, #tpu.memory_space<vmem_shared>> -> memref<10240x40xf32, #tpu.memory_space<vmem_shared>>
        tpu.wait_indirect_dma semaphore(%arg28 : memref<!tpu.dma_semaphore, #tpu.memory_space<semaphore_mem>>) src(%arg11 : memref<125x40xf32, #tpu.memory_space<vmem>>) dst(%dma_wait3A_293 : memref<10240x40xf32, #tpu.memory_space<vmem_shared>>)
      } else {
      }
      %add3A_280 = arith.constant 4 : i32
      %add3A_281 = arith.addi %add3A_262, %add3A_280 : i32
      %lt3A_282 = arith.constant 80 : i32
      %lt3A_283 = arith.cmpi slt, %add3A_281, %lt3A_282 : i32
      %convert_element_type3A_284 = arith.extui %lt3A_283 : i1 to i32
      %cond3A_285 = arith.constant 0 : i32
      %cond3A_286 = arith.cmpi ne, %convert_element_type3A_284, %cond3A_285 : i32
      scf.if %cond3A_286 {
        %add3A_287 = arith.constant 4 : i32
        %add3A_288 = arith.addi %add3A_262, %add3A_287 : i32
        %dma_start3A_289 = arith.constant 0 : i32
        %dma_start3A_290 = tpu.memref_slice %arg6[%add3A_288, %dma_start3A_289] : memref<80x125xi32, #tpu.memory_space<vmem>> -> memref<1x125xi32, #tpu.memory_space<vmem>>
        %dma_start3A_291 = tpu.memref_squeeze %dma_start3A_290 : memref<1x125xi32, #tpu.memory_space<vmem>> -> memref<125xi32, #tpu.memory_space<vmem>>
        %dma_start3A_292 = arith.constant 0 : i32
        %dma_start3A_293 = arith.constant 0 : i32
        %dma_start3A_294 = tpu.memref_slice %arg2[%dma_start3A_292, %dma_start3A_293] : memref<10240x40xf32, #tpu.memory_space<hbm>> -> memref<10240x40xf32, #tpu.memory_space<hbm>>
        tpu.enqueue_indirect_dma source(%dma_start3A_294 : memref<10240x40xf32, #tpu.memory_space<hbm>>) target(%arg11 : memref<125x40xf32, #tpu.memory_space<vmem>>) offsets(%dma_start3A_291 : memref<125xi32, #tpu.memory_space<vmem>>) semaphore(%arg20 : memref<!tpu.dma_semaphore, #tpu.memory_space<semaphore_mem>>)
      } else {
      }
    }
    %scan3A_35 = arith.constant 10 : i32
    %dma_wait3A = arith.constant 76 : i32
    %dma_wait3A_36 = arith.constant 0 : i32
    %dma_wait3A_37 = tpu.memref_slice %arg7[%dma_wait3A, %dma_wait3A_36] : memref<80x125xi32, #tpu.memory_space<vmem>> -> memref<1x125xi32, #tpu.memory_space<vmem>>
    %dma_wait3A_38 = tpu.memref_squeeze %dma_wait3A_37 : memref<1x125xi32, #tpu.memory_space<vmem>> -> memref<125xi32, #tpu.memory_space<vmem>>
    %dma_wait3A_39 = arith.constant 0 : i32
    %dma_wait3A_40 = arith.constant 0 : i32
    %dma_wait3A_41 = tpu.memref_slice %arg16[%dma_wait3A_39, %dma_wait3A_40] : memref<10240x40xf32, #tpu.memory_space<vmem_shared>> -> memref<10240x40xf32, #tpu.memory_space<vmem_shared>>
    tpu.wait_indirect_dma semaphore(%arg29 : memref<!tpu.dma_semaphore, #tpu.memory_space<semaphore_mem>>) src(%arg12 : memref<125x40xf32, #tpu.memory_space<vmem>>) dst(%dma_wait3A_41 : memref<10240x40xf32, #tpu.memory_space<vmem_shared>>)
    %dma_wait3A_42 = arith.constant 77 : i32
    %dma_wait3A_43 = arith.constant 0 : i32
    %dma_wait3A_44 = tpu.memref_slice %arg7[%dma_wait3A_42, %dma_wait3A_43] : memref<80x125xi32, #tpu.memory_space<vmem>> -> memref<1x125xi32, #tpu.memory_space<vmem>>
    %dma_wait3A_45 = tpu.memref_squeeze %dma_wait3A_44 : memref<1x125xi32, #tpu.memory_space<vmem>> -> memref<125xi32, #tpu.memory_space<vmem>>
    %dma_wait3A_46 = arith.constant 0 : i32
    %dma_wait3A_47 = arith.constant 0 : i32
    %dma_wait3A_48 = tpu.memref_slice %arg16[%dma_wait3A_46, %dma_wait3A_47] : memref<10240x40xf32, #tpu.memory_space<vmem_shared>> -> memref<10240x40xf32, #tpu.memory_space<vmem_shared>>
    tpu.wait_indirect_dma semaphore(%arg30 : memref<!tpu.dma_semaphore, #tpu.memory_space<semaphore_mem>>) src(%arg13 : memref<125x40xf32, #tpu.memory_space<vmem>>) dst(%dma_wait3A_48 : memref<10240x40xf32, #tpu.memory_space<vmem_shared>>)
    %dma_wait3A_49 = arith.constant 78 : i32
    %dma_wait3A_50 = arith.constant 0 : i32
    %dma_wait3A_51 = tpu.memref_slice %arg7[%dma_wait3A_49, %dma_wait3A_50] : memref<80x125xi32, #tpu.memory_space<vmem>> -> memref<1x125xi32, #tpu.memory_space<vmem>>
    %dma_wait3A_52 = tpu.memref_squeeze %dma_wait3A_51 : memref<1x125xi32, #tpu.memory_space<vmem>> -> memref<125xi32, #tpu.memory_space<vmem>>
    %dma_wait3A_53 = arith.constant 0 : i32
    %dma_wait3A_54 = arith.constant 0 : i32
    %dma_wait3A_55 = tpu.memref_slice %arg16[%dma_wait3A_53, %dma_wait3A_54] : memref<10240x40xf32, #tpu.memory_space<vmem_shared>> -> memref<10240x40xf32, #tpu.memory_space<vmem_shared>>
    tpu.wait_indirect_dma semaphore(%arg31 : memref<!tpu.dma_semaphore, #tpu.memory_space<semaphore_mem>>) src(%arg14 : memref<125x40xf32, #tpu.memory_space<vmem>>) dst(%dma_wait3A_55 : memref<10240x40xf32, #tpu.memory_space<vmem_shared>>)
    %dma_wait3A_56 = arith.constant 79 : i32
    %dma_wait3A_57 = arith.constant 0 : i32
    %dma_wait3A_58 = tpu.memref_slice %arg7[%dma_wait3A_56, %dma_wait3A_57] : memref<80x125xi32, #tpu.memory_space<vmem>> -> memref<1x125xi32, #tpu.memory_space<vmem>>
    %dma_wait3A_59 = tpu.memref_squeeze %dma_wait3A_58 : memref<1x125xi32, #tpu.memory_space<vmem>> -> memref<125xi32, #tpu.memory_space<vmem>>
    %dma_wait3A_60 = arith.constant 0 : i32
    %dma_wait3A_61 = arith.constant 0 : i32
    %dma_wait3A_62 = tpu.memref_slice %arg16[%dma_wait3A_60, %dma_wait3A_61] : memref<10240x40xf32, #tpu.memory_space<vmem_shared>> -> memref<10240x40xf32, #tpu.memory_space<vmem_shared>>
    tpu.wait_indirect_dma semaphore(%arg32 : memref<!tpu.dma_semaphore, #tpu.memory_space<semaphore_mem>>) src(%arg15 : memref<125x40xf32, #tpu.memory_space<vmem>>) dst(%dma_wait3A_62 : memref<10240x40xf32, #tpu.memory_space<vmem_shared>>)
    %barrier3A_63 = arith.constant 0 : index
    tpu.barrier barrier_id(%barrier3A_63)
    %mul3A_64 = arith.constant 640 : i32
    %mul3A_65 = arith.muli %arg1, %mul3A_64 : i32
    "tpu.region"() ({
      %run_scoped3A_66 = tpu.sem_alloc : memref<!tpu.dma_semaphore, #tpu.memory_space<semaphore_mem>>
      %dma_start3A_67 = arith.constant 0 : i32
      %dma_start3A_68 = tpu.memref_slice %arg5[%arg0, %mul3A_65, %dma_start3A_67] : memref<2x10240x40xf32, #tpu.memory_space<hbm>> -> memref<1x640x40xf32, #tpu.memory_space<hbm>>
      %dma_start3A_69 = tpu.memref_squeeze %dma_start3A_68 : memref<1x640x40xf32, #tpu.memory_space<hbm>> -> memref<640x40xf32, #tpu.memory_space<hbm>>
      %dma_start3A_70 = arith.constant 0 : i32
      %dma_start3A_71 = tpu.memref_slice %arg16[%mul3A_65, %dma_start3A_70] : memref<10240x40xf32, #tpu.memory_space<vmem_shared>> -> memref<640x40xf32, #tpu.memory_space<vmem_shared>>
      tpu.enqueue_dma source(%dma_start3A_71 : memref<640x40xf32, #tpu.memory_space<vmem_shared>>) target(%dma_start3A_69 : memref<640x40xf32, #tpu.memory_space<hbm>>) target_semaphore(%run_scoped3A_66 : memref<!tpu.dma_semaphore, #tpu.memory_space<semaphore_mem>>)
      %dma_wait3A_72 = arith.constant 0 : i32
      %dma_wait3A_73 = tpu.memref_slice %arg5[%arg0, %mul3A_65, %dma_wait3A_72] : memref<2x10240x40xf32, #tpu.memory_space<hbm>> -> memref<1x640x40xf32, #tpu.memory_space<hbm>>
      %dma_wait3A_74 = tpu.memref_squeeze %dma_wait3A_73 : memref<1x640x40xf32, #tpu.memory_space<hbm>> -> memref<640x40xf32, #tpu.memory_space<hbm>>
      %dma_wait3A_75 = arith.constant 0 : i32
      %dma_wait3A_76 = tpu.memref_slice %arg16[%mul3A_65, %dma_wait3A_75] : memref<10240x40xf32, #tpu.memory_space<vmem_shared>> -> memref<640x40xf32, #tpu.memory_space<vmem_shared>>
      tpu.wait_dma2 semaphore(%run_scoped3A_66 : memref<!tpu.dma_semaphore, #tpu.memory_space<semaphore_mem>>) src(%dma_wait3A_76 : memref<640x40xf32, #tpu.memory_space<vmem_shared>>) dst(%dma_wait3A_74 : memref<640x40xf32, #tpu.memory_space<hbm>>)
      tpu.yield
    }) : () -> ()
    return
  }
}

#map = affine_map<(d0, d1) -> (0, 0, 0, 0)>
#map1 = affine_map<(d0, d1) -> (0, 0)>
module attributes {stable_mosaic.version = 14 : i64} {
  func.func @deg_kernel(%arg0: i32, %arg1: i32, %arg2: memref<2x32x80x125xi32, #tpu.memory_space<hbm>>, %arg3: memref<125x16xf32, #tpu.memory_space<hbm>>, %arg4: memref<640x16xf32, #tpu.memory_space<hbm>>, %arg5: memref<2x10240xf32, #tpu.memory_space<hbm>>, %arg6: memref<80x125xi32, #tpu.memory_space<vmem>>, %arg7: memref<125x16xf32, #tpu.memory_space<vmem>>, %arg8: memref<640x16xf32, #tpu.memory_space<vmem>>, %arg9: memref<640xf32, #tpu.memory_space<vmem>>, %arg10: memref<10240x16xf32, #tpu.memory_space<vmem_shared>>, %arg11: memref<!tpu.dma_semaphore, #tpu.memory_space<semaphore_mem>>) attributes {dimension_semantics = [#tpu.dimension_semantics<core_parallel>, #tpu.dimension_semantics<subcore_parallel>], iteration_bounds = array<i64: 2, 16>, scalar_prefetch = 0 : i64, scratch_operands = 6 : i64, tpu.core_type = #tpu.core_type<sc_vector_subcore>, window_params = [{transform_indices = #map}, {transform_indices = #map1}, {transform_indices = #map1}, {transform_indices = #map1}]} {
    %mul3A = arith.constant 16 : i32
    %mul3A_0 = arith.muli %arg0, %mul3A : i32
    %add3A = arith.addi %mul3A_0, %arg1 : i32
    %mul3A_1 = arith.constant 640 : i32
    %mul3A_2 = arith.muli %arg1, %mul3A_1 : i32
    "tpu.region"() ({
      %run_scoped3A_23 = tpu.sem_alloc : memref<!tpu.dma_semaphore, #tpu.memory_space<semaphore_mem>>
      %dma_start3A = arith.constant 0 : i32
      %dma_start3A_24 = tpu.memref_slice %arg10[%mul3A_2, %dma_start3A] : memref<10240x16xf32, #tpu.memory_space<vmem_shared>> -> memref<640x16xf32, #tpu.memory_space<vmem_shared>>
      tpu.enqueue_dma source(%arg4 : memref<640x16xf32, #tpu.memory_space<hbm>>) target(%dma_start3A_24 : memref<640x16xf32, #tpu.memory_space<vmem_shared>>) target_semaphore(%run_scoped3A_23 : memref<!tpu.dma_semaphore, #tpu.memory_space<semaphore_mem>>)
      %dma_wait3A = arith.constant 0 : i32
      %dma_wait3A_25 = tpu.memref_slice %arg10[%mul3A_2, %dma_wait3A] : memref<10240x16xf32, #tpu.memory_space<vmem_shared>> -> memref<640x16xf32, #tpu.memory_space<vmem_shared>>
      tpu.wait_dma2 semaphore(%run_scoped3A_23 : memref<!tpu.dma_semaphore, #tpu.memory_space<semaphore_mem>>) src(%arg4 : memref<640x16xf32, #tpu.memory_space<hbm>>) dst(%dma_wait3A_25 : memref<640x16xf32, #tpu.memory_space<vmem_shared>>)
      tpu.yield
    }) : () -> ()
    "tpu.region"() ({
      %run_scoped3A_23 = tpu.sem_alloc : memref<!tpu.dma_semaphore, #tpu.memory_space<semaphore_mem>>
      tpu.enqueue_dma source(%arg3 : memref<125x16xf32, #tpu.memory_space<hbm>>) target(%arg7 : memref<125x16xf32, #tpu.memory_space<vmem>>) target_semaphore(%run_scoped3A_23 : memref<!tpu.dma_semaphore, #tpu.memory_space<semaphore_mem>>)
      tpu.wait_dma2 semaphore(%run_scoped3A_23 : memref<!tpu.dma_semaphore, #tpu.memory_space<semaphore_mem>>) src(%arg3 : memref<125x16xf32, #tpu.memory_space<hbm>>) dst(%arg7 : memref<125x16xf32, #tpu.memory_space<vmem>>)
      tpu.yield
    }) : () -> ()
    %run_scoped3A = arith.constant 1 : i32
    "tpu.region"() ({
      %run_scoped3A_23 = tpu.sem_alloc : memref<!tpu.dma_semaphore, #tpu.memory_space<semaphore_mem>>
      %dma_start3A = arith.constant 0 : i32
      %dma_start3A_24 = arith.constant 0 : i32
      %dma_start3A_25 = tpu.memref_slice %arg2[%run_scoped3A, %add3A, %dma_start3A, %dma_start3A_24] : memref<2x32x80x125xi32, #tpu.memory_space<hbm>> -> memref<1x1x80x125xi32, #tpu.memory_space<hbm>>
      %dma_start3A_26 = tpu.memref_squeeze %dma_start3A_25 : memref<1x1x80x125xi32, #tpu.memory_space<hbm>> -> memref<80x125xi32, #tpu.memory_space<hbm>>
      %dma_start3A_27 = arith.constant 0 : i32
      %dma_start3A_28 = arith.constant 0 : i32
      %dma_start3A_29 = tpu.memref_slice %arg2[%run_scoped3A, %add3A, %dma_start3A_27, %dma_start3A_28] : memref<2x32x80x125xi32, #tpu.memory_space<hbm>> -> memref<1x1x80x125xi32, #tpu.memory_space<hbm>>
      %dma_start3A_30 = tpu.memref_squeeze %dma_start3A_29 : memref<1x1x80x125xi32, #tpu.memory_space<hbm>> -> memref<80x125xi32, #tpu.memory_space<hbm>>
      tpu.enqueue_dma source(%dma_start3A_30 : memref<80x125xi32, #tpu.memory_space<hbm>>) target(%arg6 : memref<80x125xi32, #tpu.memory_space<vmem>>) target_semaphore(%run_scoped3A_23 : memref<!tpu.dma_semaphore, #tpu.memory_space<semaphore_mem>>)
      %dma_wait3A = arith.constant 0 : i32
      %dma_wait3A_31 = arith.constant 0 : i32
      %dma_wait3A_32 = tpu.memref_slice %arg2[%run_scoped3A, %add3A, %dma_wait3A, %dma_wait3A_31] : memref<2x32x80x125xi32, #tpu.memory_space<hbm>> -> memref<1x1x80x125xi32, #tpu.memory_space<hbm>>
      %dma_wait3A_33 = tpu.memref_squeeze %dma_wait3A_32 : memref<1x1x80x125xi32, #tpu.memory_space<hbm>> -> memref<80x125xi32, #tpu.memory_space<hbm>>
      %dma_wait3A_34 = arith.constant 0 : i32
      %dma_wait3A_35 = arith.constant 0 : i32
      %dma_wait3A_36 = tpu.memref_slice %arg2[%run_scoped3A, %add3A, %dma_wait3A_34, %dma_wait3A_35] : memref<2x32x80x125xi32, #tpu.memory_space<hbm>> -> memref<1x1x80x125xi32, #tpu.memory_space<hbm>>
      %dma_wait3A_37 = tpu.memref_squeeze %dma_wait3A_36 : memref<1x1x80x125xi32, #tpu.memory_space<hbm>> -> memref<80x125xi32, #tpu.memory_space<hbm>>
      tpu.wait_dma2 semaphore(%run_scoped3A_23 : memref<!tpu.dma_semaphore, #tpu.memory_space<semaphore_mem>>) src(%dma_wait3A_37 : memref<80x125xi32, #tpu.memory_space<hbm>>) dst(%arg6 : memref<80x125xi32, #tpu.memory_space<vmem>>)
      tpu.yield
    }) : () -> ()
    %barrier3A = arith.constant 0 : index
    tpu.barrier barrier_id(%barrier3A)
    %scan3A = arith.constant 0 : i32
    %scan3A_3 = arith.constant 0 : i32
    %scan3A_4 = arith.constant 80 : i32
    %scan3A_5 = arith.addi %scan3A_3, %scan3A_4 : i32
    %scan3A_6 = arith.constant 1 : i32
    scf.for %scan3A_23 = %scan3A_3 to %scan3A_5 step %scan3A_6  : i32 {
      %dma_start3A = arith.constant 0 : i32
      %dma_start3A_24 = tpu.memref_slice %arg6[%scan3A_23, %dma_start3A] : memref<80x125xi32, #tpu.memory_space<vmem>> -> memref<1x125xi32, #tpu.memory_space<vmem>>
      %dma_start3A_25 = tpu.memref_squeeze %dma_start3A_24 : memref<1x125xi32, #tpu.memory_space<vmem>> -> memref<125xi32, #tpu.memory_space<vmem>>
      %dma_start3A_26 = arith.constant 0 : i32
      %dma_start3A_27 = arith.constant 0 : i32
      %dma_start3A_28 = tpu.memref_slice %arg10[%dma_start3A_26, %dma_start3A_27] : memref<10240x16xf32, #tpu.memory_space<vmem_shared>> -> memref<10240x16xf32, #tpu.memory_space<vmem_shared>>
      tpu.enqueue_indirect_dma source(%arg7 : memref<125x16xf32, #tpu.memory_space<vmem>>) target(%dma_start3A_28 : memref<10240x16xf32, #tpu.memory_space<vmem_shared>>) offsets(%dma_start3A_25 : memref<125xi32, #tpu.memory_space<vmem>>) semaphore(%arg11 : memref<!tpu.dma_semaphore, #tpu.memory_space<semaphore_mem>>) {add = true}
    }
    %scan3A_7 = arith.constant 80 : i32
    %scan3A_8 = arith.constant 0 : i32
    %scan3A_9 = arith.constant 0 : i32
    %scan3A_10 = arith.constant 80 : i32
    %scan3A_11 = arith.addi %scan3A_9, %scan3A_10 : i32
    %scan3A_12 = arith.constant 1 : i32
    scf.for %scan3A_23 = %scan3A_9 to %scan3A_11 step %scan3A_12  : i32 {
      %dma_wait3A = arith.constant 0 : i32
      %dma_wait3A_24 = tpu.memref_slice %arg6[%scan3A_23, %dma_wait3A] : memref<80x125xi32, #tpu.memory_space<vmem>> -> memref<1x125xi32, #tpu.memory_space<vmem>>
      %dma_wait3A_25 = tpu.memref_squeeze %dma_wait3A_24 : memref<1x125xi32, #tpu.memory_space<vmem>> -> memref<125xi32, #tpu.memory_space<vmem>>
      %dma_wait3A_26 = arith.constant 0 : i32
      %dma_wait3A_27 = arith.constant 0 : i32
      %dma_wait3A_28 = tpu.memref_slice %arg10[%dma_wait3A_26, %dma_wait3A_27] : memref<10240x16xf32, #tpu.memory_space<vmem_shared>> -> memref<10240x16xf32, #tpu.memory_space<vmem_shared>>
      tpu.wait_indirect_dma semaphore(%arg11 : memref<!tpu.dma_semaphore, #tpu.memory_space<semaphore_mem>>) src(%arg7 : memref<125x16xf32, #tpu.memory_space<vmem>>) dst(%dma_wait3A_28 : memref<10240x16xf32, #tpu.memory_space<vmem_shared>>)
    }
    %scan3A_13 = arith.constant 80 : i32
    %barrier3A_14 = arith.constant 0 : index
    tpu.barrier barrier_id(%barrier3A_14)
    %mul3A_15 = arith.constant 640 : i32
    %mul3A_16 = arith.muli %arg1, %mul3A_15 : i32
    "tpu.region"() ({
      %run_scoped3A_23 = tpu.sem_alloc : memref<!tpu.dma_semaphore, #tpu.memory_space<semaphore_mem>>
      %dma_start3A = arith.constant 0 : i32
      %dma_start3A_24 = tpu.memref_slice %arg10[%mul3A_16, %dma_start3A] : memref<10240x16xf32, #tpu.memory_space<vmem_shared>> -> memref<640x16xf32, #tpu.memory_space<vmem_shared>>
      %dma_start3A_25 = arith.constant 0 : i32
      %dma_start3A_26 = tpu.memref_slice %arg10[%mul3A_16, %dma_start3A_25] : memref<10240x16xf32, #tpu.memory_space<vmem_shared>> -> memref<640x16xf32, #tpu.memory_space<vmem_shared>>
      tpu.enqueue_dma source(%dma_start3A_26 : memref<640x16xf32, #tpu.memory_space<vmem_shared>>) target(%arg8 : memref<640x16xf32, #tpu.memory_space<vmem>>) target_semaphore(%run_scoped3A_23 : memref<!tpu.dma_semaphore, #tpu.memory_space<semaphore_mem>>)
      %dma_wait3A = arith.constant 0 : i32
      %dma_wait3A_27 = tpu.memref_slice %arg10[%mul3A_16, %dma_wait3A] : memref<10240x16xf32, #tpu.memory_space<vmem_shared>> -> memref<640x16xf32, #tpu.memory_space<vmem_shared>>
      %dma_wait3A_28 = arith.constant 0 : i32
      %dma_wait3A_29 = tpu.memref_slice %arg10[%mul3A_16, %dma_wait3A_28] : memref<10240x16xf32, #tpu.memory_space<vmem_shared>> -> memref<640x16xf32, #tpu.memory_space<vmem_shared>>
      tpu.wait_dma2 semaphore(%run_scoped3A_23 : memref<!tpu.dma_semaphore, #tpu.memory_space<semaphore_mem>>) src(%dma_wait3A_29 : memref<640x16xf32, #tpu.memory_space<vmem_shared>>) dst(%arg8 : memref<640x16xf32, #tpu.memory_space<vmem>>)
      tpu.yield
    }) : () -> ()
    %iota3A = tpu.iota {dimensions = array<i32: 0>} : vector<16xi32>
    %scan3A_17 = arith.constant 0 : i32
    %scan3A_18 = arith.constant 0 : i32
    %scan3A_19 = arith.constant 40 : i32
    %scan3A_20 = arith.addi %scan3A_18, %scan3A_19 : i32
    %scan3A_21 = arith.constant 1 : i32
    scf.for %scan3A_23 = %scan3A_18 to %scan3A_20 step %scan3A_21  : i32 {
      %broadcast_in_dim3A = arith.constant 0.000000e+00 : f32
      %broadcast_in_dim3A_24 = vector.broadcast %broadcast_in_dim3A : f32 to vector<16xf32>
      %eq3A = arith.constant 0 : i32
      %eq3A_25 = vector.broadcast %eq3A : i32 to vector<16xi32>
      %eq3A_26 = arith.cmpi eq, %iota3A, %eq3A_25 : vector<16xi32>
      %mul3A_27 = arith.constant 16 : i32
      %mul3A_28 = arith.muli %scan3A_23, %mul3A_27 : i32
      %add3A_29 = arith.constant 0 : i32
      %add3A_30 = arith.addi %mul3A_28, %add3A_29 : i32
      %get3A = arith.index_cast %add3A_30 : i32 to index
      %get3A_31 = arith.constant 0 : index
      %get3A_32 = tpu.vector_load %arg8[%get3A, %get3A_31] {strides = array<i32>} : memref<640x16xf32, #tpu.memory_space<vmem>>, vector<1x16xf32>,
      %get3A_33 = vector.shape_cast %get3A_32 : vector<1x16xf32> to vector<16xf32>
      %select_n3A = arith.select %eq3A_26, %get3A_33, %broadcast_in_dim3A_24 : vector<16xi1>, vector<16xf32>
      %eq3A_34 = arith.constant 1 : i32
      %eq3A_35 = vector.broadcast %eq3A_34 : i32 to vector<16xi32>
      %eq3A_36 = arith.cmpi eq, %iota3A, %eq3A_35 : vector<16xi32>
      %mul3A_37 = arith.constant 16 : i32
      %mul3A_38 = arith.muli %scan3A_23, %mul3A_37 : i32
      %add3A_39 = arith.constant 1 : i32
      %add3A_40 = arith.addi %mul3A_38, %add3A_39 : i32
      %get3A_41 = arith.index_cast %add3A_40 : i32 to index
      %get3A_42 = arith.constant 0 : index
      %get3A_43 = tpu.vector_load %arg8[%get3A_41, %get3A_42] {strides = array<i32>} : memref<640x16xf32, #tpu.memory_space<vmem>>, vector<1x16xf32>,
      %get3A_44 = vector.shape_cast %get3A_43 : vector<1x16xf32> to vector<16xf32>
      %select_n3A_45 = arith.select %eq3A_36, %get3A_44, %select_n3A : vector<16xi1>, vector<16xf32>
      %eq3A_46 = arith.constant 2 : i32
      %eq3A_47 = vector.broadcast %eq3A_46 : i32 to vector<16xi32>
      %eq3A_48 = arith.cmpi eq, %iota3A, %eq3A_47 : vector<16xi32>
      %mul3A_49 = arith.constant 16 : i32
      %mul3A_50 = arith.muli %scan3A_23, %mul3A_49 : i32
      %add3A_51 = arith.constant 2 : i32
      %add3A_52 = arith.addi %mul3A_50, %add3A_51 : i32
      %get3A_53 = arith.index_cast %add3A_52 : i32 to index
      %get3A_54 = arith.constant 0 : index
      %get3A_55 = tpu.vector_load %arg8[%get3A_53, %get3A_54] {strides = array<i32>} : memref<640x16xf32, #tpu.memory_space<vmem>>, vector<1x16xf32>,
      %get3A_56 = vector.shape_cast %get3A_55 : vector<1x16xf32> to vector<16xf32>
      %select_n3A_57 = arith.select %eq3A_48, %get3A_56, %select_n3A_45 : vector<16xi1>, vector<16xf32>
      %eq3A_58 = arith.constant 3 : i32
      %eq3A_59 = vector.broadcast %eq3A_58 : i32 to vector<16xi32>
      %eq3A_60 = arith.cmpi eq, %iota3A, %eq3A_59 : vector<16xi32>
      %mul3A_61 = arith.constant 16 : i32
      %mul3A_62 = arith.muli %scan3A_23, %mul3A_61 : i32
      %add3A_63 = arith.constant 3 : i32
      %add3A_64 = arith.addi %mul3A_62, %add3A_63 : i32
      %get3A_65 = arith.index_cast %add3A_64 : i32 to index
      %get3A_66 = arith.constant 0 : index
      %get3A_67 = tpu.vector_load %arg8[%get3A_65, %get3A_66] {strides = array<i32>} : memref<640x16xf32, #tpu.memory_space<vmem>>, vector<1x16xf32>,
      %get3A_68 = vector.shape_cast %get3A_67 : vector<1x16xf32> to vector<16xf32>
      %select_n3A_69 = arith.select %eq3A_60, %get3A_68, %select_n3A_57 : vector<16xi1>, vector<16xf32>
      %eq3A_70 = arith.constant 4 : i32
      %eq3A_71 = vector.broadcast %eq3A_70 : i32 to vector<16xi32>
      %eq3A_72 = arith.cmpi eq, %iota3A, %eq3A_71 : vector<16xi32>
      %mul3A_73 = arith.constant 16 : i32
      %mul3A_74 = arith.muli %scan3A_23, %mul3A_73 : i32
      %add3A_75 = arith.constant 4 : i32
      %add3A_76 = arith.addi %mul3A_74, %add3A_75 : i32
      %get3A_77 = arith.index_cast %add3A_76 : i32 to index
      %get3A_78 = arith.constant 0 : index
      %get3A_79 = tpu.vector_load %arg8[%get3A_77, %get3A_78] {strides = array<i32>} : memref<640x16xf32, #tpu.memory_space<vmem>>, vector<1x16xf32>,
      %get3A_80 = vector.shape_cast %get3A_79 : vector<1x16xf32> to vector<16xf32>
      %select_n3A_81 = arith.select %eq3A_72, %get3A_80, %select_n3A_69 : vector<16xi1>, vector<16xf32>
      %eq3A_82 = arith.constant 5 : i32
      %eq3A_83 = vector.broadcast %eq3A_82 : i32 to vector<16xi32>
      %eq3A_84 = arith.cmpi eq, %iota3A, %eq3A_83 : vector<16xi32>
      %mul3A_85 = arith.constant 16 : i32
      %mul3A_86 = arith.muli %scan3A_23, %mul3A_85 : i32
      %add3A_87 = arith.constant 5 : i32
      %add3A_88 = arith.addi %mul3A_86, %add3A_87 : i32
      %get3A_89 = arith.index_cast %add3A_88 : i32 to index
      %get3A_90 = arith.constant 0 : index
      %get3A_91 = tpu.vector_load %arg8[%get3A_89, %get3A_90] {strides = array<i32>} : memref<640x16xf32, #tpu.memory_space<vmem>>, vector<1x16xf32>,
      %get3A_92 = vector.shape_cast %get3A_91 : vector<1x16xf32> to vector<16xf32>
      %select_n3A_93 = arith.select %eq3A_84, %get3A_92, %select_n3A_81 : vector<16xi1>, vector<16xf32>
      %eq3A_94 = arith.constant 6 : i32
      %eq3A_95 = vector.broadcast %eq3A_94 : i32 to vector<16xi32>
      %eq3A_96 = arith.cmpi eq, %iota3A, %eq3A_95 : vector<16xi32>
      %mul3A_97 = arith.constant 16 : i32
      %mul3A_98 = arith.muli %scan3A_23, %mul3A_97 : i32
      %add3A_99 = arith.constant 6 : i32
      %add3A_100 = arith.addi %mul3A_98, %add3A_99 : i32
      %get3A_101 = arith.index_cast %add3A_100 : i32 to index
      %get3A_102 = arith.constant 0 : index
      %get3A_103 = tpu.vector_load %arg8[%get3A_101, %get3A_102] {strides = array<i32>} : memref<640x16xf32, #tpu.memory_space<vmem>>, vector<1x16xf32>,
      %get3A_104 = vector.shape_cast %get3A_103 : vector<1x16xf32> to vector<16xf32>
      %select_n3A_105 = arith.select %eq3A_96, %get3A_104, %select_n3A_93 : vector<16xi1>, vector<16xf32>
      %eq3A_106 = arith.constant 7 : i32
      %eq3A_107 = vector.broadcast %eq3A_106 : i32 to vector<16xi32>
      %eq3A_108 = arith.cmpi eq, %iota3A, %eq3A_107 : vector<16xi32>
      %mul3A_109 = arith.constant 16 : i32
      %mul3A_110 = arith.muli %scan3A_23, %mul3A_109 : i32
      %add3A_111 = arith.constant 7 : i32
      %add3A_112 = arith.addi %mul3A_110, %add3A_111 : i32
      %get3A_113 = arith.index_cast %add3A_112 : i32 to index
      %get3A_114 = arith.constant 0 : index
      %get3A_115 = tpu.vector_load %arg8[%get3A_113, %get3A_114] {strides = array<i32>} : memref<640x16xf32, #tpu.memory_space<vmem>>, vector<1x16xf32>,
      %get3A_116 = vector.shape_cast %get3A_115 : vector<1x16xf32> to vector<16xf32>
      %select_n3A_117 = arith.select %eq3A_108, %get3A_116, %select_n3A_105 : vector<16xi1>, vector<16xf32>
      %eq3A_118 = arith.constant 8 : i32
      %eq3A_119 = vector.broadcast %eq3A_118 : i32 to vector<16xi32>
      %eq3A_120 = arith.cmpi eq, %iota3A, %eq3A_119 : vector<16xi32>
      %mul3A_121 = arith.constant 16 : i32
      %mul3A_122 = arith.muli %scan3A_23, %mul3A_121 : i32
      %add3A_123 = arith.constant 8 : i32
      %add3A_124 = arith.addi %mul3A_122, %add3A_123 : i32
      %get3A_125 = arith.index_cast %add3A_124 : i32 to index
      %get3A_126 = arith.constant 0 : index
      %get3A_127 = tpu.vector_load %arg8[%get3A_125, %get3A_126] {strides = array<i32>} : memref<640x16xf32, #tpu.memory_space<vmem>>, vector<1x16xf32>,
      %get3A_128 = vector.shape_cast %get3A_127 : vector<1x16xf32> to vector<16xf32>
      %select_n3A_129 = arith.select %eq3A_120, %get3A_128, %select_n3A_117 : vector<16xi1>, vector<16xf32>
      %eq3A_130 = arith.constant 9 : i32
      %eq3A_131 = vector.broadcast %eq3A_130 : i32 to vector<16xi32>
      %eq3A_132 = arith.cmpi eq, %iota3A, %eq3A_131 : vector<16xi32>
      %mul3A_133 = arith.constant 16 : i32
      %mul3A_134 = arith.muli %scan3A_23, %mul3A_133 : i32
      %add3A_135 = arith.constant 9 : i32
      %add3A_136 = arith.addi %mul3A_134, %add3A_135 : i32
      %get3A_137 = arith.index_cast %add3A_136 : i32 to index
      %get3A_138 = arith.constant 0 : index
      %get3A_139 = tpu.vector_load %arg8[%get3A_137, %get3A_138] {strides = array<i32>} : memref<640x16xf32, #tpu.memory_space<vmem>>, vector<1x16xf32>,
      %get3A_140 = vector.shape_cast %get3A_139 : vector<1x16xf32> to vector<16xf32>
      %select_n3A_141 = arith.select %eq3A_132, %get3A_140, %select_n3A_129 : vector<16xi1>, vector<16xf32>
      %eq3A_142 = arith.constant 10 : i32
      %eq3A_143 = vector.broadcast %eq3A_142 : i32 to vector<16xi32>
      %eq3A_144 = arith.cmpi eq, %iota3A, %eq3A_143 : vector<16xi32>
      %mul3A_145 = arith.constant 16 : i32
      %mul3A_146 = arith.muli %scan3A_23, %mul3A_145 : i32
      %add3A_147 = arith.constant 10 : i32
      %add3A_148 = arith.addi %mul3A_146, %add3A_147 : i32
      %get3A_149 = arith.index_cast %add3A_148 : i32 to index
      %get3A_150 = arith.constant 0 : index
      %get3A_151 = tpu.vector_load %arg8[%get3A_149, %get3A_150] {strides = array<i32>} : memref<640x16xf32, #tpu.memory_space<vmem>>, vector<1x16xf32>,
      %get3A_152 = vector.shape_cast %get3A_151 : vector<1x16xf32> to vector<16xf32>
      %select_n3A_153 = arith.select %eq3A_144, %get3A_152, %select_n3A_141 : vector<16xi1>, vector<16xf32>
      %eq3A_154 = arith.constant 11 : i32
      %eq3A_155 = vector.broadcast %eq3A_154 : i32 to vector<16xi32>
      %eq3A_156 = arith.cmpi eq, %iota3A, %eq3A_155 : vector<16xi32>
      %mul3A_157 = arith.constant 16 : i32
      %mul3A_158 = arith.muli %scan3A_23, %mul3A_157 : i32
      %add3A_159 = arith.constant 11 : i32
      %add3A_160 = arith.addi %mul3A_158, %add3A_159 : i32
      %get3A_161 = arith.index_cast %add3A_160 : i32 to index
      %get3A_162 = arith.constant 0 : index
      %get3A_163 = tpu.vector_load %arg8[%get3A_161, %get3A_162] {strides = array<i32>} : memref<640x16xf32, #tpu.memory_space<vmem>>, vector<1x16xf32>,
      %get3A_164 = vector.shape_cast %get3A_163 : vector<1x16xf32> to vector<16xf32>
      %select_n3A_165 = arith.select %eq3A_156, %get3A_164, %select_n3A_153 : vector<16xi1>, vector<16xf32>
      %eq3A_166 = arith.constant 12 : i32
      %eq3A_167 = vector.broadcast %eq3A_166 : i32 to vector<16xi32>
      %eq3A_168 = arith.cmpi eq, %iota3A, %eq3A_167 : vector<16xi32>
      %mul3A_169 = arith.constant 16 : i32
      %mul3A_170 = arith.muli %scan3A_23, %mul3A_169 : i32
      %add3A_171 = arith.constant 12 : i32
      %add3A_172 = arith.addi %mul3A_170, %add3A_171 : i32
      %get3A_173 = arith.index_cast %add3A_172 : i32 to index
      %get3A_174 = arith.constant 0 : index
      %get3A_175 = tpu.vector_load %arg8[%get3A_173, %get3A_174] {strides = array<i32>} : memref<640x16xf32, #tpu.memory_space<vmem>>, vector<1x16xf32>,
      %get3A_176 = vector.shape_cast %get3A_175 : vector<1x16xf32> to vector<16xf32>
      %select_n3A_177 = arith.select %eq3A_168, %get3A_176, %select_n3A_165 : vector<16xi1>, vector<16xf32>
      %eq3A_178 = arith.constant 13 : i32
      %eq3A_179 = vector.broadcast %eq3A_178 : i32 to vector<16xi32>
      %eq3A_180 = arith.cmpi eq, %iota3A, %eq3A_179 : vector<16xi32>
      %mul3A_181 = arith.constant 16 : i32
      %mul3A_182 = arith.muli %scan3A_23, %mul3A_181 : i32
      %add3A_183 = arith.constant 13 : i32
      %add3A_184 = arith.addi %mul3A_182, %add3A_183 : i32
      %get3A_185 = arith.index_cast %add3A_184 : i32 to index
      %get3A_186 = arith.constant 0 : index
      %get3A_187 = tpu.vector_load %arg8[%get3A_185, %get3A_186] {strides = array<i32>} : memref<640x16xf32, #tpu.memory_space<vmem>>, vector<1x16xf32>,
      %get3A_188 = vector.shape_cast %get3A_187 : vector<1x16xf32> to vector<16xf32>
      %select_n3A_189 = arith.select %eq3A_180, %get3A_188, %select_n3A_177 : vector<16xi1>, vector<16xf32>
      %eq3A_190 = arith.constant 14 : i32
      %eq3A_191 = vector.broadcast %eq3A_190 : i32 to vector<16xi32>
      %eq3A_192 = arith.cmpi eq, %iota3A, %eq3A_191 : vector<16xi32>
      %mul3A_193 = arith.constant 16 : i32
      %mul3A_194 = arith.muli %scan3A_23, %mul3A_193 : i32
      %add3A_195 = arith.constant 14 : i32
      %add3A_196 = arith.addi %mul3A_194, %add3A_195 : i32
      %get3A_197 = arith.index_cast %add3A_196 : i32 to index
      %get3A_198 = arith.constant 0 : index
      %get3A_199 = tpu.vector_load %arg8[%get3A_197, %get3A_198] {strides = array<i32>} : memref<640x16xf32, #tpu.memory_space<vmem>>, vector<1x16xf32>,
      %get3A_200 = vector.shape_cast %get3A_199 : vector<1x16xf32> to vector<16xf32>
      %select_n3A_201 = arith.select %eq3A_192, %get3A_200, %select_n3A_189 : vector<16xi1>, vector<16xf32>
      %eq3A_202 = arith.constant 15 : i32
      %eq3A_203 = vector.broadcast %eq3A_202 : i32 to vector<16xi32>
      %eq3A_204 = arith.cmpi eq, %iota3A, %eq3A_203 : vector<16xi32>
      %mul3A_205 = arith.constant 16 : i32
      %mul3A_206 = arith.muli %scan3A_23, %mul3A_205 : i32
      %add3A_207 = arith.constant 15 : i32
      %add3A_208 = arith.addi %mul3A_206, %add3A_207 : i32
      %get3A_209 = arith.index_cast %add3A_208 : i32 to index
      %get3A_210 = arith.constant 0 : index
      %get3A_211 = tpu.vector_load %arg8[%get3A_209, %get3A_210] {strides = array<i32>} : memref<640x16xf32, #tpu.memory_space<vmem>>, vector<1x16xf32>,
      %get3A_212 = vector.shape_cast %get3A_211 : vector<1x16xf32> to vector<16xf32>
      %select_n3A_213 = arith.select %eq3A_204, %get3A_212, %select_n3A_201 : vector<16xi1>, vector<16xf32>
      %mul3A_214 = arith.constant 16 : i32
      %mul3A_215 = arith.muli %scan3A_23, %mul3A_214 : i32
      %swap3A = arith.index_cast %mul3A_215 : i32 to index
      %swap3A_216 = tpu.vector_load %arg9[%swap3A] {strides = array<i32>} : memref<640xf32, #tpu.memory_space<vmem>>, vector<16xf32>,
      %swap3A_217 = vector.shape_cast %swap3A_216 : vector<16xf32> to vector<16xf32>
      %swap3A_218 = vector.shape_cast %select_n3A_213 : vector<16xf32> to vector<16xf32>
      tpu.vector_store %arg9[%swap3A], %swap3A_218 {strides = array<i32>} : memref<640xf32, #tpu.memory_space<vmem>>, vector<16xf32>,
    }
    %scan3A_22 = arith.constant 40 : i32
    "tpu.region"() ({
      %run_scoped3A_23 = tpu.sem_alloc : memref<!tpu.dma_semaphore, #tpu.memory_space<semaphore_mem>>
      %dma_start3A = tpu.memref_slice %arg5[%arg0, %mul3A_16] : memref<2x10240xf32, #tpu.memory_space<hbm>> -> memref<1x640xf32, #tpu.memory_space<hbm>>
      %dma_start3A_24 = tpu.memref_squeeze %dma_start3A : memref<1x640xf32, #tpu.memory_space<hbm>> -> memref<640xf32, #tpu.memory_space<hbm>>
      %dma_start3A_25 = tpu.memref_slice %arg5[%arg0, %mul3A_16] : memref<2x10240xf32, #tpu.memory_space<hbm>> -> memref<1x640xf32, #tpu.memory_space<hbm>>
      %dma_start3A_26 = tpu.memref_squeeze %dma_start3A_25 : memref<1x640xf32, #tpu.memory_space<hbm>> -> memref<640xf32, #tpu.memory_space<hbm>>
      tpu.enqueue_dma source(%arg9 : memref<640xf32, #tpu.memory_space<vmem>>) target(%dma_start3A_26 : memref<640xf32, #tpu.memory_space<hbm>>) target_semaphore(%run_scoped3A_23 : memref<!tpu.dma_semaphore, #tpu.memory_space<semaphore_mem>>)
      %dma_wait3A = tpu.memref_slice %arg5[%arg0, %mul3A_16] : memref<2x10240xf32, #tpu.memory_space<hbm>> -> memref<1x640xf32, #tpu.memory_space<hbm>>
      %dma_wait3A_27 = tpu.memref_squeeze %dma_wait3A : memref<1x640xf32, #tpu.memory_space<hbm>> -> memref<640xf32, #tpu.memory_space<hbm>>
      %dma_wait3A_28 = tpu.memref_slice %arg5[%arg0, %mul3A_16] : memref<2x10240xf32, #tpu.memory_space<hbm>> -> memref<1x640xf32, #tpu.memory_space<hbm>>
      %dma_wait3A_29 = tpu.memref_squeeze %dma_wait3A_28 : memref<1x640xf32, #tpu.memory_space<hbm>> -> memref<640xf32, #tpu.memory_space<hbm>>
      tpu.wait_dma2 semaphore(%run_scoped3A_23 : memref<!tpu.dma_semaphore, #tpu.memory_space<semaphore_mem>>) src(%arg9 : memref<640xf32, #tpu.memory_space<vmem>>) dst(%dma_wait3A_29 : memref<640xf32, #tpu.memory_space<hbm>>)
      tpu.yield
    }) : () -> ()
    return
  }
}

#map = affine_map<(d0, d1) -> (0, 0)>
#map1 = affine_map<(d0, d1) -> (0, 0, 0, 0)>
#map2 = affine_map<(d0, d1) -> (0, 0, 0)>
module attributes {stable_mosaic.version = 14 : i64} {
  func.func @agg_kernel(%arg0: i32, %arg1: i32, %arg2: memref<10240x64xf32, #tpu.memory_space<hbm>>, %arg3: memref<2x32x80x125xi32, #tpu.memory_space<hbm>>, %arg4: memref<640x64xf32, #tpu.memory_space<hbm>>, %arg5: memref<2x10240x64xf32, #tpu.memory_space<hbm>>, %arg6: memref<80x125xi32, #tpu.memory_space<vmem>>, %arg7: memref<80x125xi32, #tpu.memory_space<vmem>>, %arg8: memref<125x64xf32, #tpu.memory_space<vmem>>, %arg9: memref<125x64xf32, #tpu.memory_space<vmem>>, %arg10: memref<125x64xf32, #tpu.memory_space<vmem>>, %arg11: memref<125x64xf32, #tpu.memory_space<vmem>>, %arg12: memref<125x64xf32, #tpu.memory_space<vmem>>, %arg13: memref<125x64xf32, #tpu.memory_space<vmem>>, %arg14: memref<125x64xf32, #tpu.memory_space<vmem>>, %arg15: memref<125x64xf32, #tpu.memory_space<vmem>>, %arg16: memref<10240x64xf32, #tpu.memory_space<vmem_shared>>, %arg17: memref<!tpu.dma_semaphore, #tpu.memory_space<semaphore_mem>>, %arg18: memref<!tpu.dma_semaphore, #tpu.memory_space<semaphore_mem>>, %arg19: memref<!tpu.dma_semaphore, #tpu.memory_space<semaphore_mem>>, %arg20: memref<!tpu.dma_semaphore, #tpu.memory_space<semaphore_mem>>, %arg21: memref<!tpu.dma_semaphore, #tpu.memory_space<semaphore_mem>>, %arg22: memref<!tpu.dma_semaphore, #tpu.memory_space<semaphore_mem>>, %arg23: memref<!tpu.dma_semaphore, #tpu.memory_space<semaphore_mem>>, %arg24: memref<!tpu.dma_semaphore, #tpu.memory_space<semaphore_mem>>, %arg25: memref<!tpu.dma_semaphore, #tpu.memory_space<semaphore_mem>>, %arg26: memref<!tpu.dma_semaphore, #tpu.memory_space<semaphore_mem>>, %arg27: memref<!tpu.dma_semaphore, #tpu.memory_space<semaphore_mem>>, %arg28: memref<!tpu.dma_semaphore, #tpu.memory_space<semaphore_mem>>, %arg29: memref<!tpu.dma_semaphore, #tpu.memory_space<semaphore_mem>>, %arg30: memref<!tpu.dma_semaphore, #tpu.memory_space<semaphore_mem>>, %arg31: memref<!tpu.dma_semaphore, #tpu.memory_space<semaphore_mem>>, %arg32: memref<!tpu.dma_semaphore, #tpu.memory_space<semaphore_mem>>) attributes {dimension_semantics = [#tpu.dimension_semantics<core_parallel>, #tpu.dimension_semantics<subcore_parallel>], iteration_bounds = array<i64: 2, 16>, scalar_prefetch = 0 : i64, scratch_operands = 27 : i64, tpu.core_type = #tpu.core_type<sc_vector_subcore>, window_params = [{transform_indices = #map}, {transform_indices = #map1}, {transform_indices = #map}, {transform_indices = #map2}]} {
    %mul3A = arith.constant 16 : i32
    %mul3A_0 = arith.muli %arg0, %mul3A : i32
    %add3A = arith.addi %mul3A_0, %arg1 : i32
    %mul3A_1 = arith.constant 640 : i32
    %mul3A_2 = arith.muli %arg1, %mul3A_1 : i32
    "tpu.region"() ({
      %run_scoped3A_66 = tpu.sem_alloc : memref<!tpu.dma_semaphore, #tpu.memory_space<semaphore_mem>>
      %dma_start3A_67 = arith.constant 0 : i32
      %dma_start3A_68 = tpu.memref_slice %arg16[%mul3A_2, %dma_start3A_67] : memref<10240x64xf32, #tpu.memory_space<vmem_shared>> -> memref<640x64xf32, #tpu.memory_space<vmem_shared>>
      tpu.enqueue_dma source(%arg4 : memref<640x64xf32, #tpu.memory_space<hbm>>) target(%dma_start3A_68 : memref<640x64xf32, #tpu.memory_space<vmem_shared>>) target_semaphore(%run_scoped3A_66 : memref<!tpu.dma_semaphore, #tpu.memory_space<semaphore_mem>>)
      %dma_wait3A_69 = arith.constant 0 : i32
      %dma_wait3A_70 = tpu.memref_slice %arg16[%mul3A_2, %dma_wait3A_69] : memref<10240x64xf32, #tpu.memory_space<vmem_shared>> -> memref<640x64xf32, #tpu.memory_space<vmem_shared>>
      tpu.wait_dma2 semaphore(%run_scoped3A_66 : memref<!tpu.dma_semaphore, #tpu.memory_space<semaphore_mem>>) src(%arg4 : memref<640x64xf32, #tpu.memory_space<hbm>>) dst(%dma_wait3A_70 : memref<640x64xf32, #tpu.memory_space<vmem_shared>>)
      tpu.yield
    }) : () -> ()
    %run_scoped3A = arith.constant 0 : i32
    "tpu.region"() ({
      %run_scoped3A_66 = tpu.sem_alloc : memref<!tpu.dma_semaphore, #tpu.memory_space<semaphore_mem>>
      %dma_start3A_67 = arith.constant 0 : i32
      %dma_start3A_68 = arith.constant 0 : i32
      %dma_start3A_69 = tpu.memref_slice %arg3[%run_scoped3A, %add3A, %dma_start3A_67, %dma_start3A_68] : memref<2x32x80x125xi32, #tpu.memory_space<hbm>> -> memref<1x1x80x125xi32, #tpu.memory_space<hbm>>
      %dma_start3A_70 = tpu.memref_squeeze %dma_start3A_69 : memref<1x1x80x125xi32, #tpu.memory_space<hbm>> -> memref<80x125xi32, #tpu.memory_space<hbm>>
      %dma_start3A_71 = arith.constant 0 : i32
      %dma_start3A_72 = arith.constant 0 : i32
      %dma_start3A_73 = tpu.memref_slice %arg3[%run_scoped3A, %add3A, %dma_start3A_71, %dma_start3A_72] : memref<2x32x80x125xi32, #tpu.memory_space<hbm>> -> memref<1x1x80x125xi32, #tpu.memory_space<hbm>>
      %dma_start3A_74 = tpu.memref_squeeze %dma_start3A_73 : memref<1x1x80x125xi32, #tpu.memory_space<hbm>> -> memref<80x125xi32, #tpu.memory_space<hbm>>
      tpu.enqueue_dma source(%dma_start3A_74 : memref<80x125xi32, #tpu.memory_space<hbm>>) target(%arg6 : memref<80x125xi32, #tpu.memory_space<vmem>>) target_semaphore(%run_scoped3A_66 : memref<!tpu.dma_semaphore, #tpu.memory_space<semaphore_mem>>)
      %dma_wait3A_75 = arith.constant 0 : i32
      %dma_wait3A_76 = arith.constant 0 : i32
      %dma_wait3A_77 = tpu.memref_slice %arg3[%run_scoped3A, %add3A, %dma_wait3A_75, %dma_wait3A_76] : memref<2x32x80x125xi32, #tpu.memory_space<hbm>> -> memref<1x1x80x125xi32, #tpu.memory_space<hbm>>
      %dma_wait3A_78 = tpu.memref_squeeze %dma_wait3A_77 : memref<1x1x80x125xi32, #tpu.memory_space<hbm>> -> memref<80x125xi32, #tpu.memory_space<hbm>>
      %dma_wait3A_79 = arith.constant 0 : i32
      %dma_wait3A_80 = arith.constant 0 : i32
      %dma_wait3A_81 = tpu.memref_slice %arg3[%run_scoped3A, %add3A, %dma_wait3A_79, %dma_wait3A_80] : memref<2x32x80x125xi32, #tpu.memory_space<hbm>> -> memref<1x1x80x125xi32, #tpu.memory_space<hbm>>
      %dma_wait3A_82 = tpu.memref_squeeze %dma_wait3A_81 : memref<1x1x80x125xi32, #tpu.memory_space<hbm>> -> memref<80x125xi32, #tpu.memory_space<hbm>>
      tpu.wait_dma2 semaphore(%run_scoped3A_66 : memref<!tpu.dma_semaphore, #tpu.memory_space<semaphore_mem>>) src(%dma_wait3A_82 : memref<80x125xi32, #tpu.memory_space<hbm>>) dst(%arg6 : memref<80x125xi32, #tpu.memory_space<vmem>>)
      tpu.yield
    }) : () -> ()
    %run_scoped3A_3 = arith.constant 1 : i32
    "tpu.region"() ({
      %run_scoped3A_66 = tpu.sem_alloc : memref<!tpu.dma_semaphore, #tpu.memory_space<semaphore_mem>>
      %dma_start3A_67 = arith.constant 0 : i32
      %dma_start3A_68 = arith.constant 0 : i32
      %dma_start3A_69 = tpu.memref_slice %arg3[%run_scoped3A_3, %add3A, %dma_start3A_67, %dma_start3A_68] : memref<2x32x80x125xi32, #tpu.memory_space<hbm>> -> memref<1x1x80x125xi32, #tpu.memory_space<hbm>>
      %dma_start3A_70 = tpu.memref_squeeze %dma_start3A_69 : memref<1x1x80x125xi32, #tpu.memory_space<hbm>> -> memref<80x125xi32, #tpu.memory_space<hbm>>
      %dma_start3A_71 = arith.constant 0 : i32
      %dma_start3A_72 = arith.constant 0 : i32
      %dma_start3A_73 = tpu.memref_slice %arg3[%run_scoped3A_3, %add3A, %dma_start3A_71, %dma_start3A_72] : memref<2x32x80x125xi32, #tpu.memory_space<hbm>> -> memref<1x1x80x125xi32, #tpu.memory_space<hbm>>
      %dma_start3A_74 = tpu.memref_squeeze %dma_start3A_73 : memref<1x1x80x125xi32, #tpu.memory_space<hbm>> -> memref<80x125xi32, #tpu.memory_space<hbm>>
      tpu.enqueue_dma source(%dma_start3A_74 : memref<80x125xi32, #tpu.memory_space<hbm>>) target(%arg7 : memref<80x125xi32, #tpu.memory_space<vmem>>) target_semaphore(%run_scoped3A_66 : memref<!tpu.dma_semaphore, #tpu.memory_space<semaphore_mem>>)
      %dma_wait3A_75 = arith.constant 0 : i32
      %dma_wait3A_76 = arith.constant 0 : i32
      %dma_wait3A_77 = tpu.memref_slice %arg3[%run_scoped3A_3, %add3A, %dma_wait3A_75, %dma_wait3A_76] : memref<2x32x80x125xi32, #tpu.memory_space<hbm>> -> memref<1x1x80x125xi32, #tpu.memory_space<hbm>>
      %dma_wait3A_78 = tpu.memref_squeeze %dma_wait3A_77 : memref<1x1x80x125xi32, #tpu.memory_space<hbm>> -> memref<80x125xi32, #tpu.memory_space<hbm>>
      %dma_wait3A_79 = arith.constant 0 : i32
      %dma_wait3A_80 = arith.constant 0 : i32
      %dma_wait3A_81 = tpu.memref_slice %arg3[%run_scoped3A_3, %add3A, %dma_wait3A_79, %dma_wait3A_80] : memref<2x32x80x125xi32, #tpu.memory_space<hbm>> -> memref<1x1x80x125xi32, #tpu.memory_space<hbm>>
      %dma_wait3A_82 = tpu.memref_squeeze %dma_wait3A_81 : memref<1x1x80x125xi32, #tpu.memory_space<hbm>> -> memref<80x125xi32, #tpu.memory_space<hbm>>
      tpu.wait_dma2 semaphore(%run_scoped3A_66 : memref<!tpu.dma_semaphore, #tpu.memory_space<semaphore_mem>>) src(%dma_wait3A_82 : memref<80x125xi32, #tpu.memory_space<hbm>>) dst(%arg7 : memref<80x125xi32, #tpu.memory_space<vmem>>)
      tpu.yield
    }) : () -> ()
    %barrier3A = arith.constant 0 : index
    tpu.barrier barrier_id(%barrier3A)
    %dma_start3A = arith.constant 0 : i32
    %dma_start3A_4 = arith.constant 0 : i32
    %dma_start3A_5 = tpu.memref_slice %arg6[%dma_start3A, %dma_start3A_4] : memref<80x125xi32, #tpu.memory_space<vmem>> -> memref<1x125xi32, #tpu.memory_space<vmem>>
    %dma_start3A_6 = tpu.memref_squeeze %dma_start3A_5 : memref<1x125xi32, #tpu.memory_space<vmem>> -> memref<125xi32, #tpu.memory_space<vmem>>
    %dma_start3A_7 = arith.constant 0 : i32
    %dma_start3A_8 = arith.constant 0 : i32
    %dma_start3A_9 = tpu.memref_slice %arg2[%dma_start3A_7, %dma_start3A_8] : memref<10240x64xf32, #tpu.memory_space<hbm>> -> memref<10240x64xf32, #tpu.memory_space<hbm>>
    tpu.enqueue_indirect_dma source(%dma_start3A_9 : memref<10240x64xf32, #tpu.memory_space<hbm>>) target(%arg8 : memref<125x64xf32, #tpu.memory_space<vmem>>) offsets(%dma_start3A_6 : memref<125xi32, #tpu.memory_space<vmem>>) semaphore(%arg17 : memref<!tpu.dma_semaphore, #tpu.memory_space<semaphore_mem>>)
    %dma_start3A_10 = arith.constant 1 : i32
    %dma_start3A_11 = arith.constant 0 : i32
    %dma_start3A_12 = tpu.memref_slice %arg6[%dma_start3A_10, %dma_start3A_11] : memref<80x125xi32, #tpu.memory_space<vmem>> -> memref<1x125xi32, #tpu.memory_space<vmem>>
    %dma_start3A_13 = tpu.memref_squeeze %dma_start3A_12 : memref<1x125xi32, #tpu.memory_space<vmem>> -> memref<125xi32, #tpu.memory_space<vmem>>
    %dma_start3A_14 = arith.constant 0 : i32
    %dma_start3A_15 = arith.constant 0 : i32
    %dma_start3A_16 = tpu.memref_slice %arg2[%dma_start3A_14, %dma_start3A_15] : memref<10240x64xf32, #tpu.memory_space<hbm>> -> memref<10240x64xf32, #tpu.memory_space<hbm>>
    tpu.enqueue_indirect_dma source(%dma_start3A_16 : memref<10240x64xf32, #tpu.memory_space<hbm>>) target(%arg9 : memref<125x64xf32, #tpu.memory_space<vmem>>) offsets(%dma_start3A_13 : memref<125xi32, #tpu.memory_space<vmem>>) semaphore(%arg18 : memref<!tpu.dma_semaphore, #tpu.memory_space<semaphore_mem>>)
    %dma_start3A_17 = arith.constant 2 : i32
    %dma_start3A_18 = arith.constant 0 : i32
    %dma_start3A_19 = tpu.memref_slice %arg6[%dma_start3A_17, %dma_start3A_18] : memref<80x125xi32, #tpu.memory_space<vmem>> -> memref<1x125xi32, #tpu.memory_space<vmem>>
    %dma_start3A_20 = tpu.memref_squeeze %dma_start3A_19 : memref<1x125xi32, #tpu.memory_space<vmem>> -> memref<125xi32, #tpu.memory_space<vmem>>
    %dma_start3A_21 = arith.constant 0 : i32
    %dma_start3A_22 = arith.constant 0 : i32
    %dma_start3A_23 = tpu.memref_slice %arg2[%dma_start3A_21, %dma_start3A_22] : memref<10240x64xf32, #tpu.memory_space<hbm>> -> memref<10240x64xf32, #tpu.memory_space<hbm>>
    tpu.enqueue_indirect_dma source(%dma_start3A_23 : memref<10240x64xf32, #tpu.memory_space<hbm>>) target(%arg10 : memref<125x64xf32, #tpu.memory_space<vmem>>) offsets(%dma_start3A_20 : memref<125xi32, #tpu.memory_space<vmem>>) semaphore(%arg19 : memref<!tpu.dma_semaphore, #tpu.memory_space<semaphore_mem>>)
    %dma_start3A_24 = arith.constant 3 : i32
    %dma_start3A_25 = arith.constant 0 : i32
    %dma_start3A_26 = tpu.memref_slice %arg6[%dma_start3A_24, %dma_start3A_25] : memref<80x125xi32, #tpu.memory_space<vmem>> -> memref<1x125xi32, #tpu.memory_space<vmem>>
    %dma_start3A_27 = tpu.memref_squeeze %dma_start3A_26 : memref<1x125xi32, #tpu.memory_space<vmem>> -> memref<125xi32, #tpu.memory_space<vmem>>
    %dma_start3A_28 = arith.constant 0 : i32
    %dma_start3A_29 = arith.constant 0 : i32
    %dma_start3A_30 = tpu.memref_slice %arg2[%dma_start3A_28, %dma_start3A_29] : memref<10240x64xf32, #tpu.memory_space<hbm>> -> memref<10240x64xf32, #tpu.memory_space<hbm>>
    tpu.enqueue_indirect_dma source(%dma_start3A_30 : memref<10240x64xf32, #tpu.memory_space<hbm>>) target(%arg11 : memref<125x64xf32, #tpu.memory_space<vmem>>) offsets(%dma_start3A_27 : memref<125xi32, #tpu.memory_space<vmem>>) semaphore(%arg20 : memref<!tpu.dma_semaphore, #tpu.memory_space<semaphore_mem>>)
    %scan3A = arith.constant 0 : i32
    %scan3A_31 = arith.constant 0 : i32
    %scan3A_32 = arith.constant 10 : i32
    %scan3A_33 = arith.addi %scan3A_31, %scan3A_32 : i32
    %scan3A_34 = arith.constant 1 : i32
    scf.for %scan3A_66 = %scan3A_31 to %scan3A_33 step %scan3A_34  : i32 {
      %mul3A_67 = arith.constant 8 : i32
      %mul3A_68 = arith.muli %mul3A_67, %scan3A_66 : i32
      %add3A_69 = arith.constant 0 : i32
      %add3A_70 = arith.addi %mul3A_68, %add3A_69 : i32
      %dma_wait3A_71 = arith.constant 0 : i32
      %dma_wait3A_72 = tpu.memref_slice %arg6[%add3A_70, %dma_wait3A_71] : memref<80x125xi32, #tpu.memory_space<vmem>> -> memref<1x125xi32, #tpu.memory_space<vmem>>
      %dma_wait3A_73 = tpu.memref_squeeze %dma_wait3A_72 : memref<1x125xi32, #tpu.memory_space<vmem>> -> memref<125xi32, #tpu.memory_space<vmem>>
      %dma_wait3A_74 = arith.constant 0 : i32
      %dma_wait3A_75 = arith.constant 0 : i32
      %dma_wait3A_76 = tpu.memref_slice %arg2[%dma_wait3A_74, %dma_wait3A_75] : memref<10240x64xf32, #tpu.memory_space<hbm>> -> memref<10240x64xf32, #tpu.memory_space<hbm>>
      tpu.wait_indirect_dma semaphore(%arg17 : memref<!tpu.dma_semaphore, #tpu.memory_space<semaphore_mem>>) src(%dma_wait3A_76 : memref<10240x64xf32, #tpu.memory_space<hbm>>) dst(%arg8 : memref<125x64xf32, #tpu.memory_space<vmem>>)
      %dma_start3A_77 = arith.constant 0 : i32
      %dma_start3A_78 = tpu.memref_slice %arg7[%add3A_70, %dma_start3A_77] : memref<80x125xi32, #tpu.memory_space<vmem>> -> memref<1x125xi32, #tpu.memory_space<vmem>>
      %dma_start3A_79 = tpu.memref_squeeze %dma_start3A_78 : memref<1x125xi32, #tpu.memory_space<vmem>> -> memref<125xi32, #tpu.memory_space<vmem>>
      %dma_start3A_80 = arith.constant 0 : i32
      %dma_start3A_81 = arith.constant 0 : i32
      %dma_start3A_82 = tpu.memref_slice %arg16[%dma_start3A_80, %dma_start3A_81] : memref<10240x64xf32, #tpu.memory_space<vmem_shared>> -> memref<10240x64xf32, #tpu.memory_space<vmem_shared>>
      tpu.enqueue_indirect_dma source(%arg8 : memref<125x64xf32, #tpu.memory_space<vmem>>) target(%dma_start3A_82 : memref<10240x64xf32, #tpu.memory_space<vmem_shared>>) offsets(%dma_start3A_79 : memref<125xi32, #tpu.memory_space<vmem>>) semaphore(%arg25 : memref<!tpu.dma_semaphore, #tpu.memory_space<semaphore_mem>>) {add = true}
      %ge3A = arith.constant 4 : i32
      %ge3A_83 = arith.cmpi sge, %add3A_70, %ge3A : i32
      %convert_element_type3A = arith.extui %ge3A_83 : i1 to i32
      %cond3A = arith.constant 0 : i32
      %cond3A_84 = arith.cmpi ne, %convert_element_type3A, %cond3A : i32
      scf.if %cond3A_84 {
        %sub3A = arith.constant 4 : i32
        %sub3A_287 = arith.subi %add3A_70, %sub3A : i32
        %dma_wait3A_288 = arith.constant 0 : i32
        %dma_wait3A_289 = tpu.memref_slice %arg7[%sub3A_287, %dma_wait3A_288] : memref<80x125xi32, #tpu.memory_space<vmem>> -> memref<1x125xi32, #tpu.memory_space<vmem>>
        %dma_wait3A_290 = tpu.memref_squeeze %dma_wait3A_289 : memref<1x125xi32, #tpu.memory_space<vmem>> -> memref<125xi32, #tpu.memory_space<vmem>>
        %dma_wait3A_291 = arith.constant 0 : i32
        %dma_wait3A_292 = arith.constant 0 : i32
        %dma_wait3A_293 = tpu.memref_slice %arg16[%dma_wait3A_291, %dma_wait3A_292] : memref<10240x64xf32, #tpu.memory_space<vmem_shared>> -> memref<10240x64xf32, #tpu.memory_space<vmem_shared>>
        tpu.wait_indirect_dma semaphore(%arg29 : memref<!tpu.dma_semaphore, #tpu.memory_space<semaphore_mem>>) src(%arg12 : memref<125x64xf32, #tpu.memory_space<vmem>>) dst(%dma_wait3A_293 : memref<10240x64xf32, #tpu.memory_space<vmem_shared>>)
      } else {
      }
      %add3A_85 = arith.constant 4 : i32
      %add3A_86 = arith.addi %add3A_70, %add3A_85 : i32
      %lt3A = arith.constant 80 : i32
      %lt3A_87 = arith.cmpi slt, %add3A_86, %lt3A : i32
      %convert_element_type3A_88 = arith.extui %lt3A_87 : i1 to i32
      %cond3A_89 = arith.constant 0 : i32
      %cond3A_90 = arith.cmpi ne, %convert_element_type3A_88, %cond3A_89 : i32
      scf.if %cond3A_90 {
        %add3A_287 = arith.constant 4 : i32
        %add3A_288 = arith.addi %add3A_70, %add3A_287 : i32
        %dma_start3A_289 = arith.constant 0 : i32
        %dma_start3A_290 = tpu.memref_slice %arg6[%add3A_288, %dma_start3A_289] : memref<80x125xi32, #tpu.memory_space<vmem>> -> memref<1x125xi32, #tpu.memory_space<vmem>>
        %dma_start3A_291 = tpu.memref_squeeze %dma_start3A_290 : memref<1x125xi32, #tpu.memory_space<vmem>> -> memref<125xi32, #tpu.memory_space<vmem>>
        %dma_start3A_292 = arith.constant 0 : i32
        %dma_start3A_293 = arith.constant 0 : i32
        %dma_start3A_294 = tpu.memref_slice %arg2[%dma_start3A_292, %dma_start3A_293] : memref<10240x64xf32, #tpu.memory_space<hbm>> -> memref<10240x64xf32, #tpu.memory_space<hbm>>
        tpu.enqueue_indirect_dma source(%dma_start3A_294 : memref<10240x64xf32, #tpu.memory_space<hbm>>) target(%arg12 : memref<125x64xf32, #tpu.memory_space<vmem>>) offsets(%dma_start3A_291 : memref<125xi32, #tpu.memory_space<vmem>>) semaphore(%arg21 : memref<!tpu.dma_semaphore, #tpu.memory_space<semaphore_mem>>)
      } else {
      }
      %mul3A_91 = arith.constant 8 : i32
      %mul3A_92 = arith.muli %mul3A_91, %scan3A_66 : i32
      %add3A_93 = arith.constant 1 : i32
      %add3A_94 = arith.addi %mul3A_92, %add3A_93 : i32
      %dma_wait3A_95 = arith.constant 0 : i32
      %dma_wait3A_96 = tpu.memref_slice %arg6[%add3A_94, %dma_wait3A_95] : memref<80x125xi32, #tpu.memory_space<vmem>> -> memref<1x125xi32, #tpu.memory_space<vmem>>
      %dma_wait3A_97 = tpu.memref_squeeze %dma_wait3A_96 : memref<1x125xi32, #tpu.memory_space<vmem>> -> memref<125xi32, #tpu.memory_space<vmem>>
      %dma_wait3A_98 = arith.constant 0 : i32
      %dma_wait3A_99 = arith.constant 0 : i32
      %dma_wait3A_100 = tpu.memref_slice %arg2[%dma_wait3A_98, %dma_wait3A_99] : memref<10240x64xf32, #tpu.memory_space<hbm>> -> memref<10240x64xf32, #tpu.memory_space<hbm>>
      tpu.wait_indirect_dma semaphore(%arg18 : memref<!tpu.dma_semaphore, #tpu.memory_space<semaphore_mem>>) src(%dma_wait3A_100 : memref<10240x64xf32, #tpu.memory_space<hbm>>) dst(%arg9 : memref<125x64xf32, #tpu.memory_space<vmem>>)
      %dma_start3A_101 = arith.constant 0 : i32
      %dma_start3A_102 = tpu.memref_slice %arg7[%add3A_94, %dma_start3A_101] : memref<80x125xi32, #tpu.memory_space<vmem>> -> memref<1x125xi32, #tpu.memory_space<vmem>>
      %dma_start3A_103 = tpu.memref_squeeze %dma_start3A_102 : memref<1x125xi32, #tpu.memory_space<vmem>> -> memref<125xi32, #tpu.memory_space<vmem>>
      %dma_start3A_104 = arith.constant 0 : i32
      %dma_start3A_105 = arith.constant 0 : i32
      %dma_start3A_106 = tpu.memref_slice %arg16[%dma_start3A_104, %dma_start3A_105] : memref<10240x64xf32, #tpu.memory_space<vmem_shared>> -> memref<10240x64xf32, #tpu.memory_space<vmem_shared>>
      tpu.enqueue_indirect_dma source(%arg9 : memref<125x64xf32, #tpu.memory_space<vmem>>) target(%dma_start3A_106 : memref<10240x64xf32, #tpu.memory_space<vmem_shared>>) offsets(%dma_start3A_103 : memref<125xi32, #tpu.memory_space<vmem>>) semaphore(%arg26 : memref<!tpu.dma_semaphore, #tpu.memory_space<semaphore_mem>>) {add = true}
      %ge3A_107 = arith.constant 4 : i32
      %ge3A_108 = arith.cmpi sge, %add3A_94, %ge3A_107 : i32
      %convert_element_type3A_109 = arith.extui %ge3A_108 : i1 to i32
      %cond3A_110 = arith.constant 0 : i32
      %cond3A_111 = arith.cmpi ne, %convert_element_type3A_109, %cond3A_110 : i32
      scf.if %cond3A_111 {
        %sub3A = arith.constant 4 : i32
        %sub3A_287 = arith.subi %add3A_94, %sub3A : i32
        %dma_wait3A_288 = arith.constant 0 : i32
        %dma_wait3A_289 = tpu.memref_slice %arg7[%sub3A_287, %dma_wait3A_288] : memref<80x125xi32, #tpu.memory_space<vmem>> -> memref<1x125xi32, #tpu.memory_space<vmem>>
        %dma_wait3A_290 = tpu.memref_squeeze %dma_wait3A_289 : memref<1x125xi32, #tpu.memory_space<vmem>> -> memref<125xi32, #tpu.memory_space<vmem>>
        %dma_wait3A_291 = arith.constant 0 : i32
        %dma_wait3A_292 = arith.constant 0 : i32
        %dma_wait3A_293 = tpu.memref_slice %arg16[%dma_wait3A_291, %dma_wait3A_292] : memref<10240x64xf32, #tpu.memory_space<vmem_shared>> -> memref<10240x64xf32, #tpu.memory_space<vmem_shared>>
        tpu.wait_indirect_dma semaphore(%arg30 : memref<!tpu.dma_semaphore, #tpu.memory_space<semaphore_mem>>) src(%arg13 : memref<125x64xf32, #tpu.memory_space<vmem>>) dst(%dma_wait3A_293 : memref<10240x64xf32, #tpu.memory_space<vmem_shared>>)
      } else {
      }
      %add3A_112 = arith.constant 4 : i32
      %add3A_113 = arith.addi %add3A_94, %add3A_112 : i32
      %lt3A_114 = arith.constant 80 : i32
      %lt3A_115 = arith.cmpi slt, %add3A_113, %lt3A_114 : i32
      %convert_element_type3A_116 = arith.extui %lt3A_115 : i1 to i32
      %cond3A_117 = arith.constant 0 : i32
      %cond3A_118 = arith.cmpi ne, %convert_element_type3A_116, %cond3A_117 : i32
      scf.if %cond3A_118 {
        %add3A_287 = arith.constant 4 : i32
        %add3A_288 = arith.addi %add3A_94, %add3A_287 : i32
        %dma_start3A_289 = arith.constant 0 : i32
        %dma_start3A_290 = tpu.memref_slice %arg6[%add3A_288, %dma_start3A_289] : memref<80x125xi32, #tpu.memory_space<vmem>> -> memref<1x125xi32, #tpu.memory_space<vmem>>
        %dma_start3A_291 = tpu.memref_squeeze %dma_start3A_290 : memref<1x125xi32, #tpu.memory_space<vmem>> -> memref<125xi32, #tpu.memory_space<vmem>>
        %dma_start3A_292 = arith.constant 0 : i32
        %dma_start3A_293 = arith.constant 0 : i32
        %dma_start3A_294 = tpu.memref_slice %arg2[%dma_start3A_292, %dma_start3A_293] : memref<10240x64xf32, #tpu.memory_space<hbm>> -> memref<10240x64xf32, #tpu.memory_space<hbm>>
        tpu.enqueue_indirect_dma source(%dma_start3A_294 : memref<10240x64xf32, #tpu.memory_space<hbm>>) target(%arg13 : memref<125x64xf32, #tpu.memory_space<vmem>>) offsets(%dma_start3A_291 : memref<125xi32, #tpu.memory_space<vmem>>) semaphore(%arg22 : memref<!tpu.dma_semaphore, #tpu.memory_space<semaphore_mem>>)
      } else {
      }
      %mul3A_119 = arith.constant 8 : i32
      %mul3A_120 = arith.muli %mul3A_119, %scan3A_66 : i32
      %add3A_121 = arith.constant 2 : i32
      %add3A_122 = arith.addi %mul3A_120, %add3A_121 : i32
      %dma_wait3A_123 = arith.constant 0 : i32
      %dma_wait3A_124 = tpu.memref_slice %arg6[%add3A_122, %dma_wait3A_123] : memref<80x125xi32, #tpu.memory_space<vmem>> -> memref<1x125xi32, #tpu.memory_space<vmem>>
      %dma_wait3A_125 = tpu.memref_squeeze %dma_wait3A_124 : memref<1x125xi32, #tpu.memory_space<vmem>> -> memref<125xi32, #tpu.memory_space<vmem>>
      %dma_wait3A_126 = arith.constant 0 : i32
      %dma_wait3A_127 = arith.constant 0 : i32
      %dma_wait3A_128 = tpu.memref_slice %arg2[%dma_wait3A_126, %dma_wait3A_127] : memref<10240x64xf32, #tpu.memory_space<hbm>> -> memref<10240x64xf32, #tpu.memory_space<hbm>>
      tpu.wait_indirect_dma semaphore(%arg19 : memref<!tpu.dma_semaphore, #tpu.memory_space<semaphore_mem>>) src(%dma_wait3A_128 : memref<10240x64xf32, #tpu.memory_space<hbm>>) dst(%arg10 : memref<125x64xf32, #tpu.memory_space<vmem>>)
      %dma_start3A_129 = arith.constant 0 : i32
      %dma_start3A_130 = tpu.memref_slice %arg7[%add3A_122, %dma_start3A_129] : memref<80x125xi32, #tpu.memory_space<vmem>> -> memref<1x125xi32, #tpu.memory_space<vmem>>
      %dma_start3A_131 = tpu.memref_squeeze %dma_start3A_130 : memref<1x125xi32, #tpu.memory_space<vmem>> -> memref<125xi32, #tpu.memory_space<vmem>>
      %dma_start3A_132 = arith.constant 0 : i32
      %dma_start3A_133 = arith.constant 0 : i32
      %dma_start3A_134 = tpu.memref_slice %arg16[%dma_start3A_132, %dma_start3A_133] : memref<10240x64xf32, #tpu.memory_space<vmem_shared>> -> memref<10240x64xf32, #tpu.memory_space<vmem_shared>>
      tpu.enqueue_indirect_dma source(%arg10 : memref<125x64xf32, #tpu.memory_space<vmem>>) target(%dma_start3A_134 : memref<10240x64xf32, #tpu.memory_space<vmem_shared>>) offsets(%dma_start3A_131 : memref<125xi32, #tpu.memory_space<vmem>>) semaphore(%arg27 : memref<!tpu.dma_semaphore, #tpu.memory_space<semaphore_mem>>) {add = true}
      %ge3A_135 = arith.constant 4 : i32
      %ge3A_136 = arith.cmpi sge, %add3A_122, %ge3A_135 : i32
      %convert_element_type3A_137 = arith.extui %ge3A_136 : i1 to i32
      %cond3A_138 = arith.constant 0 : i32
      %cond3A_139 = arith.cmpi ne, %convert_element_type3A_137, %cond3A_138 : i32
      scf.if %cond3A_139 {
        %sub3A = arith.constant 4 : i32
        %sub3A_287 = arith.subi %add3A_122, %sub3A : i32
        %dma_wait3A_288 = arith.constant 0 : i32
        %dma_wait3A_289 = tpu.memref_slice %arg7[%sub3A_287, %dma_wait3A_288] : memref<80x125xi32, #tpu.memory_space<vmem>> -> memref<1x125xi32, #tpu.memory_space<vmem>>
        %dma_wait3A_290 = tpu.memref_squeeze %dma_wait3A_289 : memref<1x125xi32, #tpu.memory_space<vmem>> -> memref<125xi32, #tpu.memory_space<vmem>>
        %dma_wait3A_291 = arith.constant 0 : i32
        %dma_wait3A_292 = arith.constant 0 : i32
        %dma_wait3A_293 = tpu.memref_slice %arg16[%dma_wait3A_291, %dma_wait3A_292] : memref<10240x64xf32, #tpu.memory_space<vmem_shared>> -> memref<10240x64xf32, #tpu.memory_space<vmem_shared>>
        tpu.wait_indirect_dma semaphore(%arg31 : memref<!tpu.dma_semaphore, #tpu.memory_space<semaphore_mem>>) src(%arg14 : memref<125x64xf32, #tpu.memory_space<vmem>>) dst(%dma_wait3A_293 : memref<10240x64xf32, #tpu.memory_space<vmem_shared>>)
      } else {
      }
      %add3A_140 = arith.constant 4 : i32
      %add3A_141 = arith.addi %add3A_122, %add3A_140 : i32
      %lt3A_142 = arith.constant 80 : i32
      %lt3A_143 = arith.cmpi slt, %add3A_141, %lt3A_142 : i32
      %convert_element_type3A_144 = arith.extui %lt3A_143 : i1 to i32
      %cond3A_145 = arith.constant 0 : i32
      %cond3A_146 = arith.cmpi ne, %convert_element_type3A_144, %cond3A_145 : i32
      scf.if %cond3A_146 {
        %add3A_287 = arith.constant 4 : i32
        %add3A_288 = arith.addi %add3A_122, %add3A_287 : i32
        %dma_start3A_289 = arith.constant 0 : i32
        %dma_start3A_290 = tpu.memref_slice %arg6[%add3A_288, %dma_start3A_289] : memref<80x125xi32, #tpu.memory_space<vmem>> -> memref<1x125xi32, #tpu.memory_space<vmem>>
        %dma_start3A_291 = tpu.memref_squeeze %dma_start3A_290 : memref<1x125xi32, #tpu.memory_space<vmem>> -> memref<125xi32, #tpu.memory_space<vmem>>
        %dma_start3A_292 = arith.constant 0 : i32
        %dma_start3A_293 = arith.constant 0 : i32
        %dma_start3A_294 = tpu.memref_slice %arg2[%dma_start3A_292, %dma_start3A_293] : memref<10240x64xf32, #tpu.memory_space<hbm>> -> memref<10240x64xf32, #tpu.memory_space<hbm>>
        tpu.enqueue_indirect_dma source(%dma_start3A_294 : memref<10240x64xf32, #tpu.memory_space<hbm>>) target(%arg14 : memref<125x64xf32, #tpu.memory_space<vmem>>) offsets(%dma_start3A_291 : memref<125xi32, #tpu.memory_space<vmem>>) semaphore(%arg23 : memref<!tpu.dma_semaphore, #tpu.memory_space<semaphore_mem>>)
      } else {
      }
      %mul3A_147 = arith.constant 8 : i32
      %mul3A_148 = arith.muli %mul3A_147, %scan3A_66 : i32
      %add3A_149 = arith.constant 3 : i32
      %add3A_150 = arith.addi %mul3A_148, %add3A_149 : i32
      %dma_wait3A_151 = arith.constant 0 : i32
      %dma_wait3A_152 = tpu.memref_slice %arg6[%add3A_150, %dma_wait3A_151] : memref<80x125xi32, #tpu.memory_space<vmem>> -> memref<1x125xi32, #tpu.memory_space<vmem>>
      %dma_wait3A_153 = tpu.memref_squeeze %dma_wait3A_152 : memref<1x125xi32, #tpu.memory_space<vmem>> -> memref<125xi32, #tpu.memory_space<vmem>>
      %dma_wait3A_154 = arith.constant 0 : i32
      %dma_wait3A_155 = arith.constant 0 : i32
      %dma_wait3A_156 = tpu.memref_slice %arg2[%dma_wait3A_154, %dma_wait3A_155] : memref<10240x64xf32, #tpu.memory_space<hbm>> -> memref<10240x64xf32, #tpu.memory_space<hbm>>
      tpu.wait_indirect_dma semaphore(%arg20 : memref<!tpu.dma_semaphore, #tpu.memory_space<semaphore_mem>>) src(%dma_wait3A_156 : memref<10240x64xf32, #tpu.memory_space<hbm>>) dst(%arg11 : memref<125x64xf32, #tpu.memory_space<vmem>>)
      %dma_start3A_157 = arith.constant 0 : i32
      %dma_start3A_158 = tpu.memref_slice %arg7[%add3A_150, %dma_start3A_157] : memref<80x125xi32, #tpu.memory_space<vmem>> -> memref<1x125xi32, #tpu.memory_space<vmem>>
      %dma_start3A_159 = tpu.memref_squeeze %dma_start3A_158 : memref<1x125xi32, #tpu.memory_space<vmem>> -> memref<125xi32, #tpu.memory_space<vmem>>
      %dma_start3A_160 = arith.constant 0 : i32
      %dma_start3A_161 = arith.constant 0 : i32
      %dma_start3A_162 = tpu.memref_slice %arg16[%dma_start3A_160, %dma_start3A_161] : memref<10240x64xf32, #tpu.memory_space<vmem_shared>> -> memref<10240x64xf32, #tpu.memory_space<vmem_shared>>
      tpu.enqueue_indirect_dma source(%arg11 : memref<125x64xf32, #tpu.memory_space<vmem>>) target(%dma_start3A_162 : memref<10240x64xf32, #tpu.memory_space<vmem_shared>>) offsets(%dma_start3A_159 : memref<125xi32, #tpu.memory_space<vmem>>) semaphore(%arg28 : memref<!tpu.dma_semaphore, #tpu.memory_space<semaphore_mem>>) {add = true}
      %ge3A_163 = arith.constant 4 : i32
      %ge3A_164 = arith.cmpi sge, %add3A_150, %ge3A_163 : i32
      %convert_element_type3A_165 = arith.extui %ge3A_164 : i1 to i32
      %cond3A_166 = arith.constant 0 : i32
      %cond3A_167 = arith.cmpi ne, %convert_element_type3A_165, %cond3A_166 : i32
      scf.if %cond3A_167 {
        %sub3A = arith.constant 4 : i32
        %sub3A_287 = arith.subi %add3A_150, %sub3A : i32
        %dma_wait3A_288 = arith.constant 0 : i32
        %dma_wait3A_289 = tpu.memref_slice %arg7[%sub3A_287, %dma_wait3A_288] : memref<80x125xi32, #tpu.memory_space<vmem>> -> memref<1x125xi32, #tpu.memory_space<vmem>>
        %dma_wait3A_290 = tpu.memref_squeeze %dma_wait3A_289 : memref<1x125xi32, #tpu.memory_space<vmem>> -> memref<125xi32, #tpu.memory_space<vmem>>
        %dma_wait3A_291 = arith.constant 0 : i32
        %dma_wait3A_292 = arith.constant 0 : i32
        %dma_wait3A_293 = tpu.memref_slice %arg16[%dma_wait3A_291, %dma_wait3A_292] : memref<10240x64xf32, #tpu.memory_space<vmem_shared>> -> memref<10240x64xf32, #tpu.memory_space<vmem_shared>>
        tpu.wait_indirect_dma semaphore(%arg32 : memref<!tpu.dma_semaphore, #tpu.memory_space<semaphore_mem>>) src(%arg15 : memref<125x64xf32, #tpu.memory_space<vmem>>) dst(%dma_wait3A_293 : memref<10240x64xf32, #tpu.memory_space<vmem_shared>>)
      } else {
      }
      %add3A_168 = arith.constant 4 : i32
      %add3A_169 = arith.addi %add3A_150, %add3A_168 : i32
      %lt3A_170 = arith.constant 80 : i32
      %lt3A_171 = arith.cmpi slt, %add3A_169, %lt3A_170 : i32
      %convert_element_type3A_172 = arith.extui %lt3A_171 : i1 to i32
      %cond3A_173 = arith.constant 0 : i32
      %cond3A_174 = arith.cmpi ne, %convert_element_type3A_172, %cond3A_173 : i32
      scf.if %cond3A_174 {
        %add3A_287 = arith.constant 4 : i32
        %add3A_288 = arith.addi %add3A_150, %add3A_287 : i32
        %dma_start3A_289 = arith.constant 0 : i32
        %dma_start3A_290 = tpu.memref_slice %arg6[%add3A_288, %dma_start3A_289] : memref<80x125xi32, #tpu.memory_space<vmem>> -> memref<1x125xi32, #tpu.memory_space<vmem>>
        %dma_start3A_291 = tpu.memref_squeeze %dma_start3A_290 : memref<1x125xi32, #tpu.memory_space<vmem>> -> memref<125xi32, #tpu.memory_space<vmem>>
        %dma_start3A_292 = arith.constant 0 : i32
        %dma_start3A_293 = arith.constant 0 : i32
        %dma_start3A_294 = tpu.memref_slice %arg2[%dma_start3A_292, %dma_start3A_293] : memref<10240x64xf32, #tpu.memory_space<hbm>> -> memref<10240x64xf32, #tpu.memory_space<hbm>>
        tpu.enqueue_indirect_dma source(%dma_start3A_294 : memref<10240x64xf32, #tpu.memory_space<hbm>>) target(%arg15 : memref<125x64xf32, #tpu.memory_space<vmem>>) offsets(%dma_start3A_291 : memref<125xi32, #tpu.memory_space<vmem>>) semaphore(%arg24 : memref<!tpu.dma_semaphore, #tpu.memory_space<semaphore_mem>>)
      } else {
      }
      %mul3A_175 = arith.constant 8 : i32
      %mul3A_176 = arith.muli %mul3A_175, %scan3A_66 : i32
      %add3A_177 = arith.constant 4 : i32
      %add3A_178 = arith.addi %mul3A_176, %add3A_177 : i32
      %dma_wait3A_179 = arith.constant 0 : i32
      %dma_wait3A_180 = tpu.memref_slice %arg6[%add3A_178, %dma_wait3A_179] : memref<80x125xi32, #tpu.memory_space<vmem>> -> memref<1x125xi32, #tpu.memory_space<vmem>>
      %dma_wait3A_181 = tpu.memref_squeeze %dma_wait3A_180 : memref<1x125xi32, #tpu.memory_space<vmem>> -> memref<125xi32, #tpu.memory_space<vmem>>
      %dma_wait3A_182 = arith.constant 0 : i32
      %dma_wait3A_183 = arith.constant 0 : i32
      %dma_wait3A_184 = tpu.memref_slice %arg2[%dma_wait3A_182, %dma_wait3A_183] : memref<10240x64xf32, #tpu.memory_space<hbm>> -> memref<10240x64xf32, #tpu.memory_space<hbm>>
      tpu.wait_indirect_dma semaphore(%arg21 : memref<!tpu.dma_semaphore, #tpu.memory_space<semaphore_mem>>) src(%dma_wait3A_184 : memref<10240x64xf32, #tpu.memory_space<hbm>>) dst(%arg12 : memref<125x64xf32, #tpu.memory_space<vmem>>)
      %dma_start3A_185 = arith.constant 0 : i32
      %dma_start3A_186 = tpu.memref_slice %arg7[%add3A_178, %dma_start3A_185] : memref<80x125xi32, #tpu.memory_space<vmem>> -> memref<1x125xi32, #tpu.memory_space<vmem>>
      %dma_start3A_187 = tpu.memref_squeeze %dma_start3A_186 : memref<1x125xi32, #tpu.memory_space<vmem>> -> memref<125xi32, #tpu.memory_space<vmem>>
      %dma_start3A_188 = arith.constant 0 : i32
      %dma_start3A_189 = arith.constant 0 : i32
      %dma_start3A_190 = tpu.memref_slice %arg16[%dma_start3A_188, %dma_start3A_189] : memref<10240x64xf32, #tpu.memory_space<vmem_shared>> -> memref<10240x64xf32, #tpu.memory_space<vmem_shared>>
      tpu.enqueue_indirect_dma source(%arg12 : memref<125x64xf32, #tpu.memory_space<vmem>>) target(%dma_start3A_190 : memref<10240x64xf32, #tpu.memory_space<vmem_shared>>) offsets(%dma_start3A_187 : memref<125xi32, #tpu.memory_space<vmem>>) semaphore(%arg29 : memref<!tpu.dma_semaphore, #tpu.memory_space<semaphore_mem>>) {add = true}
      %ge3A_191 = arith.constant 4 : i32
      %ge3A_192 = arith.cmpi sge, %add3A_178, %ge3A_191 : i32
      %convert_element_type3A_193 = arith.extui %ge3A_192 : i1 to i32
      %cond3A_194 = arith.constant 0 : i32
      %cond3A_195 = arith.cmpi ne, %convert_element_type3A_193, %cond3A_194 : i32
      scf.if %cond3A_195 {
        %sub3A = arith.constant 4 : i32
        %sub3A_287 = arith.subi %add3A_178, %sub3A : i32
        %dma_wait3A_288 = arith.constant 0 : i32
        %dma_wait3A_289 = tpu.memref_slice %arg7[%sub3A_287, %dma_wait3A_288] : memref<80x125xi32, #tpu.memory_space<vmem>> -> memref<1x125xi32, #tpu.memory_space<vmem>>
        %dma_wait3A_290 = tpu.memref_squeeze %dma_wait3A_289 : memref<1x125xi32, #tpu.memory_space<vmem>> -> memref<125xi32, #tpu.memory_space<vmem>>
        %dma_wait3A_291 = arith.constant 0 : i32
        %dma_wait3A_292 = arith.constant 0 : i32
        %dma_wait3A_293 = tpu.memref_slice %arg16[%dma_wait3A_291, %dma_wait3A_292] : memref<10240x64xf32, #tpu.memory_space<vmem_shared>> -> memref<10240x64xf32, #tpu.memory_space<vmem_shared>>
        tpu.wait_indirect_dma semaphore(%arg25 : memref<!tpu.dma_semaphore, #tpu.memory_space<semaphore_mem>>) src(%arg8 : memref<125x64xf32, #tpu.memory_space<vmem>>) dst(%dma_wait3A_293 : memref<10240x64xf32, #tpu.memory_space<vmem_shared>>)
      } else {
      }
      %add3A_196 = arith.constant 4 : i32
      %add3A_197 = arith.addi %add3A_178, %add3A_196 : i32
      %lt3A_198 = arith.constant 80 : i32
      %lt3A_199 = arith.cmpi slt, %add3A_197, %lt3A_198 : i32
      %convert_element_type3A_200 = arith.extui %lt3A_199 : i1 to i32
      %cond3A_201 = arith.constant 0 : i32
      %cond3A_202 = arith.cmpi ne, %convert_element_type3A_200, %cond3A_201 : i32
      scf.if %cond3A_202 {
        %add3A_287 = arith.constant 4 : i32
        %add3A_288 = arith.addi %add3A_178, %add3A_287 : i32
        %dma_start3A_289 = arith.constant 0 : i32
        %dma_start3A_290 = tpu.memref_slice %arg6[%add3A_288, %dma_start3A_289] : memref<80x125xi32, #tpu.memory_space<vmem>> -> memref<1x125xi32, #tpu.memory_space<vmem>>
        %dma_start3A_291 = tpu.memref_squeeze %dma_start3A_290 : memref<1x125xi32, #tpu.memory_space<vmem>> -> memref<125xi32, #tpu.memory_space<vmem>>
        %dma_start3A_292 = arith.constant 0 : i32
        %dma_start3A_293 = arith.constant 0 : i32
        %dma_start3A_294 = tpu.memref_slice %arg2[%dma_start3A_292, %dma_start3A_293] : memref<10240x64xf32, #tpu.memory_space<hbm>> -> memref<10240x64xf32, #tpu.memory_space<hbm>>
        tpu.enqueue_indirect_dma source(%dma_start3A_294 : memref<10240x64xf32, #tpu.memory_space<hbm>>) target(%arg8 : memref<125x64xf32, #tpu.memory_space<vmem>>) offsets(%dma_start3A_291 : memref<125xi32, #tpu.memory_space<vmem>>) semaphore(%arg17 : memref<!tpu.dma_semaphore, #tpu.memory_space<semaphore_mem>>)
      } else {
      }
      %mul3A_203 = arith.constant 8 : i32
      %mul3A_204 = arith.muli %mul3A_203, %scan3A_66 : i32
      %add3A_205 = arith.constant 5 : i32
      %add3A_206 = arith.addi %mul3A_204, %add3A_205 : i32
      %dma_wait3A_207 = arith.constant 0 : i32
      %dma_wait3A_208 = tpu.memref_slice %arg6[%add3A_206, %dma_wait3A_207] : memref<80x125xi32, #tpu.memory_space<vmem>> -> memref<1x125xi32, #tpu.memory_space<vmem>>
      %dma_wait3A_209 = tpu.memref_squeeze %dma_wait3A_208 : memref<1x125xi32, #tpu.memory_space<vmem>> -> memref<125xi32, #tpu.memory_space<vmem>>
      %dma_wait3A_210 = arith.constant 0 : i32
      %dma_wait3A_211 = arith.constant 0 : i32
      %dma_wait3A_212 = tpu.memref_slice %arg2[%dma_wait3A_210, %dma_wait3A_211] : memref<10240x64xf32, #tpu.memory_space<hbm>> -> memref<10240x64xf32, #tpu.memory_space<hbm>>
      tpu.wait_indirect_dma semaphore(%arg22 : memref<!tpu.dma_semaphore, #tpu.memory_space<semaphore_mem>>) src(%dma_wait3A_212 : memref<10240x64xf32, #tpu.memory_space<hbm>>) dst(%arg13 : memref<125x64xf32, #tpu.memory_space<vmem>>)
      %dma_start3A_213 = arith.constant 0 : i32
      %dma_start3A_214 = tpu.memref_slice %arg7[%add3A_206, %dma_start3A_213] : memref<80x125xi32, #tpu.memory_space<vmem>> -> memref<1x125xi32, #tpu.memory_space<vmem>>
      %dma_start3A_215 = tpu.memref_squeeze %dma_start3A_214 : memref<1x125xi32, #tpu.memory_space<vmem>> -> memref<125xi32, #tpu.memory_space<vmem>>
      %dma_start3A_216 = arith.constant 0 : i32
      %dma_start3A_217 = arith.constant 0 : i32
      %dma_start3A_218 = tpu.memref_slice %arg16[%dma_start3A_216, %dma_start3A_217] : memref<10240x64xf32, #tpu.memory_space<vmem_shared>> -> memref<10240x64xf32, #tpu.memory_space<vmem_shared>>
      tpu.enqueue_indirect_dma source(%arg13 : memref<125x64xf32, #tpu.memory_space<vmem>>) target(%dma_start3A_218 : memref<10240x64xf32, #tpu.memory_space<vmem_shared>>) offsets(%dma_start3A_215 : memref<125xi32, #tpu.memory_space<vmem>>) semaphore(%arg30 : memref<!tpu.dma_semaphore, #tpu.memory_space<semaphore_mem>>) {add = true}
      %ge3A_219 = arith.constant 4 : i32
      %ge3A_220 = arith.cmpi sge, %add3A_206, %ge3A_219 : i32
      %convert_element_type3A_221 = arith.extui %ge3A_220 : i1 to i32
      %cond3A_222 = arith.constant 0 : i32
      %cond3A_223 = arith.cmpi ne, %convert_element_type3A_221, %cond3A_222 : i32
      scf.if %cond3A_223 {
        %sub3A = arith.constant 4 : i32
        %sub3A_287 = arith.subi %add3A_206, %sub3A : i32
        %dma_wait3A_288 = arith.constant 0 : i32
        %dma_wait3A_289 = tpu.memref_slice %arg7[%sub3A_287, %dma_wait3A_288] : memref<80x125xi32, #tpu.memory_space<vmem>> -> memref<1x125xi32, #tpu.memory_space<vmem>>
        %dma_wait3A_290 = tpu.memref_squeeze %dma_wait3A_289 : memref<1x125xi32, #tpu.memory_space<vmem>> -> memref<125xi32, #tpu.memory_space<vmem>>
        %dma_wait3A_291 = arith.constant 0 : i32
        %dma_wait3A_292 = arith.constant 0 : i32
        %dma_wait3A_293 = tpu.memref_slice %arg16[%dma_wait3A_291, %dma_wait3A_292] : memref<10240x64xf32, #tpu.memory_space<vmem_shared>> -> memref<10240x64xf32, #tpu.memory_space<vmem_shared>>
        tpu.wait_indirect_dma semaphore(%arg26 : memref<!tpu.dma_semaphore, #tpu.memory_space<semaphore_mem>>) src(%arg9 : memref<125x64xf32, #tpu.memory_space<vmem>>) dst(%dma_wait3A_293 : memref<10240x64xf32, #tpu.memory_space<vmem_shared>>)
      } else {
      }
      %add3A_224 = arith.constant 4 : i32
      %add3A_225 = arith.addi %add3A_206, %add3A_224 : i32
      %lt3A_226 = arith.constant 80 : i32
      %lt3A_227 = arith.cmpi slt, %add3A_225, %lt3A_226 : i32
      %convert_element_type3A_228 = arith.extui %lt3A_227 : i1 to i32
      %cond3A_229 = arith.constant 0 : i32
      %cond3A_230 = arith.cmpi ne, %convert_element_type3A_228, %cond3A_229 : i32
      scf.if %cond3A_230 {
        %add3A_287 = arith.constant 4 : i32
        %add3A_288 = arith.addi %add3A_206, %add3A_287 : i32
        %dma_start3A_289 = arith.constant 0 : i32
        %dma_start3A_290 = tpu.memref_slice %arg6[%add3A_288, %dma_start3A_289] : memref<80x125xi32, #tpu.memory_space<vmem>> -> memref<1x125xi32, #tpu.memory_space<vmem>>
        %dma_start3A_291 = tpu.memref_squeeze %dma_start3A_290 : memref<1x125xi32, #tpu.memory_space<vmem>> -> memref<125xi32, #tpu.memory_space<vmem>>
        %dma_start3A_292 = arith.constant 0 : i32
        %dma_start3A_293 = arith.constant 0 : i32
        %dma_start3A_294 = tpu.memref_slice %arg2[%dma_start3A_292, %dma_start3A_293] : memref<10240x64xf32, #tpu.memory_space<hbm>> -> memref<10240x64xf32, #tpu.memory_space<hbm>>
        tpu.enqueue_indirect_dma source(%dma_start3A_294 : memref<10240x64xf32, #tpu.memory_space<hbm>>) target(%arg9 : memref<125x64xf32, #tpu.memory_space<vmem>>) offsets(%dma_start3A_291 : memref<125xi32, #tpu.memory_space<vmem>>) semaphore(%arg18 : memref<!tpu.dma_semaphore, #tpu.memory_space<semaphore_mem>>)
      } else {
      }
      %mul3A_231 = arith.constant 8 : i32
      %mul3A_232 = arith.muli %mul3A_231, %scan3A_66 : i32
      %add3A_233 = arith.constant 6 : i32
      %add3A_234 = arith.addi %mul3A_232, %add3A_233 : i32
      %dma_wait3A_235 = arith.constant 0 : i32
      %dma_wait3A_236 = tpu.memref_slice %arg6[%add3A_234, %dma_wait3A_235] : memref<80x125xi32, #tpu.memory_space<vmem>> -> memref<1x125xi32, #tpu.memory_space<vmem>>
      %dma_wait3A_237 = tpu.memref_squeeze %dma_wait3A_236 : memref<1x125xi32, #tpu.memory_space<vmem>> -> memref<125xi32, #tpu.memory_space<vmem>>
      %dma_wait3A_238 = arith.constant 0 : i32
      %dma_wait3A_239 = arith.constant 0 : i32
      %dma_wait3A_240 = tpu.memref_slice %arg2[%dma_wait3A_238, %dma_wait3A_239] : memref<10240x64xf32, #tpu.memory_space<hbm>> -> memref<10240x64xf32, #tpu.memory_space<hbm>>
      tpu.wait_indirect_dma semaphore(%arg23 : memref<!tpu.dma_semaphore, #tpu.memory_space<semaphore_mem>>) src(%dma_wait3A_240 : memref<10240x64xf32, #tpu.memory_space<hbm>>) dst(%arg14 : memref<125x64xf32, #tpu.memory_space<vmem>>)
      %dma_start3A_241 = arith.constant 0 : i32
      %dma_start3A_242 = tpu.memref_slice %arg7[%add3A_234, %dma_start3A_241] : memref<80x125xi32, #tpu.memory_space<vmem>> -> memref<1x125xi32, #tpu.memory_space<vmem>>
      %dma_start3A_243 = tpu.memref_squeeze %dma_start3A_242 : memref<1x125xi32, #tpu.memory_space<vmem>> -> memref<125xi32, #tpu.memory_space<vmem>>
      %dma_start3A_244 = arith.constant 0 : i32
      %dma_start3A_245 = arith.constant 0 : i32
      %dma_start3A_246 = tpu.memref_slice %arg16[%dma_start3A_244, %dma_start3A_245] : memref<10240x64xf32, #tpu.memory_space<vmem_shared>> -> memref<10240x64xf32, #tpu.memory_space<vmem_shared>>
      tpu.enqueue_indirect_dma source(%arg14 : memref<125x64xf32, #tpu.memory_space<vmem>>) target(%dma_start3A_246 : memref<10240x64xf32, #tpu.memory_space<vmem_shared>>) offsets(%dma_start3A_243 : memref<125xi32, #tpu.memory_space<vmem>>) semaphore(%arg31 : memref<!tpu.dma_semaphore, #tpu.memory_space<semaphore_mem>>) {add = true}
      %ge3A_247 = arith.constant 4 : i32
      %ge3A_248 = arith.cmpi sge, %add3A_234, %ge3A_247 : i32
      %convert_element_type3A_249 = arith.extui %ge3A_248 : i1 to i32
      %cond3A_250 = arith.constant 0 : i32
      %cond3A_251 = arith.cmpi ne, %convert_element_type3A_249, %cond3A_250 : i32
      scf.if %cond3A_251 {
        %sub3A = arith.constant 4 : i32
        %sub3A_287 = arith.subi %add3A_234, %sub3A : i32
        %dma_wait3A_288 = arith.constant 0 : i32
        %dma_wait3A_289 = tpu.memref_slice %arg7[%sub3A_287, %dma_wait3A_288] : memref<80x125xi32, #tpu.memory_space<vmem>> -> memref<1x125xi32, #tpu.memory_space<vmem>>
        %dma_wait3A_290 = tpu.memref_squeeze %dma_wait3A_289 : memref<1x125xi32, #tpu.memory_space<vmem>> -> memref<125xi32, #tpu.memory_space<vmem>>
        %dma_wait3A_291 = arith.constant 0 : i32
        %dma_wait3A_292 = arith.constant 0 : i32
        %dma_wait3A_293 = tpu.memref_slice %arg16[%dma_wait3A_291, %dma_wait3A_292] : memref<10240x64xf32, #tpu.memory_space<vmem_shared>> -> memref<10240x64xf32, #tpu.memory_space<vmem_shared>>
        tpu.wait_indirect_dma semaphore(%arg27 : memref<!tpu.dma_semaphore, #tpu.memory_space<semaphore_mem>>) src(%arg10 : memref<125x64xf32, #tpu.memory_space<vmem>>) dst(%dma_wait3A_293 : memref<10240x64xf32, #tpu.memory_space<vmem_shared>>)
      } else {
      }
      %add3A_252 = arith.constant 4 : i32
      %add3A_253 = arith.addi %add3A_234, %add3A_252 : i32
      %lt3A_254 = arith.constant 80 : i32
      %lt3A_255 = arith.cmpi slt, %add3A_253, %lt3A_254 : i32
      %convert_element_type3A_256 = arith.extui %lt3A_255 : i1 to i32
      %cond3A_257 = arith.constant 0 : i32
      %cond3A_258 = arith.cmpi ne, %convert_element_type3A_256, %cond3A_257 : i32
      scf.if %cond3A_258 {
        %add3A_287 = arith.constant 4 : i32
        %add3A_288 = arith.addi %add3A_234, %add3A_287 : i32
        %dma_start3A_289 = arith.constant 0 : i32
        %dma_start3A_290 = tpu.memref_slice %arg6[%add3A_288, %dma_start3A_289] : memref<80x125xi32, #tpu.memory_space<vmem>> -> memref<1x125xi32, #tpu.memory_space<vmem>>
        %dma_start3A_291 = tpu.memref_squeeze %dma_start3A_290 : memref<1x125xi32, #tpu.memory_space<vmem>> -> memref<125xi32, #tpu.memory_space<vmem>>
        %dma_start3A_292 = arith.constant 0 : i32
        %dma_start3A_293 = arith.constant 0 : i32
        %dma_start3A_294 = tpu.memref_slice %arg2[%dma_start3A_292, %dma_start3A_293] : memref<10240x64xf32, #tpu.memory_space<hbm>> -> memref<10240x64xf32, #tpu.memory_space<hbm>>
        tpu.enqueue_indirect_dma source(%dma_start3A_294 : memref<10240x64xf32, #tpu.memory_space<hbm>>) target(%arg10 : memref<125x64xf32, #tpu.memory_space<vmem>>) offsets(%dma_start3A_291 : memref<125xi32, #tpu.memory_space<vmem>>) semaphore(%arg19 : memref<!tpu.dma_semaphore, #tpu.memory_space<semaphore_mem>>)
      } else {
      }
      %mul3A_259 = arith.constant 8 : i32
      %mul3A_260 = arith.muli %mul3A_259, %scan3A_66 : i32
      %add3A_261 = arith.constant 7 : i32
      %add3A_262 = arith.addi %mul3A_260, %add3A_261 : i32
      %dma_wait3A_263 = arith.constant 0 : i32
      %dma_wait3A_264 = tpu.memref_slice %arg6[%add3A_262, %dma_wait3A_263] : memref<80x125xi32, #tpu.memory_space<vmem>> -> memref<1x125xi32, #tpu.memory_space<vmem>>
      %dma_wait3A_265 = tpu.memref_squeeze %dma_wait3A_264 : memref<1x125xi32, #tpu.memory_space<vmem>> -> memref<125xi32, #tpu.memory_space<vmem>>
      %dma_wait3A_266 = arith.constant 0 : i32
      %dma_wait3A_267 = arith.constant 0 : i32
      %dma_wait3A_268 = tpu.memref_slice %arg2[%dma_wait3A_266, %dma_wait3A_267] : memref<10240x64xf32, #tpu.memory_space<hbm>> -> memref<10240x64xf32, #tpu.memory_space<hbm>>
      tpu.wait_indirect_dma semaphore(%arg24 : memref<!tpu.dma_semaphore, #tpu.memory_space<semaphore_mem>>) src(%dma_wait3A_268 : memref<10240x64xf32, #tpu.memory_space<hbm>>) dst(%arg15 : memref<125x64xf32, #tpu.memory_space<vmem>>)
      %dma_start3A_269 = arith.constant 0 : i32
      %dma_start3A_270 = tpu.memref_slice %arg7[%add3A_262, %dma_start3A_269] : memref<80x125xi32, #tpu.memory_space<vmem>> -> memref<1x125xi32, #tpu.memory_space<vmem>>
      %dma_start3A_271 = tpu.memref_squeeze %dma_start3A_270 : memref<1x125xi32, #tpu.memory_space<vmem>> -> memref<125xi32, #tpu.memory_space<vmem>>
      %dma_start3A_272 = arith.constant 0 : i32
      %dma_start3A_273 = arith.constant 0 : i32
      %dma_start3A_274 = tpu.memref_slice %arg16[%dma_start3A_272, %dma_start3A_273] : memref<10240x64xf32, #tpu.memory_space<vmem_shared>> -> memref<10240x64xf32, #tpu.memory_space<vmem_shared>>
      tpu.enqueue_indirect_dma source(%arg15 : memref<125x64xf32, #tpu.memory_space<vmem>>) target(%dma_start3A_274 : memref<10240x64xf32, #tpu.memory_space<vmem_shared>>) offsets(%dma_start3A_271 : memref<125xi32, #tpu.memory_space<vmem>>) semaphore(%arg32 : memref<!tpu.dma_semaphore, #tpu.memory_space<semaphore_mem>>) {add = true}
      %ge3A_275 = arith.constant 4 : i32
      %ge3A_276 = arith.cmpi sge, %add3A_262, %ge3A_275 : i32
      %convert_element_type3A_277 = arith.extui %ge3A_276 : i1 to i32
      %cond3A_278 = arith.constant 0 : i32
      %cond3A_279 = arith.cmpi ne, %convert_element_type3A_277, %cond3A_278 : i32
      scf.if %cond3A_279 {
        %sub3A = arith.constant 4 : i32
        %sub3A_287 = arith.subi %add3A_262, %sub3A : i32
        %dma_wait3A_288 = arith.constant 0 : i32
        %dma_wait3A_289 = tpu.memref_slice %arg7[%sub3A_287, %dma_wait3A_288] : memref<80x125xi32, #tpu.memory_space<vmem>> -> memref<1x125xi32, #tpu.memory_space<vmem>>
        %dma_wait3A_290 = tpu.memref_squeeze %dma_wait3A_289 : memref<1x125xi32, #tpu.memory_space<vmem>> -> memref<125xi32, #tpu.memory_space<vmem>>
        %dma_wait3A_291 = arith.constant 0 : i32
        %dma_wait3A_292 = arith.constant 0 : i32
        %dma_wait3A_293 = tpu.memref_slice %arg16[%dma_wait3A_291, %dma_wait3A_292] : memref<10240x64xf32, #tpu.memory_space<vmem_shared>> -> memref<10240x64xf32, #tpu.memory_space<vmem_shared>>
        tpu.wait_indirect_dma semaphore(%arg28 : memref<!tpu.dma_semaphore, #tpu.memory_space<semaphore_mem>>) src(%arg11 : memref<125x64xf32, #tpu.memory_space<vmem>>) dst(%dma_wait3A_293 : memref<10240x64xf32, #tpu.memory_space<vmem_shared>>)
      } else {
      }
      %add3A_280 = arith.constant 4 : i32
      %add3A_281 = arith.addi %add3A_262, %add3A_280 : i32
      %lt3A_282 = arith.constant 80 : i32
      %lt3A_283 = arith.cmpi slt, %add3A_281, %lt3A_282 : i32
      %convert_element_type3A_284 = arith.extui %lt3A_283 : i1 to i32
      %cond3A_285 = arith.constant 0 : i32
      %cond3A_286 = arith.cmpi ne, %convert_element_type3A_284, %cond3A_285 : i32
      scf.if %cond3A_286 {
        %add3A_287 = arith.constant 4 : i32
        %add3A_288 = arith.addi %add3A_262, %add3A_287 : i32
        %dma_start3A_289 = arith.constant 0 : i32
        %dma_start3A_290 = tpu.memref_slice %arg6[%add3A_288, %dma_start3A_289] : memref<80x125xi32, #tpu.memory_space<vmem>> -> memref<1x125xi32, #tpu.memory_space<vmem>>
        %dma_start3A_291 = tpu.memref_squeeze %dma_start3A_290 : memref<1x125xi32, #tpu.memory_space<vmem>> -> memref<125xi32, #tpu.memory_space<vmem>>
        %dma_start3A_292 = arith.constant 0 : i32
        %dma_start3A_293 = arith.constant 0 : i32
        %dma_start3A_294 = tpu.memref_slice %arg2[%dma_start3A_292, %dma_start3A_293] : memref<10240x64xf32, #tpu.memory_space<hbm>> -> memref<10240x64xf32, #tpu.memory_space<hbm>>
        tpu.enqueue_indirect_dma source(%dma_start3A_294 : memref<10240x64xf32, #tpu.memory_space<hbm>>) target(%arg11 : memref<125x64xf32, #tpu.memory_space<vmem>>) offsets(%dma_start3A_291 : memref<125xi32, #tpu.memory_space<vmem>>) semaphore(%arg20 : memref<!tpu.dma_semaphore, #tpu.memory_space<semaphore_mem>>)
      } else {
      }
    }
    %scan3A_35 = arith.constant 10 : i32
    %dma_wait3A = arith.constant 76 : i32
    %dma_wait3A_36 = arith.constant 0 : i32
    %dma_wait3A_37 = tpu.memref_slice %arg7[%dma_wait3A, %dma_wait3A_36] : memref<80x125xi32, #tpu.memory_space<vmem>> -> memref<1x125xi32, #tpu.memory_space<vmem>>
    %dma_wait3A_38 = tpu.memref_squeeze %dma_wait3A_37 : memref<1x125xi32, #tpu.memory_space<vmem>> -> memref<125xi32, #tpu.memory_space<vmem>>
    %dma_wait3A_39 = arith.constant 0 : i32
    %dma_wait3A_40 = arith.constant 0 : i32
    %dma_wait3A_41 = tpu.memref_slice %arg16[%dma_wait3A_39, %dma_wait3A_40] : memref<10240x64xf32, #tpu.memory_space<vmem_shared>> -> memref<10240x64xf32, #tpu.memory_space<vmem_shared>>
    tpu.wait_indirect_dma semaphore(%arg29 : memref<!tpu.dma_semaphore, #tpu.memory_space<semaphore_mem>>) src(%arg12 : memref<125x64xf32, #tpu.memory_space<vmem>>) dst(%dma_wait3A_41 : memref<10240x64xf32, #tpu.memory_space<vmem_shared>>)
    %dma_wait3A_42 = arith.constant 77 : i32
    %dma_wait3A_43 = arith.constant 0 : i32
    %dma_wait3A_44 = tpu.memref_slice %arg7[%dma_wait3A_42, %dma_wait3A_43] : memref<80x125xi32, #tpu.memory_space<vmem>> -> memref<1x125xi32, #tpu.memory_space<vmem>>
    %dma_wait3A_45 = tpu.memref_squeeze %dma_wait3A_44 : memref<1x125xi32, #tpu.memory_space<vmem>> -> memref<125xi32, #tpu.memory_space<vmem>>
    %dma_wait3A_46 = arith.constant 0 : i32
    %dma_wait3A_47 = arith.constant 0 : i32
    %dma_wait3A_48 = tpu.memref_slice %arg16[%dma_wait3A_46, %dma_wait3A_47] : memref<10240x64xf32, #tpu.memory_space<vmem_shared>> -> memref<10240x64xf32, #tpu.memory_space<vmem_shared>>
    tpu.wait_indirect_dma semaphore(%arg30 : memref<!tpu.dma_semaphore, #tpu.memory_space<semaphore_mem>>) src(%arg13 : memref<125x64xf32, #tpu.memory_space<vmem>>) dst(%dma_wait3A_48 : memref<10240x64xf32, #tpu.memory_space<vmem_shared>>)
    %dma_wait3A_49 = arith.constant 78 : i32
    %dma_wait3A_50 = arith.constant 0 : i32
    %dma_wait3A_51 = tpu.memref_slice %arg7[%dma_wait3A_49, %dma_wait3A_50] : memref<80x125xi32, #tpu.memory_space<vmem>> -> memref<1x125xi32, #tpu.memory_space<vmem>>
    %dma_wait3A_52 = tpu.memref_squeeze %dma_wait3A_51 : memref<1x125xi32, #tpu.memory_space<vmem>> -> memref<125xi32, #tpu.memory_space<vmem>>
    %dma_wait3A_53 = arith.constant 0 : i32
    %dma_wait3A_54 = arith.constant 0 : i32
    %dma_wait3A_55 = tpu.memref_slice %arg16[%dma_wait3A_53, %dma_wait3A_54] : memref<10240x64xf32, #tpu.memory_space<vmem_shared>> -> memref<10240x64xf32, #tpu.memory_space<vmem_shared>>
    tpu.wait_indirect_dma semaphore(%arg31 : memref<!tpu.dma_semaphore, #tpu.memory_space<semaphore_mem>>) src(%arg14 : memref<125x64xf32, #tpu.memory_space<vmem>>) dst(%dma_wait3A_55 : memref<10240x64xf32, #tpu.memory_space<vmem_shared>>)
    %dma_wait3A_56 = arith.constant 79 : i32
    %dma_wait3A_57 = arith.constant 0 : i32
    %dma_wait3A_58 = tpu.memref_slice %arg7[%dma_wait3A_56, %dma_wait3A_57] : memref<80x125xi32, #tpu.memory_space<vmem>> -> memref<1x125xi32, #tpu.memory_space<vmem>>
    %dma_wait3A_59 = tpu.memref_squeeze %dma_wait3A_58 : memref<1x125xi32, #tpu.memory_space<vmem>> -> memref<125xi32, #tpu.memory_space<vmem>>
    %dma_wait3A_60 = arith.constant 0 : i32
    %dma_wait3A_61 = arith.constant 0 : i32
    %dma_wait3A_62 = tpu.memref_slice %arg16[%dma_wait3A_60, %dma_wait3A_61] : memref<10240x64xf32, #tpu.memory_space<vmem_shared>> -> memref<10240x64xf32, #tpu.memory_space<vmem_shared>>
    tpu.wait_indirect_dma semaphore(%arg32 : memref<!tpu.dma_semaphore, #tpu.memory_space<semaphore_mem>>) src(%arg15 : memref<125x64xf32, #tpu.memory_space<vmem>>) dst(%dma_wait3A_62 : memref<10240x64xf32, #tpu.memory_space<vmem_shared>>)
    %barrier3A_63 = arith.constant 0 : index
    tpu.barrier barrier_id(%barrier3A_63)
    %mul3A_64 = arith.constant 640 : i32
    %mul3A_65 = arith.muli %arg1, %mul3A_64 : i32
    "tpu.region"() ({
      %run_scoped3A_66 = tpu.sem_alloc : memref<!tpu.dma_semaphore, #tpu.memory_space<semaphore_mem>>
      %dma_start3A_67 = arith.constant 0 : i32
      %dma_start3A_68 = tpu.memref_slice %arg5[%arg0, %mul3A_65, %dma_start3A_67] : memref<2x10240x64xf32, #tpu.memory_space<hbm>> -> memref<1x640x64xf32, #tpu.memory_space<hbm>>
      %dma_start3A_69 = tpu.memref_squeeze %dma_start3A_68 : memref<1x640x64xf32, #tpu.memory_space<hbm>> -> memref<640x64xf32, #tpu.memory_space<hbm>>
      %dma_start3A_70 = arith.constant 0 : i32
      %dma_start3A_71 = tpu.memref_slice %arg16[%mul3A_65, %dma_start3A_70] : memref<10240x64xf32, #tpu.memory_space<vmem_shared>> -> memref<640x64xf32, #tpu.memory_space<vmem_shared>>
      tpu.enqueue_dma source(%dma_start3A_71 : memref<640x64xf32, #tpu.memory_space<vmem_shared>>) target(%dma_start3A_69 : memref<640x64xf32, #tpu.memory_space<hbm>>) target_semaphore(%run_scoped3A_66 : memref<!tpu.dma_semaphore, #tpu.memory_space<semaphore_mem>>)
      %dma_wait3A_72 = arith.constant 0 : i32
      %dma_wait3A_73 = tpu.memref_slice %arg5[%arg0, %mul3A_65, %dma_wait3A_72] : memref<2x10240x64xf32, #tpu.memory_space<hbm>> -> memref<1x640x64xf32, #tpu.memory_space<hbm>>
      %dma_wait3A_74 = tpu.memref_squeeze %dma_wait3A_73 : memref<1x640x64xf32, #tpu.memory_space<hbm>> -> memref<640x64xf32, #tpu.memory_space<hbm>>
      %dma_wait3A_75 = arith.constant 0 : i32
      %dma_wait3A_76 = tpu.memref_slice %arg16[%mul3A_65, %dma_wait3A_75] : memref<10240x64xf32, #tpu.memory_space<vmem_shared>> -> memref<640x64xf32, #tpu.memory_space<vmem_shared>>
      tpu.wait_dma2 semaphore(%run_scoped3A_66 : memref<!tpu.dma_semaphore, #tpu.memory_space<semaphore_mem>>) src(%dma_wait3A_76 : memref<640x64xf32, #tpu.memory_space<vmem_shared>>) dst(%dma_wait3A_74 : memref<640x64xf32, #tpu.memory_space<hbm>>)
      tpu.yield
    }) : () -> ()
    return
  }
}

module attributes {stable_mosaic.version = 14 : i64} {
  func.func @_mm1_body(%arg0: i32, %arg1: memref<2048x128xf32, #tpu.memory_space<vmem>>, %arg2: memref<128x64xf32, #tpu.memory_space<vmem>>, %arg3: memref<2x2048xf32, #tpu.memory_space<vmem>>, %arg4: memref<2048x64xf32, #tpu.memory_space<vmem>>, %arg5: memref<2048x16xf32, #tpu.memory_space<vmem>>) attributes {dimension_semantics = [#tpu.dimension_semantics<arbitrary>], iteration_bounds = array<i64: 5>, scalar_prefetch = 0 : i64, scratch_operands = 0 : i64, tpu.core_type = #tpu.core_type<tc>, window_params = [{transform_indices = @transform_0, window_bounds = array<i64: 2048, 128>}, {pipeline_mode = #tpu.pipeline_mode<synchronous>, transform_indices = @transform_1, window_bounds = array<i64: 128, 64>}, {transform_indices = @transform_2, window_bounds = array<i64: 2, 2048>}, {transform_indices = @transform_3, window_bounds = array<i64: 2048, 64>}, {transform_indices = @transform_4, window_bounds = array<i64: 2048, 16>}]} {
    %get3A = arith.constant 0 : index
    %get3A_0 = arith.constant 0 : index
    %get3A_1 = vector.load %arg3[%get3A, %get3A_0] : memref<2x2048xf32, #tpu.memory_space<vmem>>, vector<1x2048xf32>
    %get3A_2 = arith.constant 1 : index
    %get3A_3 = arith.constant 0 : index
    %get3A_4 = vector.load %arg3[%get3A_2, %get3A_3] : memref<2x2048xf32, #tpu.memory_space<vmem>>, vector<1x2048xf32>
    %add3A = arith.addf %get3A_1, %get3A_4 : vector<1x2048xf32>
    %add3A_5 = arith.constant 1.000000e+00 : f32
    %add3A_6 = vector.broadcast %add3A_5 : f32 to vector<1x2048xf32>
    %add3A_7 = arith.addf %add3A, %add3A_6 : vector<1x2048xf32>
    %rsqrt3A = math.rsqrt %add3A_7 : vector<1x2048xf32>
    %transpose3A = tpu.transpose %rsqrt3A, [1, 0] : vector<1x2048xf32> -> vector<2048x1xf32>
    %get3A_8 = arith.constant 0 : index
    %get3A_9 = arith.constant 0 : index
    %get3A_10 = vector.load %arg1[%get3A_8, %get3A_9] : memref<2048x128xf32, #tpu.memory_space<vmem>>, vector<2048x128xf32>
    %get3A_11 = arith.constant 0 : index
    %get3A_12 = arith.constant 0 : index
    %get3A_13 = vector.load %arg2[%get3A_11, %get3A_12] : memref<128x64xf32, #tpu.memory_space<vmem>>, vector<128x64xf32>
    %dot_general3A = arith.constant dense<0.000000e+00> : vector<2048x64xf32>
    %dot_general3A_14 = tpu.matmul %get3A_10, %get3A_13, %dot_general3A {dimension_numbers = #tpu.dot_dimension_numbers<[1], [0], [0], [1], [0, 0, 1, 1], [], []>, transpose_lhs_hint = false} : vector<2048x128xf32>, vector<128x64xf32>, vector<2048x64xf32> -> vector<2048x64xf32>
    %iota3A = tpu.iota {dimensions = array<i32: 0>} : vector<2048x64xi32>
    %mul3A = arith.constant 2048 : i32
    %mul3A_15 = arith.muli %arg0, %mul3A : i32
    %add3A_16 = vector.broadcast %mul3A_15 : i32 to vector<2048x64xi32>
    %add3A_17 = arith.addi %iota3A, %add3A_16 : vector<2048x64xi32>
    %lt3A = arith.constant 10000 : i32
    %lt3A_18 = vector.broadcast %lt3A : i32 to vector<2048x64xi32>
    %lt3A_19 = arith.cmpi slt, %add3A_17, %lt3A_18 : vector<2048x64xi32>
    %mul3A_20 = vector.broadcast %transpose3A : vector<2048x1xf32> to vector<2048x64xf32>
    %mul3A_21 = arith.mulf %dot_general3A_14, %mul3A_20 : vector<2048x64xf32>
    %jit3A = arith.constant 0.000000e+00 : f32
    %broadcast_in_dim3A = vector.broadcast %jit3A : f32 to vector<2048x64xf32>
    %select_n3A = arith.select %lt3A_19, %mul3A_21, %broadcast_in_dim3A : vector<2048x64xi1>, vector<2048x64xf32>
    %swap3A = arith.constant 0 : index
    %swap3A_22 = arith.constant 0 : index
    %swap3A_23 = vector.load %arg4[%swap3A, %swap3A_22] : memref<2048x64xf32, #tpu.memory_space<vmem>>, vector<2048x64xf32>
    tpu.vector_store %arg4[%swap3A, %swap3A_22], %select_n3A {strides = array<i32>} : memref<2048x64xf32, #tpu.memory_space<vmem>>, vector<2048x64xf32>,
    %broadcast_in_dim3A_24 = vector.shape_cast %transpose3A : vector<2048x1xf32> to vector<2048x1xf32>
    %broadcast_in_dim3A_25 = vector.broadcast %broadcast_in_dim3A_24 : vector<2048x1xf32> to vector<2048x16xf32>
    %swap3A_26 = arith.constant 0 : index
    %swap3A_27 = arith.constant 0 : index
    %swap3A_28 = vector.load %arg5[%swap3A_26, %swap3A_27] : memref<2048x16xf32, #tpu.memory_space<vmem>>, vector<2048x16xf32>
    tpu.vector_store %arg5[%swap3A_26, %swap3A_27], %broadcast_in_dim3A_25 {strides = array<i32>} : memref<2048x16xf32, #tpu.memory_space<vmem>>, vector<2048x16xf32>,
    return
  }
  func.func @transform_0(%arg0: i32) -> (i32, i32) {
    %c0_i32 = arith.constant 0 : i32
    %c0_i32_0 = arith.constant 0 : i32
    return %arg0, %c0_i32 : i32, i32
  }
  func.func @transform_1(%arg0: i32) -> (i32, i32) {
    %c0_i32 = arith.constant 0 : i32
    %c0_i32_0 = arith.constant 0 : i32
    %c0_i32_1 = arith.constant 0 : i32
    return %c0_i32, %c0_i32_0 : i32, i32
  }
  func.func @transform_2(%arg0: i32) -> (i32, i32) {
    %c0_i32 = arith.constant 0 : i32
    %c0_i32_0 = arith.constant 0 : i32
    return %c0_i32, %arg0 : i32, i32
  }
  func.func @transform_3(%arg0: i32) -> (i32, i32) {
    %c0_i32 = arith.constant 0 : i32
    %c0_i32_0 = arith.constant 0 : i32
    return %arg0, %c0_i32 : i32, i32
  }
  func.func @transform_4(%arg0: i32) -> (i32, i32) {
    %c0_i32 = arith.constant 0 : i32
    %c0_i32_0 = arith.constant 0 : i32
    return %arg0, %c0_i32 : i32, i32
  }
}

module attributes {stable_mosaic.version = 14 : i64} {
  func.func @_mm2_body(%arg0: i32, %arg1: memref<2x2048x64xf32, #tpu.memory_space<vmem>>, %arg2: memref<2048x64xf32, #tpu.memory_space<vmem>>, %arg3: memref<2048x16xf32, #tpu.memory_space<vmem>>, %arg4: memref<1x64xf32, #tpu.memory_space<vmem>>, %arg5: memref<64x40xf32, #tpu.memory_space<vmem>>, %arg6: memref<2048x40xf32, #tpu.memory_space<vmem>>) attributes {dimension_semantics = [#tpu.dimension_semantics<arbitrary>], iteration_bounds = array<i64: 5>, scalar_prefetch = 0 : i64, scratch_operands = 0 : i64, tpu.core_type = #tpu.core_type<tc>, window_params = [{transform_indices = @transform_0, window_bounds = array<i64: 2, 2048, 64>}, {transform_indices = @transform_1, window_bounds = array<i64: 2048, 64>}, {transform_indices = @transform_2, window_bounds = array<i64: 2048, 16>}, {pipeline_mode = #tpu.pipeline_mode<synchronous>, transform_indices = @transform_3, window_bounds = array<i64: 1, 64>}, {pipeline_mode = #tpu.pipeline_mode<synchronous>, transform_indices = @transform_4, window_bounds = array<i64: 64, 40>}, {transform_indices = @transform_5, window_bounds = array<i64: 2048, 40>}]} {
    %get3A = arith.constant 0 : index
    %get3A_0 = arith.constant 0 : index
    %get3A_1 = vector.load %arg3[%get3A, %get3A_0] : memref<2048x16xf32, #tpu.memory_space<vmem>>, vector<2048x1xf32>
    %get3A_2 = arith.constant 0 : index
    %get3A_3 = arith.constant 0 : index
    %get3A_4 = arith.constant 0 : index
    %get3A_5 = vector.load %arg1[%get3A_2, %get3A_3, %get3A_4] : memref<2x2048x64xf32, #tpu.memory_space<vmem>>, vector<1x2048x64xf32>
    %get3A_6 = vector.shape_cast %get3A_5 : vector<1x2048x64xf32> to vector<2048x64xf32>
    %get3A_7 = arith.constant 1 : index
    %get3A_8 = arith.constant 0 : index
    %get3A_9 = arith.constant 0 : index
    %get3A_10 = vector.load %arg1[%get3A_7, %get3A_8, %get3A_9] : memref<2x2048x64xf32, #tpu.memory_space<vmem>>, vector<1x2048x64xf32>
    %get3A_11 = vector.shape_cast %get3A_10 : vector<1x2048x64xf32> to vector<2048x64xf32>
    %add3A = arith.addf %get3A_6, %get3A_11 : vector<2048x64xf32>
    %get3A_12 = arith.constant 0 : index
    %get3A_13 = arith.constant 0 : index
    %get3A_14 = vector.load %arg2[%get3A_12, %get3A_13] : memref<2048x64xf32, #tpu.memory_space<vmem>>, vector<2048x64xf32>
    %add3A_15 = arith.addf %add3A, %get3A_14 : vector<2048x64xf32>
    %mul3A = vector.broadcast %get3A_1 : vector<2048x1xf32> to vector<2048x64xf32>
    %mul3A_16 = arith.mulf %add3A_15, %mul3A : vector<2048x64xf32>
    %get3A_17 = arith.constant 0 : index
    %get3A_18 = arith.constant 0 : index
    %get3A_19 = vector.load %arg4[%get3A_17, %get3A_18] : memref<1x64xf32, #tpu.memory_space<vmem>>, vector<1x64xf32>
    %add3A_20 = vector.broadcast %get3A_19 : vector<1x64xf32> to vector<2048x64xf32>
    %add3A_21 = arith.addf %mul3A_16, %add3A_20 : vector<2048x64xf32>
    %max3A = arith.constant 0.000000e+00 : f32
    %max3A_22 = vector.broadcast %max3A : f32 to vector<2048x64xf32>
    %max3A_23 = arith.maximumf %add3A_21, %max3A_22 : vector<2048x64xf32>
    %get3A_24 = arith.constant 0 : index
    %get3A_25 = arith.constant 0 : index
    %get3A_26 = vector.load %arg5[%get3A_24, %get3A_25] : memref<64x40xf32, #tpu.memory_space<vmem>>, vector<64x40xf32>
    %dot_general3A = arith.constant dense<0.000000e+00> : vector<2048x40xf32>
    %dot_general3A_27 = tpu.matmul %max3A_23, %get3A_26, %dot_general3A {dimension_numbers = #tpu.dot_dimension_numbers<[1], [0], [0], [1], [0, 0, 1, 1], [], []>, transpose_lhs_hint = false} : vector<2048x64xf32>, vector<64x40xf32>, vector<2048x40xf32> -> vector<2048x40xf32>
    %mul3A_28 = vector.broadcast %get3A_1 : vector<2048x1xf32> to vector<2048x40xf32>
    %mul3A_29 = arith.mulf %dot_general3A_27, %mul3A_28 : vector<2048x40xf32>
    %iota3A = tpu.iota {dimensions = array<i32: 0>} : vector<2048x40xi32>
    %mul3A_30 = arith.constant 2048 : i32
    %mul3A_31 = arith.muli %arg0, %mul3A_30 : i32
    %add3A_32 = vector.broadcast %mul3A_31 : i32 to vector<2048x40xi32>
    %add3A_33 = arith.addi %iota3A, %add3A_32 : vector<2048x40xi32>
    %lt3A = arith.constant 10000 : i32
    %lt3A_34 = vector.broadcast %lt3A : i32 to vector<2048x40xi32>
    %lt3A_35 = arith.cmpi slt, %add3A_33, %lt3A_34 : vector<2048x40xi32>
    %jit3A = arith.constant 0.000000e+00 : f32
    %broadcast_in_dim3A = vector.broadcast %jit3A : f32 to vector<2048x40xf32>
    %select_n3A = arith.select %lt3A_35, %mul3A_29, %broadcast_in_dim3A : vector<2048x40xi1>, vector<2048x40xf32>
    %swap3A = arith.constant 0 : index
    %swap3A_36 = arith.constant 0 : index
    %swap3A_37 = vector.load %arg6[%swap3A, %swap3A_36] : memref<2048x40xf32, #tpu.memory_space<vmem>>, vector<2048x40xf32>
    tpu.vector_store %arg6[%swap3A, %swap3A_36], %select_n3A {strides = array<i32>} : memref<2048x40xf32, #tpu.memory_space<vmem>>, vector<2048x40xf32>,
    return
  }
  func.func @transform_0(%arg0: i32) -> (i32, i32, i32) {
    %c0_i32 = arith.constant 0 : i32
    %c0_i32_0 = arith.constant 0 : i32
    %c0_i32_1 = arith.constant 0 : i32
    return %c0_i32, %arg0, %c0_i32_0 : i32, i32, i32
  }
  func.func @transform_1(%arg0: i32) -> (i32, i32) {
    %c0_i32 = arith.constant 0 : i32
    %c0_i32_0 = arith.constant 0 : i32
    return %arg0, %c0_i32 : i32, i32
  }
  func.func @transform_2(%arg0: i32) -> (i32, i32) {
    %c0_i32 = arith.constant 0 : i32
    %c0_i32_0 = arith.constant 0 : i32
    return %arg0, %c0_i32 : i32, i32
  }
  func.func @transform_3(%arg0: i32) -> (i32, i32) {
    %c0_i32 = arith.constant 0 : i32
    %c0_i32_0 = arith.constant 0 : i32
    %c0_i32_1 = arith.constant 0 : i32
    return %c0_i32, %c0_i32_0 : i32, i32
  }
  func.func @transform_4(%arg0: i32) -> (i32, i32) {
    %c0_i32 = arith.constant 0 : i32
    %c0_i32_0 = arith.constant 0 : i32
    %c0_i32_1 = arith.constant 0 : i32
    return %c0_i32, %c0_i32_0 : i32, i32
  }
  func.func @transform_5(%arg0: i32) -> (i32, i32) {
    %c0_i32 = arith.constant 0 : i32
    %c0_i32_0 = arith.constant 0 : i32
    return %arg0, %c0_i32 : i32, i32
  }
}

module attributes {stable_mosaic.version = 14 : i64} {
  func.func @_post_body(%arg0: i32, %arg1: memref<2x2000x40xf32, #tpu.memory_space<vmem>>, %arg2: memref<2000x40xf32, #tpu.memory_space<vmem>>, %arg3: memref<2000x16xf32, #tpu.memory_space<vmem>>, %arg4: memref<1x40xf32, #tpu.memory_space<vmem>>, %arg5: memref<2000x40xf32, #tpu.memory_space<vmem>>) attributes {dimension_semantics = [#tpu.dimension_semantics<arbitrary>], iteration_bounds = array<i64: 5>, scalar_prefetch = 0 : i64, scratch_operands = 0 : i64, tpu.core_type = #tpu.core_type<tc>, window_params = [{transform_indices = @transform_0, window_bounds = array<i64: 2, 2000, 40>}, {transform_indices = @transform_1, window_bounds = array<i64: 2000, 40>}, {transform_indices = @transform_2, window_bounds = array<i64: 2000, 16>}, {pipeline_mode = #tpu.pipeline_mode<synchronous>, transform_indices = @transform_3, window_bounds = array<i64: 1, 40>}, {transform_indices = @transform_4, window_bounds = array<i64: 2000, 40>}]} {
    %get3A = arith.constant 0 : index
    %get3A_0 = arith.constant 0 : index
    %get3A_1 = arith.constant 0 : index
    %get3A_2 = vector.load %arg1[%get3A, %get3A_0, %get3A_1] : memref<2x2000x40xf32, #tpu.memory_space<vmem>>, vector<1x2000x40xf32>
    %get3A_3 = vector.shape_cast %get3A_2 : vector<1x2000x40xf32> to vector<2000x40xf32>
    %get3A_4 = arith.constant 1 : index
    %get3A_5 = arith.constant 0 : index
    %get3A_6 = arith.constant 0 : index
    %get3A_7 = vector.load %arg1[%get3A_4, %get3A_5, %get3A_6] : memref<2x2000x40xf32, #tpu.memory_space<vmem>>, vector<1x2000x40xf32>
    %get3A_8 = vector.shape_cast %get3A_7 : vector<1x2000x40xf32> to vector<2000x40xf32>
    %add3A = arith.addf %get3A_3, %get3A_8 : vector<2000x40xf32>
    %get3A_9 = arith.constant 0 : index
    %get3A_10 = arith.constant 0 : index
    %get3A_11 = vector.load %arg2[%get3A_9, %get3A_10] : memref<2000x40xf32, #tpu.memory_space<vmem>>, vector<2000x40xf32>
    %add3A_12 = arith.addf %add3A, %get3A_11 : vector<2000x40xf32>
    %get3A_13 = arith.constant 0 : index
    %get3A_14 = arith.constant 0 : index
    %get3A_15 = vector.load %arg3[%get3A_13, %get3A_14] : memref<2000x16xf32, #tpu.memory_space<vmem>>, vector<2000x1xf32>
    %mul3A = vector.broadcast %get3A_15 : vector<2000x1xf32> to vector<2000x40xf32>
    %mul3A_16 = arith.mulf %add3A_12, %mul3A : vector<2000x40xf32>
    %get3A_17 = arith.constant 0 : index
    %get3A_18 = arith.constant 0 : index
    %get3A_19 = vector.load %arg4[%get3A_17, %get3A_18] : memref<1x40xf32, #tpu.memory_space<vmem>>, vector<1x40xf32>
    %add3A_20 = vector.broadcast %get3A_19 : vector<1x40xf32> to vector<2000x40xf32>
    %add3A_21 = arith.addf %mul3A_16, %add3A_20 : vector<2000x40xf32>
    %swap3A = arith.constant 0 : index
    %swap3A_22 = arith.constant 0 : index
    %swap3A_23 = vector.load %arg5[%swap3A, %swap3A_22] : memref<2000x40xf32, #tpu.memory_space<vmem>>, vector<2000x40xf32>
    tpu.vector_store %arg5[%swap3A, %swap3A_22], %add3A_21 {strides = array<i32>} : memref<2000x40xf32, #tpu.memory_space<vmem>>, vector<2000x40xf32>,
    return
  }
  func.func @transform_0(%arg0: i32) -> (i32, i32, i32) {
    %c0_i32 = arith.constant 0 : i32
    %c0_i32_0 = arith.constant 0 : i32
    %c0_i32_1 = arith.constant 0 : i32
    return %c0_i32, %arg0, %c0_i32_0 : i32, i32, i32
  }
  func.func @transform_1(%arg0: i32) -> (i32, i32) {
    %c0_i32 = arith.constant 0 : i32
    %c0_i32_0 = arith.constant 0 : i32
    return %arg0, %c0_i32 : i32, i32
  }
  func.func @transform_2(%arg0: i32) -> (i32, i32) {
    %c0_i32 = arith.constant 0 : i32
    %c0_i32_0 = arith.constant 0 : i32
    return %arg0, %c0_i32 : i32, i32
  }
  func.func @transform_3(%arg0: i32) -> (i32, i32) {
    %c0_i32 = arith.constant 0 : i32
    %c0_i32_0 = arith.constant 0 : i32
    %c0_i32_1 = arith.constant 0 : i32
    return %c0_i32, %c0_i32_0 : i32, i32
  }
  func.func @transform_4(%arg0: i32) -> (i32, i32) {
    %c0_i32 = arith.constant 0 : i32
    %c0_i32_0 = arith.constant 0 : i32
    return %arg0, %c0_i32 : i32, i32
  }
}

</mosaic_0001>

<sc_bundles>
// kernel: _run.11.cloned.1.call-start
scs
__scs_entry_jumppad:
0x0: {  	(pc) =	sbr.rel $0x88, $3  }
0x1: {  	(tag) =	ssettag $0x0;
	lr =	simm.s32 $0x1  }
0x2: {  	[smem:$0x3F9B] =	sst lr;
	_ =	strace $0xD0000000  }
0x3: {  	_ = 	snop  }
0x4: {  	_ = 	snop  }
0x5: {  	_ = 	snop  }
0x6: {  	_ = 	snop  }
0x7: {  	_ = 	snop  }
__scs_overlays_trampoline_lowered:
0x8: {  	[smem:$0x3FAA] =	sst s0  }
0x9: {  	[smem:$0x3FAB] =	sst s1  }
0xa: {  	[smem:$0x3FAC] =	sst s2  }
0xb: {  	[smem:$0x3FAD] =	sst s3  }
0xc: {  	[smem:$0x3FAE] =	sst s4  }
0xd: {  	[smem:$0x3FAF] =	sst s5  }
0xe: {  	[smem:$0x3FB0] =	sst s6  }
0xf: {  	[smem:$0x3FB1] =	sst s7  }
0x10: {  	[smem:$0x3FB2] =	sst s8  }
0x11: {  	[smem:$0x3FB3] =	sst s9;
	s0 =	simm.s32 @!p0 $0x0  }
0x12: {  	s1 =	sld [smem:$0x3F99];
	s0 =	simm.s32 @p0 $0x1  }
0x13: {  	[smem:$0x3FB4] =	sst s0;
	s0 =	simm.s32 @!p1 $0x0  }
0x14: {  	s2 =	sld [smem:$0x3F98];
	s0 =	simm.s32 @p1 $0x1  }
0x15: {  	[smem:$0x3FB5] =	sst s0;
	s0 =	simm.s32 @!p2 $0x0  }
0x16: {  	s3 =	sld [smem:$0x3FDB];
	s0 =	simm.s32 @p2 $0x1  }
0x17: {  	s4 =	simm.s32 $0x1BF5;
	[smem:$0x3FB7] =	sst s0  }
0x18: {  	s0 =	sld [smem:$0x3F9A];
	_ =	swait.ge [sflag:s4], $0x0  }
0x19: {  	s7 =	sld [smem:$0x3F9B]  }
0x1a: {  	s8 =	sadd.s32 $0xFFFFE003, lr  }
0x1b: {  	s9 =	sadd.s32 $0xFFFFFEF7, lr;
	s5 =	simm.s32 $0xFFFFFFFF;
	p2 =	slt.u32 s8, $0xFFFFF086  }
0x1c: {  	p1 =	slt.u32 s9, $0xF7A;
	s5 =	simm.s32 @!p2 $0x0  }
0x1d: {  	s5 =	simm.s32 @p1 $0x1;
	p0 =	seq.s32 s7, s2  }
0x1e: {  	s7 =	smul.u32 @!p0 $0xF7A, s2;
	p2 =	seq.s32 @!p0 s5, $0x0  }
0x1f: {  	s9 =	smul.u32 $0xF7A, s1;
	s8 =	simm.s32 @!p0 $0x1BF5;
	p2 =	por !p2, p0  }
0x20: {  	[sflag:s8] =	ssyncset.s32 @!p0 $0xFFFFF086;
	s6 =	sadd.s32 @!p0 s3, s7;
	s7 =	simm.s32 @!p0 $0x108  }
0x21: {  	s3 =	sadd.s32 s3, s9;
	s6 =	sadd.s32 @!p0 $0x88, s6;
	s7 =	simm.s32 @p2 $0x1082  }
0x22: {  	[simem:s7], [sflag:s8] =	dma.local @!p0 [hbm:s6], $0xF7A  }
0x23: {  	s9 =	sor.u32 $0xD0000000, s2;
	s6 =	simm.s32 $0x108;
	_ =	swait.ge @!p0 [sflag:s8], $0x0  }
0x24: {  	s3 =	sadd.s32 $0x88, s3;
	s6 =	simm.s32 @!p1 $0x1082;
	[sflag:s4] =	ssyncset.s32 $0xFFFFF086  }
0x25: {  	[simem:s6], [sflag:s4] =	dma.local [hbm:s3], $0xF7A  }
0x26: {  	[smem:$0x3F9B] =	sst s1;
	(tag) =	ssettag s2;
	_ =	strace s9  }
0x27: {  	s1 =	sld [smem:$0x3FAB]  }
0x28: {  	s2 =	sld [smem:$0x3FAC]  }
0x29: {  	s4 =	sld [smem:$0x3FAE]  }
0x2a: {  	p0 =	seq.s32 s5, $0x0;
	s5 =	sld [smem:$0x3FAF]  }
0x2b: {  	s6 =	sld [smem:$0x3FB0]  }
0x2c: {  	s7 =	sld [smem:$0x3FB1]  }
0x2d: {  	s3 =	simm.s32 $0x108;
	s8 =	sld [smem:$0x3FB2]  }
0x2e: {  	s3 =	simm.s32 @!p0 $0x1082;
	s9 =	sld [smem:$0x3FB3]  }
0x2f: {  	lr =	sadd.s32 s0, s3;
	s0 =	sld [smem:$0x3FAA]  }
0x30: {  	s3 =	sld [smem:$0x3FAD]  }
0x31: {  	[smem:$0x3FB6] =	sst s10  }
0x32: {  	s10 =	sld [smem:$0x3FB4];
	_ =	sdelay $0x3  }
0x33: {  	p0 =	seq.s32 s10, $0x1;
	s10 =	sld [smem:$0x3FB6];
	_ =	sdelay $0x3  }
0x34: {  	[smem:$0x3FB6] =	sst s10  }
0x35: {  	s10 =	sld [smem:$0x3FB5];
	_ =	sdelay $0x3  }
0x36: {  	p1 =	seq.s32 s10, $0x1;
	s10 =	sld [smem:$0x3FB6];
	_ =	sdelay $0x3  }
0x37: {  	[smem:$0x3FB6] =	sst s10  }
0x38: {  	s10 =	sld [smem:$0x3FB7]  }
0x39: {  	_ = 	snop;
	(pc) =	sbr.ind lr, $3  }
0x3a: {  	_ = 	snop  }
0x3b: {  	_ = 	snop  }
0x3c: {  	p2 =	seq.s32 s10, $0x1;
	s10 =	sld [smem:$0x3FB6]  }
0x3d: {  	_ =	shalt  }
0x3e: {  	_ =	shalt  }
0x3f: {  	_ =	shalt  }
0x40: {  	_ =	shalt  }
0x41: {  	_ =	shalt  }
0x42: {  	_ =	shalt  }
0x43: {  	_ =	shalt  }
0x44: {  	_ =	shalt  }
0x45: {  	_ =	shalt  }
0x46: {  	_ =	shalt  }
0x47: {  	_ =	shalt  }
0x48: {  	_ =	shalt  }
0x49: {  	_ =	shalt  }
0x4a: {  	_ =	shalt  }
0x4b: {  	_ =	shalt  }
0x4c: {  	_ =	shalt  }
0x4d: {  	_ =	shalt  }
0x4e: {  	_ =	shalt  }
0x4f: {  	_ =	shalt  }
0x50: {  	_ =	shalt  }
0x51: {  	_ =	shalt  }
0x52: {  	_ =	shalt  }
0x53: {  	_ =	shalt  }
0x54: {  	_ =	shalt  }
0x55: {  	_ =	shalt  }
0x56: {  	_ =	shalt  }
0x57: {  	_ =	shalt  }
0x58: {  	_ =	shalt  }
0x59: {  	_ =	shalt  }
0x5a: {  	_ =	shalt  }
0x5b: {  	_ =	shalt  }
0x5c: {  	_ =	shalt  }
0x5d: {  	_ =	shalt  }
0x5e: {  	_ =	shalt  }
0x5f: {  	_ =	shalt  }
0x60: {  	_ =	shalt  }
0x61: {  	_ =	shalt  }
0x62: {  	_ =	shalt  }
0x63: {  	_ =	shalt  }
0x64: {  	_ =	shalt  }
0x65: {  	_ =	shalt  }
0x66: {  	_ =	shalt  }
0x67: {  	_ =	shalt  }
0x68: {  	_ =	shalt  }
0x69: {  	_ =	shalt  }
0x6a: {  	_ =	shalt  }
0x6b: {  	_ =	shalt  }
0x6c: {  	_ =	shalt  }
0x6d: {  	_ =	shalt  }
0x6e: {  	_ =	shalt  }
0x6f: {  	_ =	shalt  }
0x70: {  	_ =	shalt  }
0x71: {  	_ =	shalt  }
0x72: {  	_ =	shalt  }
0x73: {  	_ =	shalt  }
0x74: {  	_ =	shalt  }
0x75: {  	_ =	shalt  }
0x76: {  	_ =	shalt  }
0x77: {  	_ =	shalt  }
0x78: {  	_ =	shalt  }
0x79: {  	_ =	shalt  }
0x7a: {  	_ =	shalt  }
0x7b: {  	_ =	shalt  }
0x7c: {  	_ =	shalt  }
0x7d: {  	_ =	shalt  }
0x7e: {  	_ =	shalt  }
0x7f: {  	_ =	shalt  }
0x80: {  	_ =	shalt  }
0x81: {  	_ =	shalt  }
0x82: {  	_ =	shalt  }
0x83: {  	_ =	shalt  }
0x84: {  	_ =	shalt  }
0x85: {  	_ =	shalt  }
0x86: {  	_ =	shalt  }
0x87: {  	_ =	shalt  }
.Lfunc_end0:
.L_simem_size_0:
called_computation.1_lowered:
.L_overlay_start_0:
0x88: {  	s2 =	sld [smem:$0x3FD9]  }
0x89: {  	s3 =	sld [smem:$0x3FFE];
	_ =	sdelay $0x1  }
0x8a: {  	s1 =	srdreg.scid  }
0x8b: {  	s0 =	sand.u32 $0x1, s1  }
0x8c: {  	s17 =	sshll.u32 s0, $0xA;
	s2 =	sadd.s32 s3, s2  }
0x8d: {  	s2 =	sadd.s32 s2, s17  }
0x8e: {  	[smem:$0x3FC2] =	sst s2  }
0x8f: {  	_ = 	snop  }
0x90: {  	s2 =	sld [smem:$0x3FD0];
	(tm) =	ssettm $0x1  }
0x91: {  	s18 =	sld [smem:$0x3FFB];
	_ =	sdelay $0x3  }
0x92: {  	_ =	strace s18  }
0x93: {  	s3 =	sld [smem:$0x3FFC];
	_ =	sdelay $0x3  }
0x94: {  	_ =	strace s3  }
0x95: {  	s3 =	sld [smem:$0x3FFD];
	_ =	sdelay $0x3  }
0x96: {  	_ =	strace s3  }
0x97: {  	_ =	strace $0x8FFFFFFF  }
0x98: {  	s19 =	sld [smem:$0x3FDB];
	_ =	sdelay $0x1  }
0x99: {  	s4 =	simm.s32 $_scs_section_size  }
0x9a: {  	s5 =	simm.s32 $_size__tile_overlayer_lowered;
	s6 =	simm.s32 $_tile_overlayer_lowered  }
0x9b: {  	s22 =	simm.s32 $0x1BFF;
	s21 =	sshll.u32 s6, $0x1;
	s3 =	sadd.s32 s4, s19  }
0x9c: {  	s7 =	simm.s32 $0x0;
	s20 =	sshll.u32 s5, $0x1;
	s5 =	sadd.s32 s21, s3  }
0x9d: {  	[timem:s7], [sflag:s22] =	dma.local [hbm:s5], s20  }
0x9e: {  	_ =	swait.ge [sflag:s22], s20  }
0x9f: {  	s4 =	ssub.s32 $0x0, s20;
	[sflag:s22] =	ssyncset.done $0x0  }
0xa0: {  	[sflag:s22] =	ssyncadd.s32 s4;
	_ =	sdelay $0x1  }
0xa1: {  	s23 =	simm.s32 $0x1B8B  }
0xa2: {  	_ =	swait.ge [sflag:s23], $0x1  }
0xa3: {  	[sflag:s23] =	ssyncset.done $0x0  }
0xa4: {  	s25 =	simm.s32 $0x1B8E;
	s24 =	sld [smem:$0x3FFE];
	[sflag:s23] =	ssyncadd.s32 $0xFFFFFFFF  }
0xa5: {  	s26 =	simm.s32 $execute0_lowered;
	[smem:$0x3FD2] =	sst s25  }
0xa6: {  	s5 =	sshll.u32 s26, $0x1;
	_ =	strace $0x80000049;
	[dreg:$0x1] =	wrdreg $0xFFFFFFFF  }
0xa7: {  	s28 =	simm.s32 $_size_execute0_lowered;
	s3 =	sadd.s32 s3, s5;
	[dreg:$0x0] =	wrdreg $0x0  }
0xa8: {  	s5 =	sshll.u32 s28, $0x1;
	[dreg:$0x2] =	wrdreg s3  }
0xa9: {  	[dreg:$0x3] =	wrdreg s5  }
0xaa: {  	[dreg:$0x4] =	wrdreg $0xC0  }
0xab: {  	_ =	task [dreg:s7], $0x5FFFF  }
0xac: {  	[dreg:$0x1] =	wrdreg $0xFFFFFFFF  }
0xad: {  	[dreg:$0x0] =	wrdreg $0x60  }
0xae: {  	[dreg:$0x2] =	wrdreg s24  }
0xaf: {  	[dreg:$0x3] =	wrdreg s2  }
0xb0: {  	[dreg:$0x4] =	wrdreg $0x14A000  }
0xb1: {  	[dreg:$0x5] =	wrdreg $0x9  }
0xb2: {  	_ =	task.clear_ibuf [dreg:s7], $0x6FFFF;
	_ =	strace $0x90000049  }
0xb3: {  	s29 =	simm.s32 $0x9;
	_ =	strace $0x8000004B  }
0xb4: {  	_ =	swait.ge [sflag:s29], $0x1  }
0xb5: {  	[sflag:s29] =	ssyncadd.s32 $0xFFFFFFFF  }
0xb6: {  	_ =	strace $0x9000004B  }
0xb7: {  	_ =	sfence  }
0xb8: {  	s30 =	sld [smem:$0x0];
	_ =	sdelay $0x2  }
0xb9: {  	s31 =	sshll.u32 s1, $0xD;
	s1 =	sshrl.u32 s1, $0x2  }
0xba: {  	s3 =	sand.u32 $0x4000, s31;
	s1 =	sadd.s32 s1, s30  }
0xbb: {  	s0 =	sor.u32 s3, s0;
	s1 =	sshll.u32 s1, $0x11  }
0xbc: {  	s0 =	sor.u32 s1, s0  }
0xbd: {  	s0 =	sadd.s32 $0x8F2B, s0  }
0xbe: {  	[sflag:s0] =	ssyncadd.remote.s32 $0x1  }
0xbf: {  	_ =	sfence.sel $0xFFFF  }
0xc0: {  	[dreg:$0x0] =	wrdreg $0xFFFFFFFF;
	(pc) =	sbr.abs _section_cstart, $3  }
0xc1: {  	[dreg:$0x1] =	wrdreg $0xFFFFFFFF  }
0xc2: {  	_ =	task.clear_ibuf [dreg:s7], $0x2FFFF;
	_ =	strace $0x9FFFFFFF  }
0xc3: {  	(tm) =	ssettm $0x7FFFFFFF  }
tec
execute0_lowered:
.L_overlay_start_1:
0x0: {  	(tag) =	ssettag $0x1  }
0x1: {  	s0 =	srdreg.scid;
	s1 =	rddreg [dreg:$0x0]  }
0x2: {  	s8 =	stileid.u32;
	s3 =	rddreg [dreg:$0x2];
	s5 =	simm.s32 $0x0  }
0x3: {  	s12 =	simm.s32 $0x11;
	s14 =	simm.s32 $0x7D;
	s15 =	simm.s32 $0x5000  }
0x4: {  	s17 =	simm.s32 $0x6F40;
	s19 =	simm.s32 $0x8E80;
	s21 =	simm.s32 $0xADC0  }
0x5: {  	s22 =	simm.s32 $0x1;
	s23 =	simm.s32 $0xCD00;
	s24 =	simm.s32 $0x2  }
0x6: {  	s28 =	simm.s32 $0x10B80;
	s29 =	simm.s32 $0x4;
	s30 =	simm.s32 $0x12AC0  }
0x7: {  	s31 =	simm.s32 $0x5;
	s13 =	simm.s32 $0x8;
	s16 =	simm.s32 $0xC  }
0x8: {  	s9 =	simm.s32 $0x0;
	s0 =	sand.u32 $0x1, s0;
	s4 =	smul.u32 $0xA000, s8  }
0x9: {  	[smem:$0x7FF] =	sst s5;
	s5 =	sadd.s32 $0x15E00, s1;
	s2 =	sshll.u32 s0, $0x4  }
0xa: {  	s6 =	smul.u32 $0xA0000, s0;
	s0 =	ssub.s32 $0x2, s0;
	s2 =	sor.u32 s8, s2  }
0xb: {  	s25 =	sshll.u32 s8, $0x6;
	s7 =	sshrl.u32 s0, $0x1;
	s2 =	smul.u32 $0x2800, s2  }
0xc: {  	_ =	strace $0x8000004A;
	s6 =	sadd.s32 s4, s6;
	s0 =	ssub.s32 s0, s7  }
0xd: {  	s4 =	sadd.s32 s4, s3;
	s6 =	sshrl.u32 s6, $0x3;
	s2 =	sshrl.u32 s2, $0x3  }
0xe: {  	s0 =	smax.u32 s0, $0x1;
	s11 =	sshrl.u32 s4, $0x3;
	s2 =	sadd.s32 s2, s1  }
.Ltmp0:
0xf: {  	[dreg:$0x7] =	wrdreg s0;
	s26 =	sadd.s32 $0x1E00, s2;
	(pc) =	sbr.rel .LBB2_1-.Ltmp0, $4  }
0x10: {  	s1 =	sadd.s32 s6, s1;
	s2 =	sadd.s32 $0xBE00, s2;
	[dreg:$0x4] =	wrdreg s26  }
0x11: {  	s0 =	simm.s32 $0x7;
	s1 =	sadd.s32 $0x29E00, s1;
	[dreg:$0x5] =	wrdreg s2  }
0x12: {  	s6 =	sor.u32 $0x1C11, s25;
	s25 =	simm.s32 $0xEC40;
	[dreg:$0x6] =	wrdreg s1  }
0x13: {  	s26 =	simm.s32 $0x3;
	s1 =	simm.s32 $0x9;
	s2 =	simm.s32 $0xB  }
.LBB2_4:
0x14: {  	_ =	swait.ge [sflag:s13], $0x1F40  }
0x15: {  	[sflag:s13] =	ssyncset.done $0x0  }
0x16: {  	[sflag:s13] =	ssyncadd.s32 $0xFFFFE0C0  }
0x17: {  	[spmem:s3] =	stream.indirect.scatter.add.f32 [tilespmem:s30], [sflag:$0x10], $0x40, s18, s14, $0xb8;
	[tilespmem:$0x1EA00] =	vst v63  }
0x18: {  	_ =	swait.ge [sflag:s16], $0x1F40  }
0x19: {  	[sflag:s16] =	ssyncset.done $0x0  }
0x1a: {  	s4 =	simm.s32 $0xD;
	[sflag:s16] =	ssyncadd.s32 $0xFFFFE0C0  }
0x1b: {  	_ =	swait.ge [sflag:s4], $0x1F40  }
0x1c: {  	[sflag:s4] =	ssyncset.done $0x0  }
0x1d: {  	s7 =	simm.s32 $0xE;
	[sflag:s4] =	ssyncadd.s32 $0xFFFFE0C0  }
0x1e: {  	_ =	swait.ge [sflag:s7], $0x1F40  }
0x1f: {  	[sflag:s7] =	ssyncset.done $0x0  }
0x20: {  	s8 =	simm.s32 $0xF;
	[sflag:s7] =	ssyncadd.s32 $0xFFFFE0C0  }
0x21: {  	_ =	swait.ge [sflag:s8], $0x1F40  }
0x22: {  	[sflag:s8] =	ssyncset.done $0x0  }
0x23: {  	s10 =	simm.s32 $0x10;
	[sflag:s8] =	ssyncadd.s32 $0xFFFFE0C0  }
0x24: {  	_ =	swait.ge [sflag:s10], $0x1F40  }
0x25: {  	[sflag:s10] =	ssyncset.done $0x0  }
0x26: {  	[sflag:s10] =	ssyncadd.s32 $0xFFFFE0C0  }
0x27: {  	[bflag:$0x0] =	sbarrier.arrive $0xFFFF  }
0x28: {  	s18 =	rddreg [dreg:$0x6]  }
0x29: {  	[hbm:s18], [sflag:s6] =	dma.local [spmem:s11], $0x1400  }
0x2a: {  	_ =	swait.ge [sflag:s12], $0x1400  }
0x2b: {  	s9 =	sadd.s32 $0x1, s9;
	s20 =	rddreg [dreg:$0x7]  }
0x2c: {  	p0 =	sne.s32 s9, s20  }
.Ltmp1:
0x2d: {  	_ = 	snop;
	(pc) =	sbr.rel @!p0 .LBB2_5-.Ltmp1, $3  }
0x2e: {  	_ =	sdelay $0x1  }
0x2f: {  	[sflag:s12] =	ssyncset.done $0x0  }
0x30: {  	[sflag:s12] =	ssyncadd.s32 $0xFFFFEC00  }
.LBB2_1:
0x31: {  	s4 =	rddreg [dreg:$0x1]  }
0x32: {  	[spmem:s11], [sflag:s6] =	dma.local [hbm:s4], $0x1400  }
0x33: {  	_ =	swait.ge [sflag:s12], $0x1400  }
0x34: {  	[sflag:s12] =	ssyncset.done $0x0  }
0x35: {  	s18 =	simm.s32 $0x0;
	s7 =	rddreg [dreg:$0x4];
	[sflag:s12] =	ssyncadd.s32 $0xFFFFEC00  }
0x36: {  	[tilespmem:s18], [sflag:$0x11] =	stream.linear.gather [hbm4b:s7+s18], $0x2800, $0x38;
	[tilespmem:$0x1EA00] =	vst v63  }
0x37: {  	_ =	swait.ge [sflag:s12], $0x2800  }
0x38: {  	[sflag:s12] =	ssyncset.done $0x0  }
0x39: {  	s8 =	simm.s32 $0x2800;
	s20 =	rddreg [dreg:$0x5];
	[sflag:s12] =	ssyncadd.s32 $0xFFFFD800  }
0x3a: {  	[tilespmem:s8], [sflag:$0x11] =	stream.linear.gather [hbm4b:s20+s18], $0x2800, $0x38;
	[tilespmem:$0x1EA00] =	vst v63  }
0x3b: {  	_ =	swait.ge [sflag:s12], $0x2800  }
0x3c: {  	[sflag:s12] =	ssyncset.done $0x0  }
0x3d: {  	[sflag:s12] =	ssyncadd.s32 $0xFFFFD800  }
0x3e: {  	[bflag:$0x0] =	sbarrier.arrive $0xFFFF  }
0x3f: {  	[tilespmem:s15], [sflag:$0x1] =	stream.indirect.gather [hbm4b:s5+s14], $0x40, s18, s14, $0xb8;
	[tilespmem:$0x1EA00] =	vst v63  }
0x40: {  	s10 =	simm.s32 $0x80  }
0x41: {  	[tilespmem:s17], [sflag:$0x2] =	stream.indirect.gather [hbm4b:s5+s14], $0x40, s10, s14, $0xb8;
	[tilespmem:$0x1EA00] =	vst v63  }
0x42: {  	s18 =	simm.s32 $0x100  }
0x43: {  	[tilespmem:s19], [sflag:$0x3] =	stream.indirect.gather [hbm4b:s5+s14], $0x40, s18, s14, $0xb8;
	[tilespmem:$0x1EA00] =	vst v63  }
0x44: {  	s20 =	simm.s32 $0x180;
	s10 =	simm.s32 $0x0  }
0x45: {  	[tilespmem:s21], [sflag:$0x4] =	stream.indirect.gather [hbm4b:s5+s14], $0x40, s20, s14, $0xb8;
	[tilespmem:$0x1EA00] =	vst v63  }
.LBB2_2:
0x46: {  	_ =	swait.ge [sflag:s22], $0x1F40  }
0x47: {  	s4 =	sshra.s32 s10, $0x2;
	[sflag:s22] =	ssyncset.done $0x0  }
0x48: {  	p0 =	seq.s32 s10, $0x0;
	s18 =	sadd.s32 $0x2800, s4;
	[sflag:s22] =	ssyncadd.s32 $0xFFFFE0C0  }
0x49: {  	[spmem:s3] =	stream.indirect.scatter.add.f32 [tilespmem:s15], [sflag:$0x9], $0x40, s18, s14, $0xb8;
	[tilespmem:$0x1EA00] =	vst v63  }
0x4a: {  	s18 =	simm.s32 @!p0 $0xD  }
0x4b: {  	_ =	swait.ge @!p0 [sflag:s18], $0x1F40  }
0x4c: {  	[sflag:s18] =	ssyncset.done @!p0 $0x0  }
0x4d: {  	s7 =	sadd.s32 $0x200, s4;
	[sflag:s18] =	ssyncadd.s32 @!p0 $0xFFFFE0C0  }
0x4e: {  	[tilespmem:s23], [sflag:$0x5] =	stream.indirect.gather [hbm4b:s5+s14], $0x40, s7, s14, $0xb8;
	[tilespmem:$0x1EA00] =	vst v63  }
0x4f: {  	_ =	swait.ge [sflag:s24], $0x1F40  }
0x50: {  	[sflag:s24] =	ssyncset.done $0x0  }
0x51: {  	s8 =	sadd.s32 $0x2880, s4;
	s18 =	simm.s32 @!p0 $0xE;
	[sflag:s24] =	ssyncadd.s32 $0xFFFFE0C0  }
0x52: {  	[spmem:s3] =	stream.indirect.scatter.add.f32 [tilespmem:s17], [sflag:$0xA], $0x40, s8, s14, $0xb8;
	[tilespmem:$0x1EA00] =	vst v63  }
0x53: {  	_ =	swait.ge @!p0 [sflag:s18], $0x1F40  }
0x54: {  	[sflag:s18] =	ssyncset.done @!p0 $0x0  }
0x55: {  	s20 =	sadd.s32 $0x280, s4;
	[sflag:s18] =	ssyncadd.s32 @!p0 $0xFFFFE0C0  }
0x56: {  	[tilespmem:s25], [sflag:$0x6] =	stream.indirect.gather [hbm4b:s5+s14], $0x40, s20, s14, $0xb8;
	[tilespmem:$0x1EA00] =	vst v63  }
0x57: {  	_ =	swait.ge [sflag:s26], $0x1F40  }
0x58: {  	[sflag:s26] =	ssyncset.done $0x0  }
0x59: {  	s7 =	sadd.s32 $0x2900, s4;
	s18 =	simm.s32 @!p0 $0xF;
	[sflag:s26] =	ssyncadd.s32 $0xFFFFE0C0  }
0x5a: {  	[spmem:s3] =	stream.indirect.scatter.add.f32 [tilespmem:s19], [sflag:$0xB], $0x40, s7, s14, $0xb8;
	[tilespmem:$0x1EA00] =	vst v63  }
0x5b: {  	_ =	swait.ge @!p0 [sflag:s18], $0x1F40  }
0x5c: {  	[sflag:s18] =	ssyncset.done @!p0 $0x0  }
0x5d: {  	s8 =	sadd.s32 $0x300, s4;
	[sflag:s18] =	ssyncadd.s32 @!p0 $0xFFFFE0C0  }
0x5e: {  	[tilespmem:s28], [sflag:$0x7] =	stream.indirect.gather [hbm4b:s5+s14], $0x40, s8, s14, $0xb8;
	[tilespmem:$0x1EA00] =	vst v63  }
0x5f: {  	_ =	swait.ge [sflag:s29], $0x1F40  }
0x60: {  	[sflag:s29] =	ssyncset.done $0x0  }
0x61: {  	s20 =	sadd.s32 $0x2980, s4;
	s18 =	simm.s32 @!p0 $0x10;
	[sflag:s29] =	ssyncadd.s32 $0xFFFFE0C0  }
0x62: {  	[spmem:s3] =	stream.indirect.scatter.add.f32 [tilespmem:s21], [sflag:$0xC], $0x40, s20, s14, $0xb8;
	[tilespmem:$0x1EA00] =	vst v63  }
0x63: {  	_ =	swait.ge @!p0 [sflag:s18], $0x1F40  }
0x64: {  	[sflag:s18] =	ssyncset.done @!p0 $0x0  }
0x65: {  	s7 =	sadd.s32 $0x380, s4;
	[sflag:s18] =	ssyncadd.s32 @!p0 $0xFFFFE0C0  }
0x66: {  	[tilespmem:s30], [sflag:$0x8] =	stream.indirect.gather [hbm4b:s5+s14], $0x40, s7, s14, $0xb8;
	[tilespmem:$0x1EA00] =	vst v63  }
0x67: {  	_ =	swait.ge [sflag:s31], $0x1F40  }
0x68: {  	[sflag:s31] =	ssyncset.done $0x0  }
0x69: {  	s8 =	sadd.s32 $0x2A00, s4;
	[sflag:s31] =	ssyncadd.s32 $0xFFFFE0C0  }
0x6a: {  	[spmem:s3] =	stream.indirect.scatter.add.f32 [tilespmem:s23], [sflag:$0xD], $0x40, s8, s14, $0xb8;
	[tilespmem:$0x1EA00] =	vst v63  }
0x6b: {  	_ =	swait.ge [sflag:s1], $0x1F40  }
0x6c: {  	p0 =	seq.s32 s10, $0x9000;
	[sflag:s1] =	ssyncset.done $0x0  }
0x6d: {  	s18 =	simm.s32 @p0 $0x6;
	[sflag:s1] =	ssyncadd.s32 $0xFFFFE0C0  }
0x6e: {  	_ =	swait.ge @p0 [sflag:s18], $0x1F40  }
0x6f: {  	[sflag:s18] =	ssyncset.done @p0 $0x0  }
0x70: {  	[sflag:s18] =	ssyncadd.s32 @p0 $0xFFFFE0C0;
	s18 =	sshra.s32 @p0 s10, $0x2  }
0x71: {  	s20 =	simm.s32 @p0 $0x7D;
	s7 =	simm.s32 @p0 $0xEC40;
	s18 =	sadd.s32 @p0 $0x2A80, s18  }
0x72: {  	[spmem:s3] =	stream.indirect.scatter.add.f32 @p0 [tilespmem:s7], [sflag:$0xE], $0x40, s18, s20, $0xb8;
	[tilespmem:$0x1EA00] =	vst v63  }
0x73: {  	s7 =	simm.s32 @p0 $0xA  }
0x74: {  	_ =	swait.ge @p0 [sflag:s7], $0x1F40  }
0x75: {  	[sflag:s7] =	ssyncset.done @p0 $0x0  }
0x76: {  	[sflag:s7] =	ssyncadd.s32 @p0 $0xFFFFE0C0;
	s7 =	sshra.s32 @!p0 s10, $0x2  }
0x77: {  	s8 =	simm.s32 @!p0 $0x5000;
	s20 =	simm.s32 @!p0 $0x7D;
	s18 =	sadd.s32 @!p0 $0x400, s7  }
0x78: {  	[tilespmem:s8], [sflag:$0x1] =	stream.indirect.gather @!p0 [hbm4b:s5+s20], $0x40, s18, s20, $0xb8;
	[tilespmem:$0x1EA00] =	vst v63  }
0x79: {  	s8 =	simm.s32 @!p0 $0x6  }
0x7a: {  	_ =	swait.ge @!p0 [sflag:s8], $0x1F40  }
0x7b: {  	[sflag:s8] =	ssyncset.done @!p0 $0x0  }
0x7c: {  	s18 =	simm.s32 @!p0 $0xEC40;
	[sflag:s8] =	ssyncadd.s32 @!p0 $0xFFFFE0C0;
	s8 =	sadd.s32 @!p0 $0x2A80, s7  }
0x7d: {  	[spmem:s3] =	stream.indirect.scatter.add.f32 @!p0 [tilespmem:s18], [sflag:$0xE], $0x40, s8, s20, $0xb8;
	[tilespmem:$0x1EA00] =	vst v63  }
0x7e: {  	s8 =	simm.s32 @!p0 $0xA  }
0x7f: {  	_ =	swait.ge @!p0 [sflag:s8], $0x1F40  }
0x80: {  	[sflag:s8] =	ssyncset.done @!p0 $0x0  }
0x81: {  	s7 =	sadd.s32 @!p0 $0x480, s7;
	[sflag:s8] =	ssyncadd.s32 @!p0 $0xFFFFE0C0;
	s8 =	simm.s32 @!p0 $0x6F40  }
0x82: {  	[tilespmem:s8], [sflag:$0x2] =	stream.indirect.gather @!p0 [hbm4b:s5+s20], $0x40, s7, s20, $0xb8;
	[tilespmem:$0x1EA00] =	vst v63  }
0x83: {  	_ =	swait.ge [sflag:s0], $0x1F40  }
0x84: {  	[sflag:s0] =	ssyncset.done $0x0  }
.Ltmp2:
0x85: {  	s20 =	sadd.s32 $0x2B00, s4;
	[sflag:s0] =	ssyncadd.s32 $0xFFFFE0C0;
	(pc) =	sbr.rel @p0 .LBB2_4-.Ltmp2, $4  }
0x86: {  	[spmem:s3] =	stream.indirect.scatter.add.f32 [tilespmem:s28], [sflag:$0xF], $0x40, s20, s14, $0xb8;
	[tilespmem:$0x1EA00] =	vst v63  }
0x87: {  	_ =	swait.ge [sflag:s2], $0x1F40  }
0x88: {  	[sflag:s2] =	ssyncset.done $0x0  }
0x89: {  	s18 =	sadd.s32 $0x2B80, s4;
	[sflag:s2] =	ssyncadd.s32 $0xFFFFE0C0  }
0x8a: {  	s7 =	sadd.s32 $0x500, s4  }
0x8b: {  	[tilespmem:s19], [sflag:$0x3] =	stream.indirect.gather [hbm4b:s5+s14], $0x40, s7, s14, $0xb8;
	[tilespmem:$0x1EA00] =	vst v63  }
0x8c: {  	_ =	swait.ge [sflag:s13], $0x1F40  }
0x8d: {  	[sflag:s13] =	ssyncset.done $0x0  }
0x8e: {  	[sflag:s13] =	ssyncadd.s32 $0xFFFFE0C0  }
0x8f: {  	[spmem:s3] =	stream.indirect.scatter.add.f32 [tilespmem:s30], [sflag:$0x10], $0x40, s18, s14, $0xb8;
	[tilespmem:$0x1EA00] =	vst v63  }
.Ltmp3:
0x90: {  	_ = 	snop;
	(pc) =	sbr.rel .LBB2_2-.Ltmp3, $4  }
0x91: {  	_ =	swait.ge [sflag:s16], $0x1F40  }
0x92: {  	[sflag:s16] =	ssyncset.done $0x0  }
0x93: {  	s20 =	sadd.s32 $0x580, s4;
	s10 =	sadd.s32 $0x1000, s10;
	[sflag:s16] =	ssyncadd.s32 $0xFFFFE0C0  }
0x94: {  	[tilespmem:s21], [sflag:$0x4] =	stream.indirect.gather [hbm4b:s5+s14], $0x40, s20, s14, $0xb8;
	[tilespmem:$0x1EA00] =	vst v63  }
.LBB2_5:
0x95: {  	_ =	sfence.sel $0x180000  }
0x96: {  	[bflag:$0x0] =	sbarrier.arrive $0xFFFF  }
0x97: {  	_ =	strace $0x9000004A  }
0x98: {  	s0 =	stileid.u32;
	[bflag:$0x2] =	sbarrier.arrive $0xFFFF  }
0x99: {  	p0 =	sne.s32 s0, $0x0;
	s0 =	rddreg [dreg:$0x3]  }
0x9a: {  	s0 =	sadd.s32 @!p0 $0x100000, s0  }
0x9b: {  	[sflag:s0] =	ssyncadd.tile.s32 @!p0 $0x1;
	_ =	shalt  }
.Lfunc_end2:
_tile_overlayer_lowered:
.L_overlay_start_2:
0x9c: {  	(tag) =	ssettag $0x2  }
0x9d: {  	s0 =	rddreg [dreg:$0x0];
	s2 =	stileid.u32  }
0x9e: {  	s1 =	rddreg [dreg:$0x1];
	p0 =	sne.s32 s2, $0x0  }
0x9f: {  	s3 =	rddreg [dreg:$0x2];
	[bflag:$0x3] =	sbarrier.arrive $0xFFFF;
	s2 =	simm.s32 @!p0 $0x1C11  }
0xa0: {  	[timem:s3], [sflag:s2] =	dma.local @!p0 [hbm:s0], s1  }
0xa1: {  	s0 =	simm.s32 @!p0 $0x11  }
0xa2: {  	_ =	swait.ge @!p0 [sflag:s0], s1  }
0xa3: {  	s1 =	ssub.s32 @!p0 $0x0, s1;
	[sflag:s0] =	ssyncset.done @!p0 $0x0  }
0xa4: {  	[sflag:s0] =	ssyncadd.s32 @!p0 s1  }
0xa5: {  	[bflag:$0x3] =	sbarrier.arrive $0xFFFF  }
0xa6: {  	_ =	shalt  }

// kernel: _run.14.cloned.1.call-start
scs
__scs_entry_jumppad:
0x0: {  	(pc) =	sbr.rel $0x88, $3  }
0x1: {  	(tag) =	ssettag $0x0;
	lr =	simm.s32 $0x1  }
0x2: {  	[smem:$0x3F9B] =	sst lr;
	_ =	strace $0xD0000000  }
0x3: {  	_ = 	snop  }
0x4: {  	_ = 	snop  }
0x5: {  	_ = 	snop  }
0x6: {  	_ = 	snop  }
0x7: {  	_ = 	snop  }
__scs_overlays_trampoline_lowered:
0x8: {  	[smem:$0x3FAA] =	sst s0  }
0x9: {  	[smem:$0x3FAB] =	sst s1  }
0xa: {  	[smem:$0x3FAC] =	sst s2  }
0xb: {  	[smem:$0x3FAD] =	sst s3  }
0xc: {  	[smem:$0x3FAE] =	sst s4  }
0xd: {  	[smem:$0x3FAF] =	sst s5  }
0xe: {  	[smem:$0x3FB0] =	sst s6  }
0xf: {  	[smem:$0x3FB1] =	sst s7  }
0x10: {  	[smem:$0x3FB2] =	sst s8  }
0x11: {  	[smem:$0x3FB3] =	sst s9;
	s0 =	simm.s32 @!p0 $0x0  }
0x12: {  	s1 =	sld [smem:$0x3F99];
	s0 =	simm.s32 @p0 $0x1  }
0x13: {  	[smem:$0x3FB4] =	sst s0;
	s0 =	simm.s32 @!p1 $0x0  }
0x14: {  	s2 =	sld [smem:$0x3F98];
	s0 =	simm.s32 @p1 $0x1  }
0x15: {  	[smem:$0x3FB5] =	sst s0;
	s0 =	simm.s32 @!p2 $0x0  }
0x16: {  	s3 =	sld [smem:$0x3FDB];
	s0 =	simm.s32 @p2 $0x1  }
0x17: {  	s4 =	simm.s32 $0x1BF5;
	[smem:$0x3FB7] =	sst s0  }
0x18: {  	s0 =	sld [smem:$0x3F9A];
	_ =	swait.ge [sflag:s4], $0x0  }
0x19: {  	s7 =	sld [smem:$0x3F9B]  }
0x1a: {  	s8 =	sadd.s32 $0xFFFFE003, lr  }
0x1b: {  	s9 =	sadd.s32 $0xFFFFFEF7, lr;
	s5 =	simm.s32 $0xFFFFFFFF;
	p2 =	slt.u32 s8, $0xFFFFF086  }
0x1c: {  	p1 =	slt.u32 s9, $0xF7A;
	s5 =	simm.s32 @!p2 $0x0  }
0x1d: {  	s5 =	simm.s32 @p1 $0x1;
	p0 =	seq.s32 s7, s2  }
0x1e: {  	s7 =	smul.u32 @!p0 $0xF7A, s2;
	p2 =	seq.s32 @!p0 s5, $0x0  }
0x1f: {  	s9 =	smul.u32 $0xF7A, s1;
	s8 =	simm.s32 @!p0 $0x1BF5;
	p2 =	por !p2, p0  }
0x20: {  	[sflag:s8] =	ssyncset.s32 @!p0 $0xFFFFF086;
	s6 =	sadd.s32 @!p0 s3, s7;
	s7 =	simm.s32 @!p0 $0x108  }
0x21: {  	s3 =	sadd.s32 s3, s9;
	s6 =	sadd.s32 @!p0 $0x88, s6;
	s7 =	simm.s32 @p2 $0x1082  }
0x22: {  	[simem:s7], [sflag:s8] =	dma.local @!p0 [hbm:s6], $0xF7A  }
0x23: {  	s9 =	sor.u32 $0xD0000000, s2;
	s6 =	simm.s32 $0x108;
	_ =	swait.ge @!p0 [sflag:s8], $0x0  }
0x24: {  	s3 =	sadd.s32 $0x88, s3;
	s6 =	simm.s32 @!p1 $0x1082;
	[sflag:s4] =	ssyncset.s32 $0xFFFFF086  }
0x25: {  	[simem:s6], [sflag:s4] =	dma.local [hbm:s3], $0xF7A  }
0x26: {  	[smem:$0x3F9B] =	sst s1;
	(tag) =	ssettag s2;
	_ =	strace s9  }
0x27: {  	s1 =	sld [smem:$0x3FAB]  }
0x28: {  	s2 =	sld [smem:$0x3FAC]  }
0x29: {  	s4 =	sld [smem:$0x3FAE]  }
0x2a: {  	p0 =	seq.s32 s5, $0x0;
	s5 =	sld [smem:$0x3FAF]  }
0x2b: {  	s6 =	sld [smem:$0x3FB0]  }
0x2c: {  	s7 =	sld [smem:$0x3FB1]  }
0x2d: {  	s3 =	simm.s32 $0x108;
	s8 =	sld [smem:$0x3FB2]  }
0x2e: {  	s3 =	simm.s32 @!p0 $0x1082;
	s9 =	sld [smem:$0x3FB3]  }
0x2f: {  	lr =	sadd.s32 s0, s3;
	s0 =	sld [smem:$0x3FAA]  }
0x30: {  	s3 =	sld [smem:$0x3FAD]  }
0x31: {  	[smem:$0x3FB6] =	sst s10  }
0x32: {  	s10 =	sld [smem:$0x3FB4];
	_ =	sdelay $0x3  }
0x33: {  	p0 =	seq.s32 s10, $0x1;
	s10 =	sld [smem:$0x3FB6];
	_ =	sdelay $0x3  }
0x34: {  	[smem:$0x3FB6] =	sst s10  }
0x35: {  	s10 =	sld [smem:$0x3FB5];
	_ =	sdelay $0x3  }
0x36: {  	p1 =	seq.s32 s10, $0x1;
	s10 =	sld [smem:$0x3FB6];
	_ =	sdelay $0x3  }
0x37: {  	[smem:$0x3FB6] =	sst s10  }
0x38: {  	s10 =	sld [smem:$0x3FB7]  }
0x39: {  	_ = 	snop;
	(pc) =	sbr.ind lr, $3  }
0x3a: {  	_ = 	snop  }
0x3b: {  	_ = 	snop  }
0x3c: {  	p2 =	seq.s32 s10, $0x1;
	s10 =	sld [smem:$0x3FB6]  }
0x3d: {  	_ =	shalt  }
0x3e: {  	_ =	shalt  }
0x3f: {  	_ =	shalt  }
0x40: {  	_ =	shalt  }
0x41: {  	_ =	shalt  }
0x42: {  	_ =	shalt  }
0x43: {  	_ =	shalt  }
0x44: {  	_ =	shalt  }
0x45: {  	_ =	shalt  }
0x46: {  	_ =	shalt  }
0x47: {  	_ =	shalt  }
0x48: {  	_ =	shalt  }
0x49: {  	_ =	shalt  }
0x4a: {  	_ =	shalt  }
0x4b: {  	_ =	shalt  }
0x4c: {  	_ =	shalt  }
0x4d: {  	_ =	shalt  }
0x4e: {  	_ =	shalt  }
0x4f: {  	_ =	shalt  }
0x50: {  	_ =	shalt  }
0x51: {  	_ =	shalt  }
0x52: {  	_ =	shalt  }
0x53: {  	_ =	shalt  }
0x54: {  	_ =	shalt  }
0x55: {  	_ =	shalt  }
0x56: {  	_ =	shalt  }
0x57: {  	_ =	shalt  }
0x58: {  	_ =	shalt  }
0x59: {  	_ =	shalt  }
0x5a: {  	_ =	shalt  }
0x5b: {  	_ =	shalt  }
0x5c: {  	_ =	shalt  }
0x5d: {  	_ =	shalt  }
0x5e: {  	_ =	shalt  }
0x5f: {  	_ =	shalt  }
0x60: {  	_ =	shalt  }
0x61: {  	_ =	shalt  }
0x62: {  	_ =	shalt  }
0x63: {  	_ =	shalt  }
0x64: {  	_ =	shalt  }
0x65: {  	_ =	shalt  }
0x66: {  	_ =	shalt  }
0x67: {  	_ =	shalt  }
0x68: {  	_ =	shalt  }
0x69: {  	_ =	shalt  }
0x6a: {  	_ =	shalt  }
0x6b: {  	_ =	shalt  }
0x6c: {  	_ =	shalt  }
0x6d: {  	_ =	shalt  }
0x6e: {  	_ =	shalt  }
0x6f: {  	_ =	shalt  }
0x70: {  	_ =	shalt  }
0x71: {  	_ =	shalt  }
0x72: {  	_ =	shalt  }
0x73: {  	_ =	shalt  }
0x74: {  	_ =	shalt  }
0x75: {  	_ =	shalt  }
0x76: {  	_ =	shalt  }
0x77: {  	_ =	shalt  }
0x78: {  	_ =	shalt  }
0x79: {  	_ =	shalt  }
0x7a: {  	_ =	shalt  }
0x7b: {  	_ =	shalt  }
0x7c: {  	_ =	shalt  }
0x7d: {  	_ =	shalt  }
0x7e: {  	_ =	shalt  }
0x7f: {  	_ =	shalt  }
0x80: {  	_ =	shalt  }
0x81: {  	_ =	shalt  }
0x82: {  	_ =	shalt  }
0x83: {  	_ =	shalt  }
0x84: {  	_ =	shalt  }
0x85: {  	_ =	shalt  }
0x86: {  	_ =	shalt  }
0x87: {  	_ =	shalt  }
.Lfunc_end0:
.L_simem_size_0:
called_computation.2_lowered:
.L_overlay_start_0:
0x88: {  	s2 =	sld [smem:$0x3FD9]  }
0x89: {  	s3 =	sld [smem:$0x3FFE];
	_ =	sdelay $0x1  }
0x8a: {  	s1 =	srdreg.scid  }
0x8b: {  	s0 =	sand.u32 $0x1, s1  }
0x8c: {  	s17 =	sshll.u32 s0, $0xA;
	s2 =	sadd.s32 s3, s2  }
0x8d: {  	s2 =	sadd.s32 s2, s17  }
0x8e: {  	[smem:$0x3FC2] =	sst s2  }
0x8f: {  	_ = 	snop  }
0x90: {  	s2 =	sld [smem:$0x3FD0];
	(tm) =	ssettm $0x1  }
0x91: {  	s18 =	sld [smem:$0x3FFB];
	_ =	sdelay $0x3  }
0x92: {  	_ =	strace s18  }
0x93: {  	s3 =	sld [smem:$0x3FFC];
	_ =	sdelay $0x3  }
0x94: {  	_ =	strace s3  }
0x95: {  	s3 =	sld [smem:$0x3FFD];
	_ =	sdelay $0x3  }
0x96: {  	_ =	strace s3  }
0x97: {  	_ =	strace $0x8FFFFFFF  }
0x98: {  	s19 =	sld [smem:$0x3FDB];
	_ =	sdelay $0x1  }
0x99: {  	s4 =	simm.s32 $_scs_section_size  }
0x9a: {  	s5 =	simm.s32 $_size__tile_overlayer_lowered;
	s6 =	simm.s32 $_tile_overlayer_lowered  }
0x9b: {  	s22 =	simm.s32 $0x1BFF;
	s21 =	sshll.u32 s6, $0x1;
	s3 =	sadd.s32 s4, s19  }
0x9c: {  	s7 =	simm.s32 $0x0;
	s20 =	sshll.u32 s5, $0x1;
	s5 =	sadd.s32 s21, s3  }
0x9d: {  	[timem:s7], [sflag:s22] =	dma.local [hbm:s5], s20  }
0x9e: {  	_ =	swait.ge [sflag:s22], s20  }
0x9f: {  	s4 =	ssub.s32 $0x0, s20;
	[sflag:s22] =	ssyncset.done $0x0  }
0xa0: {  	[sflag:s22] =	ssyncadd.s32 s4;
	_ =	sdelay $0x1  }
0xa1: {  	s23 =	simm.s32 $0x1B8B  }
0xa2: {  	_ =	swait.ge [sflag:s23], $0x1  }
0xa3: {  	[sflag:s23] =	ssyncset.done $0x0  }
0xa4: {  	s25 =	simm.s32 $0x1B8E;
	s24 =	sld [smem:$0x3FFE];
	[sflag:s23] =	ssyncadd.s32 $0xFFFFFFFF  }
0xa5: {  	s26 =	simm.s32 $execute0_lowered;
	[smem:$0x3FD2] =	sst s25  }
0xa6: {  	s5 =	sshll.u32 s26, $0x1;
	_ =	strace $0x8000004C;
	[dreg:$0x1] =	wrdreg $0xFFFFFFFF  }
0xa7: {  	s28 =	simm.s32 $_size_execute0_lowered;
	s3 =	sadd.s32 s3, s5;
	[dreg:$0x0] =	wrdreg $0x0  }
0xa8: {  	s5 =	sshll.u32 s28, $0x1;
	[dreg:$0x2] =	wrdreg s3  }
0xa9: {  	[dreg:$0x3] =	wrdreg s5  }
0xaa: {  	[dreg:$0x4] =	wrdreg $0xC0  }
0xab: {  	_ =	task [dreg:s7], $0x5FFFF  }
0xac: {  	[dreg:$0x1] =	wrdreg $0xFFFFFFFF  }
0xad: {  	[dreg:$0x0] =	wrdreg $0x60  }
0xae: {  	[dreg:$0x2] =	wrdreg s24  }
0xaf: {  	[dreg:$0x3] =	wrdreg s2  }
0xb0: {  	[dreg:$0x4] =	wrdreg $0xEC400  }
0xb1: {  	[dreg:$0x5] =	wrdreg $0x9  }
0xb2: {  	_ =	task.clear_ibuf [dreg:s7], $0x6FFFF;
	_ =	strace $0x9000004C  }
0xb3: {  	s29 =	simm.s32 $0x9;
	_ =	strace $0x8000004E  }
0xb4: {  	_ =	swait.ge [sflag:s29], $0x1  }
0xb5: {  	[sflag:s29] =	ssyncadd.s32 $0xFFFFFFFF  }
0xb6: {  	_ =	strace $0x9000004E  }
0xb7: {  	_ =	sfence  }
0xb8: {  	s30 =	sld [smem:$0x0];
	_ =	sdelay $0x2  }
0xb9: {  	s31 =	sshll.u32 s1, $0xD;
	s1 =	sshrl.u32 s1, $0x2  }
0xba: {  	s3 =	sand.u32 $0x4000, s31;
	s1 =	sadd.s32 s1, s30  }
0xbb: {  	s0 =	sor.u32 s3, s0;
	s1 =	sshll.u32 s1, $0x11  }
0xbc: {  	s0 =	sor.u32 s1, s0  }
0xbd: {  	s0 =	sadd.s32 $0x8F2B, s0  }
0xbe: {  	[sflag:s0] =	ssyncadd.remote.s32 $0x1  }
0xbf: {  	_ =	sfence.sel $0xFFFF  }
0xc0: {  	[dreg:$0x0] =	wrdreg $0xFFFFFFFF;
	(pc) =	sbr.abs _section_cstart, $3  }
0xc1: {  	[dreg:$0x1] =	wrdreg $0xFFFFFFFF  }
0xc2: {  	_ =	task.clear_ibuf [dreg:s7], $0x2FFFF;
	_ =	strace $0x9FFFFFFF  }
0xc3: {  	(tm) =	ssettm $0x7FFFFFFF  }
tec
execute0_lowered:
.L_overlay_start_1:
0x0: {  	(tag) =	ssettag $0x1  }
0x1: {  	s0 =	srdreg.scid;
	s1 =	rddreg [dreg:$0x0]  }
0x2: {  	s8 =	stileid.u32;
	s3 =	rddreg [dreg:$0x2];
	s5 =	simm.s32 $0x0  }
0x3: {  	s12 =	simm.s32 $0x11;
	s14 =	simm.s32 $0x7D;
	s15 =	simm.s32 $0x5000  }
0x4: {  	s17 =	simm.s32 $0x6388;
	s19 =	simm.s32 $0x7710;
	s21 =	simm.s32 $0x8A98  }
0x5: {  	s22 =	simm.s32 $0x1;
	s23 =	simm.s32 $0x9E20;
	s24 =	simm.s32 $0x2  }
0x6: {  	s28 =	simm.s32 $0xC530;
	s29 =	simm.s32 $0x4;
	s30 =	simm.s32 $0xD8B8  }
0x7: {  	s31 =	simm.s32 $0x5;
	s13 =	simm.s32 $0x8;
	s16 =	simm.s32 $0xC  }
0x8: {  	s9 =	simm.s32 $0x0;
	s0 =	sand.u32 $0x1, s0;
	s4 =	smul.u32 $0x6400, s8  }
0x9: {  	[smem:$0x7FF] =	sst s5;
	s5 =	sadd.s32 $0x15E00, s1;
	s2 =	sshll.u32 s0, $0x4  }
0xa: {  	s6 =	smul.u32 $0x64000, s0;
	s0 =	ssub.s32 $0x2, s0;
	s2 =	sor.u32 s8, s2  }
0xb: {  	s25 =	sshll.u32 s8, $0x6;
	s7 =	sshrl.u32 s0, $0x1;
	s2 =	smul.u32 $0x2800, s2  }
0xc: {  	_ =	strace $0x8000004D;
	s6 =	sadd.s32 s4, s6;
	s0 =	ssub.s32 s0, s7  }
0xd: {  	s4 =	sadd.s32 s4, s3;
	s6 =	sshrl.u32 s6, $0x3;
	s2 =	sshrl.u32 s2, $0x3  }
0xe: {  	s0 =	smax.u32 s0, $0x1;
	s11 =	sshrl.u32 s4, $0x3;
	s2 =	sadd.s32 s2, s1  }
.Ltmp0:
0xf: {  	[dreg:$0x7] =	wrdreg s0;
	s26 =	sadd.s32 $0x1E00, s2;
	(pc) =	sbr.rel .LBB2_1-.Ltmp0, $4  }
0x10: {  	s1 =	sadd.s32 s6, s1;
	s2 =	sadd.s32 $0xBE00, s2;
	[dreg:$0x4] =	wrdreg s26  }
0x11: {  	s0 =	simm.s32 $0x7;
	s1 =	sadd.s32 $0x22600, s1;
	[dreg:$0x5] =	wrdreg s2  }
0x12: {  	s6 =	sor.u32 $0x1C11, s25;
	s25 =	simm.s32 $0xB1A8;
	[dreg:$0x6] =	wrdreg s1  }
0x13: {  	s26 =	simm.s32 $0x3;
	s1 =	simm.s32 $0x9;
	s2 =	simm.s32 $0xB  }
.LBB2_4:
0x14: {  	_ =	swait.ge [sflag:s13], $0x1388  }
0x15: {  	[sflag:s13] =	ssyncset.done $0x0  }
0x16: {  	[sflag:s13] =	ssyncadd.s32 $0xFFFFEC78  }
0x17: {  	[spmem:s3] =	stream.indirect.scatter.add.f32 [tilespmem:s30], [sflag:$0x10], $0x28, s18, s14, $0xb8;
	[tilespmem:$0x15040] =	vst v63  }
0x18: {  	_ =	swait.ge [sflag:s16], $0x1388  }
0x19: {  	[sflag:s16] =	ssyncset.done $0x0  }
0x1a: {  	s4 =	simm.s32 $0xD;
	[sflag:s16] =	ssyncadd.s32 $0xFFFFEC78  }
0x1b: {  	_ =	swait.ge [sflag:s4], $0x1388  }
0x1c: {  	[sflag:s4] =	ssyncset.done $0x0  }
0x1d: {  	s7 =	simm.s32 $0xE;
	[sflag:s4] =	ssyncadd.s32 $0xFFFFEC78  }
0x1e: {  	_ =	swait.ge [sflag:s7], $0x1388  }
0x1f: {  	[sflag:s7] =	ssyncset.done $0x0  }
0x20: {  	s8 =	simm.s32 $0xF;
	[sflag:s7] =	ssyncadd.s32 $0xFFFFEC78  }
0x21: {  	_ =	swait.ge [sflag:s8], $0x1388  }
0x22: {  	[sflag:s8] =	ssyncset.done $0x0  }
0x23: {  	s10 =	simm.s32 $0x10;
	[sflag:s8] =	ssyncadd.s32 $0xFFFFEC78  }
0x24: {  	_ =	swait.ge [sflag:s10], $0x1388  }
0x25: {  	[sflag:s10] =	ssyncset.done $0x0  }
0x26: {  	[sflag:s10] =	ssyncadd.s32 $0xFFFFEC78  }
0x27: {  	[bflag:$0x0] =	sbarrier.arrive $0xFFFF  }
0x28: {  	s18 =	rddreg [dreg:$0x6]  }
0x29: {  	[hbm:s18], [sflag:s6] =	dma.local [spmem:s11], $0xC80  }
0x2a: {  	_ =	swait.ge [sflag:s12], $0xC80  }
0x2b: {  	s9 =	sadd.s32 $0x1, s9;
	s20 =	rddreg [dreg:$0x7]  }
0x2c: {  	p0 =	sne.s32 s9, s20  }
.Ltmp1:
0x2d: {  	_ = 	snop;
	(pc) =	sbr.rel @!p0 .LBB2_5-.Ltmp1, $3  }
0x2e: {  	_ =	sdelay $0x1  }
0x2f: {  	[sflag:s12] =	ssyncset.done $0x0  }
0x30: {  	[sflag:s12] =	ssyncadd.s32 $0xFFFFF380  }
.LBB2_1:
0x31: {  	s4 =	rddreg [dreg:$0x1]  }
0x32: {  	[spmem:s11], [sflag:s6] =	dma.local [hbm:s4], $0xC80  }
0x33: {  	_ =	swait.ge [sflag:s12], $0xC80  }
0x34: {  	[sflag:s12] =	ssyncset.done $0x0  }
0x35: {  	s18 =	simm.s32 $0x0;
	s7 =	rddreg [dreg:$0x4];
	[sflag:s12] =	ssyncadd.s32 $0xFFFFF380  }
0x36: {  	[tilespmem:s18], [sflag:$0x11] =	stream.linear.gather [hbm4b:s7+s18], $0x2800, $0x38;
	[tilespmem:$0x15040] =	vst v63  }
0x37: {  	_ =	swait.ge [sflag:s12], $0x2800  }
0x38: {  	[sflag:s12] =	ssyncset.done $0x0  }
0x39: {  	s8 =	simm.s32 $0x2800;
	s20 =	rddreg [dreg:$0x5];
	[sflag:s12] =	ssyncadd.s32 $0xFFFFD800  }
0x3a: {  	[tilespmem:s8], [sflag:$0x11] =	stream.linear.gather [hbm4b:s20+s18], $0x2800, $0x38;
	[tilespmem:$0x15040] =	vst v63  }
0x3b: {  	_ =	swait.ge [sflag:s12], $0x2800  }
0x3c: {  	[sflag:s12] =	ssyncset.done $0x0  }
0x3d: {  	[sflag:s12] =	ssyncadd.s32 $0xFFFFD800  }
0x3e: {  	[bflag:$0x0] =	sbarrier.arrive $0xFFFF  }
0x3f: {  	[tilespmem:s15], [sflag:$0x1] =	stream.indirect.gather [hbm4b:s5+s14], $0x28, s18, s14, $0xb8;
	[tilespmem:$0x15040] =	vst v63  }
0x40: {  	s10 =	simm.s32 $0x80  }
0x41: {  	[tilespmem:s17], [sflag:$0x2] =	stream.indirect.gather [hbm4b:s5+s14], $0x28, s10, s14, $0xb8;
	[tilespmem:$0x15040] =	vst v63  }
0x42: {  	s18 =	simm.s32 $0x100  }
0x43: {  	[tilespmem:s19], [sflag:$0x3] =	stream.indirect.gather [hbm4b:s5+s14], $0x28, s18, s14, $0xb8;
	[tilespmem:$0x15040] =	vst v63  }
0x44: {  	s20 =	simm.s32 $0x180;
	s10 =	simm.s32 $0x0  }
0x45: {  	[tilespmem:s21], [sflag:$0x4] =	stream.indirect.gather [hbm4b:s5+s14], $0x28, s20, s14, $0xb8;
	[tilespmem:$0x15040] =	vst v63  }
.LBB2_2:
0x46: {  	_ =	swait.ge [sflag:s22], $0x1388  }
0x47: {  	s4 =	sshra.s32 s10, $0x2;
	[sflag:s22] =	ssyncset.done $0x0  }
0x48: {  	p0 =	seq.s32 s10, $0x0;
	s18 =	sadd.s32 $0x2800, s4;
	[sflag:s22] =	ssyncadd.s32 $0xFFFFEC78  }
0x49: {  	[spmem:s3] =	stream.indirect.scatter.add.f32 [tilespmem:s15], [sflag:$0x9], $0x28, s18, s14, $0xb8;
	[tilespmem:$0x15040] =	vst v63  }
0x4a: {  	s18 =	simm.s32 @!p0 $0xD  }
0x4b: {  	_ =	swait.ge @!p0 [sflag:s18], $0x1388  }
0x4c: {  	[sflag:s18] =	ssyncset.done @!p0 $0x0  }
0x4d: {  	s7 =	sadd.s32 $0x200, s4;
	[sflag:s18] =	ssyncadd.s32 @!p0 $0xFFFFEC78  }
0x4e: {  	[tilespmem:s23], [sflag:$0x5] =	stream.indirect.gather [hbm4b:s5+s14], $0x28, s7, s14, $0xb8;
	[tilespmem:$0x15040] =	vst v63  }
0x4f: {  	_ =	swait.ge [sflag:s24], $0x1388  }
0x50: {  	[sflag:s24] =	ssyncset.done $0x0  }
0x51: {  	s8 =	sadd.s32 $0x2880, s4;
	s18 =	simm.s32 @!p0 $0xE;
	[sflag:s24] =	ssyncadd.s32 $0xFFFFEC78  }
0x52: {  	[spmem:s3] =	stream.indirect.scatter.add.f32 [tilespmem:s17], [sflag:$0xA], $0x28, s8, s14, $0xb8;
	[tilespmem:$0x15040] =	vst v63  }
0x53: {  	_ =	swait.ge @!p0 [sflag:s18], $0x1388  }
0x54: {  	[sflag:s18] =	ssyncset.done @!p0 $0x0  }
0x55: {  	s20 =	sadd.s32 $0x280, s4;
	[sflag:s18] =	ssyncadd.s32 @!p0 $0xFFFFEC78  }
0x56: {  	[tilespmem:s25], [sflag:$0x6] =	stream.indirect.gather [hbm4b:s5+s14], $0x28, s20, s14, $0xb8;
	[tilespmem:$0x15040] =	vst v63  }
0x57: {  	_ =	swait.ge [sflag:s26], $0x1388  }
0x58: {  	[sflag:s26] =	ssyncset.done $0x0  }
0x59: {  	s7 =	sadd.s32 $0x2900, s4;
	s18 =	simm.s32 @!p0 $0xF;
	[sflag:s26] =	ssyncadd.s32 $0xFFFFEC78  }
0x5a: {  	[spmem:s3] =	stream.indirect.scatter.add.f32 [tilespmem:s19], [sflag:$0xB], $0x28, s7, s14, $0xb8;
	[tilespmem:$0x15040] =	vst v63  }
0x5b: {  	_ =	swait.ge @!p0 [sflag:s18], $0x1388  }
0x5c: {  	[sflag:s18] =	ssyncset.done @!p0 $0x0  }
0x5d: {  	s8 =	sadd.s32 $0x300, s4;
	[sflag:s18] =	ssyncadd.s32 @!p0 $0xFFFFEC78  }
0x5e: {  	[tilespmem:s28], [sflag:$0x7] =	stream.indirect.gather [hbm4b:s5+s14], $0x28, s8, s14, $0xb8;
	[tilespmem:$0x15040] =	vst v63  }
0x5f: {  	_ =	swait.ge [sflag:s29], $0x1388  }
0x60: {  	[sflag:s29] =	ssyncset.done $0x0  }
0x61: {  	s20 =	sadd.s32 $0x2980, s4;
	s18 =	simm.s32 @!p0 $0x10;
	[sflag:s29] =	ssyncadd.s32 $0xFFFFEC78  }
0x62: {  	[spmem:s3] =	stream.indirect.scatter.add.f32 [tilespmem:s21], [sflag:$0xC], $0x28, s20, s14, $0xb8;
	[tilespmem:$0x15040] =	vst v63  }
0x63: {  	_ =	swait.ge @!p0 [sflag:s18], $0x1388  }
0x64: {  	[sflag:s18] =	ssyncset.done @!p0 $0x0  }
0x65: {  	s7 =	sadd.s32 $0x380, s4;
	[sflag:s18] =	ssyncadd.s32 @!p0 $0xFFFFEC78  }
0x66: {  	[tilespmem:s30], [sflag:$0x8] =	stream.indirect.gather [hbm4b:s5+s14], $0x28, s7, s14, $0xb8;
	[tilespmem:$0x15040] =	vst v63  }
0x67: {  	_ =	swait.ge [sflag:s31], $0x1388  }
0x68: {  	[sflag:s31] =	ssyncset.done $0x0  }
0x69: {  	s8 =	sadd.s32 $0x2A00, s4;
	[sflag:s31] =	ssyncadd.s32 $0xFFFFEC78  }
0x6a: {  	[spmem:s3] =	stream.indirect.scatter.add.f32 [tilespmem:s23], [sflag:$0xD], $0x28, s8, s14, $0xb8;
	[tilespmem:$0x15040] =	vst v63  }
0x6b: {  	_ =	swait.ge [sflag:s1], $0x1388  }
0x6c: {  	p0 =	seq.s32 s10, $0x9000;
	[sflag:s1] =	ssyncset.done $0x0  }
0x6d: {  	s18 =	simm.s32 @p0 $0x6;
	[sflag:s1] =	ssyncadd.s32 $0xFFFFEC78  }
0x6e: {  	_ =	swait.ge @p0 [sflag:s18], $0x1388  }
0x6f: {  	[sflag:s18] =	ssyncset.done @p0 $0x0  }
0x70: {  	[sflag:s18] =	ssyncadd.s32 @p0 $0xFFFFEC78;
	s18 =	sshra.s32 @p0 s10, $0x2  }
0x71: {  	s20 =	simm.s32 @p0 $0x7D;
	s7 =	simm.s32 @p0 $0xB1A8;
	s18 =	sadd.s32 @p0 $0x2A80, s18  }
0x72: {  	[spmem:s3] =	stream.indirect.scatter.add.f32 @p0 [tilespmem:s7], [sflag:$0xE], $0x28, s18, s20, $0xb8;
	[tilespmem:$0x15040] =	vst v63  }
0x73: {  	s7 =	simm.s32 @p0 $0xA  }
0x74: {  	_ =	swait.ge @p0 [sflag:s7], $0x1388  }
0x75: {  	[sflag:s7] =	ssyncset.done @p0 $0x0  }
0x76: {  	[sflag:s7] =	ssyncadd.s32 @p0 $0xFFFFEC78;
	s7 =	sshra.s32 @!p0 s10, $0x2  }
0x77: {  	s8 =	simm.s32 @!p0 $0x5000;
	s20 =	simm.s32 @!p0 $0x7D;
	s18 =	sadd.s32 @!p0 $0x400, s7  }
0x78: {  	[tilespmem:s8], [sflag:$0x1] =	stream.indirect.gather @!p0 [hbm4b:s5+s20], $0x28, s18, s20, $0xb8;
	[tilespmem:$0x15040] =	vst v63  }
0x79: {  	s8 =	simm.s32 @!p0 $0x6  }
0x7a: {  	_ =	swait.ge @!p0 [sflag:s8], $0x1388  }
0x7b: {  	[sflag:s8] =	ssyncset.done @!p0 $0x0  }
0x7c: {  	s18 =	simm.s32 @!p0 $0xB1A8;
	[sflag:s8] =	ssyncadd.s32 @!p0 $0xFFFFEC78;
	s8 =	sadd.s32 @!p0 $0x2A80, s7  }
0x7d: {  	[spmem:s3] =	stream.indirect.scatter.add.f32 @!p0 [tilespmem:s18], [sflag:$0xE], $0x28, s8, s20, $0xb8;
	[tilespmem:$0x15040] =	vst v63  }
0x7e: {  	s8 =	simm.s32 @!p0 $0xA  }
0x7f: {  	_ =	swait.ge @!p0 [sflag:s8], $0x1388  }
0x80: {  	[sflag:s8] =	ssyncset.done @!p0 $0x0  }
0x81: {  	s7 =	sadd.s32 @!p0 $0x480, s7;
	[sflag:s8] =	ssyncadd.s32 @!p0 $0xFFFFEC78;
	s8 =	simm.s32 @!p0 $0x6388  }
0x82: {  	[tilespmem:s8], [sflag:$0x2] =	stream.indirect.gather @!p0 [hbm4b:s5+s20], $0x28, s7, s20, $0xb8;
	[tilespmem:$0x15040] =	vst v63  }
0x83: {  	_ =	swait.ge [sflag:s0], $0x1388  }
0x84: {  	[sflag:s0] =	ssyncset.done $0x0  }
.Ltmp2:
0x85: {  	s20 =	sadd.s32 $0x2B00, s4;
	[sflag:s0] =	ssyncadd.s32 $0xFFFFEC78;
	(pc) =	sbr.rel @p0 .LBB2_4-.Ltmp2, $4  }
0x86: {  	[spmem:s3] =	stream.indirect.scatter.add.f32 [tilespmem:s28], [sflag:$0xF], $0x28, s20, s14, $0xb8;
	[tilespmem:$0x15040] =	vst v63  }
0x87: {  	_ =	swait.ge [sflag:s2], $0x1388  }
0x88: {  	[sflag:s2] =	ssyncset.done $0x0  }
0x89: {  	s18 =	sadd.s32 $0x2B80, s4;
	[sflag:s2] =	ssyncadd.s32 $0xFFFFEC78  }
0x8a: {  	s7 =	sadd.s32 $0x500, s4  }
0x8b: {  	[tilespmem:s19], [sflag:$0x3] =	stream.indirect.gather [hbm4b:s5+s14], $0x28, s7, s14, $0xb8;
	[tilespmem:$0x15040] =	vst v63  }
0x8c: {  	_ =	swait.ge [sflag:s13], $0x1388  }
0x8d: {  	[sflag:s13] =	ssyncset.done $0x0  }
0x8e: {  	[sflag:s13] =	ssyncadd.s32 $0xFFFFEC78  }
0x8f: {  	[spmem:s3] =	stream.indirect.scatter.add.f32 [tilespmem:s30], [sflag:$0x10], $0x28, s18, s14, $0xb8;
	[tilespmem:$0x15040] =	vst v63  }
.Ltmp3:
0x90: {  	_ = 	snop;
	(pc) =	sbr.rel .LBB2_2-.Ltmp3, $4  }
0x91: {  	_ =	swait.ge [sflag:s16], $0x1388  }
0x92: {  	[sflag:s16] =	ssyncset.done $0x0  }
0x93: {  	s20 =	sadd.s32 $0x580, s4;
	s10 =	sadd.s32 $0x1000, s10;
	[sflag:s16] =	ssyncadd.s32 $0xFFFFEC78  }
0x94: {  	[tilespmem:s21], [sflag:$0x4] =	stream.indirect.gather [hbm4b:s5+s14], $0x28, s20, s14, $0xb8;
	[tilespmem:$0x15040] =	vst v63  }
.LBB2_5:
0x95: {  	_ =	sfence.sel $0x180000  }
0x96: {  	[bflag:$0x0] =	sbarrier.arrive $0xFFFF  }
0x97: {  	_ =	strace $0x9000004D  }
0x98: {  	s0 =	stileid.u32;
	[bflag:$0x2] =	sbarrier.arrive $0xFFFF  }
0x99: {  	p0 =	sne.s32 s0, $0x0;
	s0 =	rddreg [dreg:$0x3]  }
0x9a: {  	s0 =	sadd.s32 @!p0 $0x100000, s0  }
0x9b: {  	[sflag:s0] =	ssyncadd.tile.s32 @!p0 $0x1;
	_ =	shalt  }
.Lfunc_end2:
_tile_overlayer_lowered:
.L_overlay_start_2:
0x9c: {  	(tag) =	ssettag $0x2  }
0x9d: {  	s0 =	rddreg [dreg:$0x0];
	s2 =	stileid.u32  }
0x9e: {  	s1 =	rddreg [dreg:$0x1];
	p0 =	sne.s32 s2, $0x0  }
0x9f: {  	s3 =	rddreg [dreg:$0x2];
	[bflag:$0x3] =	sbarrier.arrive $0xFFFF;
	s2 =	simm.s32 @!p0 $0x1C11  }
0xa0: {  	[timem:s3], [sflag:s2] =	dma.local @!p0 [hbm:s0], s1  }
0xa1: {  	s0 =	simm.s32 @!p0 $0x11  }
0xa2: {  	_ =	swait.ge @!p0 [sflag:s0], s1  }
0xa3: {  	s1 =	ssub.s32 @!p0 $0x0, s1;
	[sflag:s0] =	ssyncset.done @!p0 $0x0  }
0xa4: {  	[sflag:s0] =	ssyncadd.s32 @!p0 s1  }
0xa5: {  	[bflag:$0x3] =	sbarrier.arrive $0xFFFF  }
0xa6: {  	_ =	shalt  }

// kernel: _run.8.cloned.1.call-start
scs
__scs_entry_jumppad:
0x0: {  	(pc) =	sbr.rel $0x88, $3  }
0x1: {  	(tag) =	ssettag $0x0;
	lr =	simm.s32 $0x1  }
0x2: {  	[smem:$0x3F9B] =	sst lr;
	_ =	strace $0xD0000000  }
0x3: {  	_ = 	snop  }
0x4: {  	_ = 	snop  }
0x5: {  	_ = 	snop  }
0x6: {  	_ = 	snop  }
0x7: {  	_ = 	snop  }
__scs_overlays_trampoline_lowered:
0x8: {  	[smem:$0x3FAA] =	sst s0  }
0x9: {  	[smem:$0x3FAB] =	sst s1  }
0xa: {  	[smem:$0x3FAC] =	sst s2  }
0xb: {  	[smem:$0x3FAD] =	sst s3  }
0xc: {  	[smem:$0x3FAE] =	sst s4  }
0xd: {  	[smem:$0x3FAF] =	sst s5  }
0xe: {  	[smem:$0x3FB0] =	sst s6  }
0xf: {  	[smem:$0x3FB1] =	sst s7  }
0x10: {  	[smem:$0x3FB2] =	sst s8  }
0x11: {  	[smem:$0x3FB3] =	sst s9;
	s0 =	simm.s32 @!p0 $0x0  }
0x12: {  	s1 =	sld [smem:$0x3F99];
	s0 =	simm.s32 @p0 $0x1  }
0x13: {  	[smem:$0x3FB4] =	sst s0;
	s0 =	simm.s32 @!p1 $0x0  }
0x14: {  	s2 =	sld [smem:$0x3F98];
	s0 =	simm.s32 @p1 $0x1  }
0x15: {  	[smem:$0x3FB5] =	sst s0;
	s0 =	simm.s32 @!p2 $0x0  }
0x16: {  	s3 =	sld [smem:$0x3FDB];
	s0 =	simm.s32 @p2 $0x1  }
0x17: {  	s4 =	simm.s32 $0x1BF5;
	[smem:$0x3FB7] =	sst s0  }
0x18: {  	s0 =	sld [smem:$0x3F9A];
	_ =	swait.ge [sflag:s4], $0x0  }
0x19: {  	s7 =	sld [smem:$0x3F9B]  }
0x1a: {  	s8 =	sadd.s32 $0xFFFFE003, lr  }
0x1b: {  	s9 =	sadd.s32 $0xFFFFFEF7, lr;
	s5 =	simm.s32 $0xFFFFFFFF;
	p2 =	slt.u32 s8, $0xFFFFF086  }
0x1c: {  	p1 =	slt.u32 s9, $0xF7A;
	s5 =	simm.s32 @!p2 $0x0  }
0x1d: {  	s5 =	simm.s32 @p1 $0x1;
	p0 =	seq.s32 s7, s2  }
0x1e: {  	s7 =	smul.u32 @!p0 $0xF7A, s2;
	p2 =	seq.s32 @!p0 s5, $0x0  }
0x1f: {  	s9 =	smul.u32 $0xF7A, s1;
	s8 =	simm.s32 @!p0 $0x1BF5;
	p2 =	por !p2, p0  }
0x20: {  	[sflag:s8] =	ssyncset.s32 @!p0 $0xFFFFF086;
	s6 =	sadd.s32 @!p0 s3, s7;
	s7 =	simm.s32 @!p0 $0x108  }
0x21: {  	s3 =	sadd.s32 s3, s9;
	s6 =	sadd.s32 @!p0 $0x88, s6;
	s7 =	simm.s32 @p2 $0x1082  }
0x22: {  	[simem:s7], [sflag:s8] =	dma.local @!p0 [hbm:s6], $0xF7A  }
0x23: {  	s9 =	sor.u32 $0xD0000000, s2;
	s6 =	simm.s32 $0x108;
	_ =	swait.ge @!p0 [sflag:s8], $0x0  }
0x24: {  	s3 =	sadd.s32 $0x88, s3;
	s6 =	simm.s32 @!p1 $0x1082;
	[sflag:s4] =	ssyncset.s32 $0xFFFFF086  }
0x25: {  	[simem:s6], [sflag:s4] =	dma.local [hbm:s3], $0xF7A  }
0x26: {  	[smem:$0x3F9B] =	sst s1;
	(tag) =	ssettag s2;
	_ =	strace s9  }
0x27: {  	s1 =	sld [smem:$0x3FAB]  }
0x28: {  	s2 =	sld [smem:$0x3FAC]  }
0x29: {  	s4 =	sld [smem:$0x3FAE]  }
0x2a: {  	p0 =	seq.s32 s5, $0x0;
	s5 =	sld [smem:$0x3FAF]  }
0x2b: {  	s6 =	sld [smem:$0x3FB0]  }
0x2c: {  	s7 =	sld [smem:$0x3FB1]  }
0x2d: {  	s3 =	simm.s32 $0x108;
	s8 =	sld [smem:$0x3FB2]  }
0x2e: {  	s3 =	simm.s32 @!p0 $0x1082;
	s9 =	sld [smem:$0x3FB3]  }
0x2f: {  	lr =	sadd.s32 s0, s3;
	s0 =	sld [smem:$0x3FAA]  }
0x30: {  	s3 =	sld [smem:$0x3FAD]  }
0x31: {  	[smem:$0x3FB6] =	sst s10  }
0x32: {  	s10 =	sld [smem:$0x3FB4];
	_ =	sdelay $0x3  }
0x33: {  	p0 =	seq.s32 s10, $0x1;
	s10 =	sld [smem:$0x3FB6];
	_ =	sdelay $0x3  }
0x34: {  	[smem:$0x3FB6] =	sst s10  }
0x35: {  	s10 =	sld [smem:$0x3FB5];
	_ =	sdelay $0x3  }
0x36: {  	p1 =	seq.s32 s10, $0x1;
	s10 =	sld [smem:$0x3FB6];
	_ =	sdelay $0x3  }
0x37: {  	[smem:$0x3FB6] =	sst s10  }
0x38: {  	s10 =	sld [smem:$0x3FB7]  }
0x39: {  	_ = 	snop;
	(pc) =	sbr.ind lr, $3  }
0x3a: {  	_ = 	snop  }
0x3b: {  	_ = 	snop  }
0x3c: {  	p2 =	seq.s32 s10, $0x1;
	s10 =	sld [smem:$0x3FB6]  }
0x3d: {  	_ =	shalt  }
0x3e: {  	_ =	shalt  }
0x3f: {  	_ =	shalt  }
0x40: {  	_ =	shalt  }
0x41: {  	_ =	shalt  }
0x42: {  	_ =	shalt  }
0x43: {  	_ =	shalt  }
0x44: {  	_ =	shalt  }
0x45: {  	_ =	shalt  }
0x46: {  	_ =	shalt  }
0x47: {  	_ =	shalt  }
0x48: {  	_ =	shalt  }
0x49: {  	_ =	shalt  }
0x4a: {  	_ =	shalt  }
0x4b: {  	_ =	shalt  }
0x4c: {  	_ =	shalt  }
0x4d: {  	_ =	shalt  }
0x4e: {  	_ =	shalt  }
0x4f: {  	_ =	shalt  }
0x50: {  	_ =	shalt  }
0x51: {  	_ =	shalt  }
0x52: {  	_ =	shalt  }
0x53: {  	_ =	shalt  }
0x54: {  	_ =	shalt  }
0x55: {  	_ =	shalt  }
0x56: {  	_ =	shalt  }
0x57: {  	_ =	shalt  }
0x58: {  	_ =	shalt  }
0x59: {  	_ =	shalt  }
0x5a: {  	_ =	shalt  }
0x5b: {  	_ =	shalt  }
0x5c: {  	_ =	shalt  }
0x5d: {  	_ =	shalt  }
0x5e: {  	_ =	shalt  }
0x5f: {  	_ =	shalt  }
0x60: {  	_ =	shalt  }
0x61: {  	_ =	shalt  }
0x62: {  	_ =	shalt  }
0x63: {  	_ =	shalt  }
0x64: {  	_ =	shalt  }
0x65: {  	_ =	shalt  }
0x66: {  	_ =	shalt  }
0x67: {  	_ =	shalt  }
0x68: {  	_ =	shalt  }
0x69: {  	_ =	shalt  }
0x6a: {  	_ =	shalt  }
0x6b: {  	_ =	shalt  }
0x6c: {  	_ =	shalt  }
0x6d: {  	_ =	shalt  }
0x6e: {  	_ =	shalt  }
0x6f: {  	_ =	shalt  }
0x70: {  	_ =	shalt  }
0x71: {  	_ =	shalt  }
0x72: {  	_ =	shalt  }
0x73: {  	_ =	shalt  }
0x74: {  	_ =	shalt  }
0x75: {  	_ =	shalt  }
0x76: {  	_ =	shalt  }
0x77: {  	_ =	shalt  }
0x78: {  	_ =	shalt  }
0x79: {  	_ =	shalt  }
0x7a: {  	_ =	shalt  }
0x7b: {  	_ =	shalt  }
0x7c: {  	_ =	shalt  }
0x7d: {  	_ =	shalt  }
0x7e: {  	_ =	shalt  }
0x7f: {  	_ =	shalt  }
0x80: {  	_ =	shalt  }
0x81: {  	_ =	shalt  }
0x82: {  	_ =	shalt  }
0x83: {  	_ =	shalt  }
0x84: {  	_ =	shalt  }
0x85: {  	_ =	shalt  }
0x86: {  	_ =	shalt  }
0x87: {  	_ =	shalt  }
.Lfunc_end0:
.L_simem_size_0:
called_computation_lowered:
.L_overlay_start_0:
0x88: {  	s2 =	sld [smem:$0x3FD9]  }
0x89: {  	s3 =	sld [smem:$0x3FFE];
	_ =	sdelay $0x1  }
0x8a: {  	s1 =	srdreg.scid  }
0x8b: {  	s0 =	sand.u32 $0x1, s1  }
0x8c: {  	s17 =	sshll.u32 s0, $0xA;
	s2 =	sadd.s32 s3, s2  }
0x8d: {  	s2 =	sadd.s32 s2, s17  }
0x8e: {  	[smem:$0x3FC2] =	sst s2  }
0x8f: {  	_ = 	snop  }
0x90: {  	s2 =	sld [smem:$0x3FD0];
	(tm) =	ssettm $0x1  }
0x91: {  	s18 =	sld [smem:$0x3FFB];
	_ =	sdelay $0x3  }
0x92: {  	_ =	strace s18  }
0x93: {  	s3 =	sld [smem:$0x3FFC];
	_ =	sdelay $0x3  }
0x94: {  	_ =	strace s3  }
0x95: {  	s3 =	sld [smem:$0x3FFD];
	_ =	sdelay $0x3  }
0x96: {  	_ =	strace s3  }
0x97: {  	_ =	strace $0x8FFFFFFF  }
0x98: {  	s19 =	sld [smem:$0x3FDB];
	_ =	sdelay $0x1  }
0x99: {  	s4 =	simm.s32 $_scs_section_size  }
0x9a: {  	s5 =	simm.s32 $_size__tile_overlayer_lowered;
	s6 =	simm.s32 $_tile_overlayer_lowered  }
0x9b: {  	s22 =	simm.s32 $0x1BFF;
	s21 =	sshll.u32 s6, $0x1;
	s3 =	sadd.s32 s4, s19  }
0x9c: {  	s7 =	simm.s32 $0x0;
	s20 =	sshll.u32 s5, $0x1;
	s5 =	sadd.s32 s21, s3  }
0x9d: {  	[timem:s7], [sflag:s22] =	dma.local [hbm:s5], s20  }
0x9e: {  	_ =	swait.ge [sflag:s22], s20  }
0x9f: {  	s4 =	ssub.s32 $0x0, s20;
	[sflag:s22] =	ssyncset.done $0x0  }
0xa0: {  	[sflag:s22] =	ssyncadd.s32 s4;
	_ =	sdelay $0x1  }
0xa1: {  	s23 =	simm.s32 $0x1B8B  }
0xa2: {  	_ =	swait.ge [sflag:s23], $0x1  }
0xa3: {  	[sflag:s23] =	ssyncset.done $0x0  }
0xa4: {  	s25 =	simm.s32 $0x1B8E;
	s24 =	sld [smem:$0x3FFE];
	[sflag:s23] =	ssyncadd.s32 $0xFFFFFFFF  }
0xa5: {  	s26 =	simm.s32 $execute0_lowered;
	[smem:$0x3FD2] =	sst s25  }
0xa6: {  	s5 =	sshll.u32 s26, $0x1;
	_ =	strace $0x80000046;
	[dreg:$0x1] =	wrdreg $0xFFFFFFFF  }
0xa7: {  	s28 =	simm.s32 $_size_execute0_lowered;
	s3 =	sadd.s32 s3, s5;
	[dreg:$0x0] =	wrdreg $0x0  }
0xa8: {  	s5 =	sshll.u32 s28, $0x1;
	[dreg:$0x2] =	wrdreg s3  }
0xa9: {  	[dreg:$0x3] =	wrdreg s5  }
0xaa: {  	[dreg:$0x4] =	wrdreg $0xC0  }
0xab: {  	_ =	task [dreg:s7], $0x5FFFF  }
0xac: {  	[dreg:$0x1] =	wrdreg $0xFFFFFFFF  }
0xad: {  	[dreg:$0x0] =	wrdreg $0x60  }
0xae: {  	[dreg:$0x2] =	wrdreg s24  }
0xaf: {  	[dreg:$0x3] =	wrdreg s2  }
0xb0: {  	[dreg:$0x4] =	wrdreg $0x5A500  }
0xb1: {  	[dreg:$0x5] =	wrdreg $0x9  }
0xb2: {  	_ =	task.clear_ibuf [dreg:s7], $0x6FFFF;
	_ =	strace $0x90000046  }
0xb3: {  	s29 =	simm.s32 $0x9;
	_ =	strace $0x80000048  }
0xb4: {  	_ =	swait.ge [sflag:s29], $0x1  }
0xb5: {  	[sflag:s29] =	ssyncadd.s32 $0xFFFFFFFF  }
0xb6: {  	_ =	strace $0x90000048  }
0xb7: {  	_ =	sfence  }
0xb8: {  	s30 =	sld [smem:$0x0];
	_ =	sdelay $0x2  }
0xb9: {  	s31 =	sshll.u32 s1, $0xD;
	s1 =	sshrl.u32 s1, $0x2  }
0xba: {  	s3 =	sand.u32 $0x4000, s31;
	s1 =	sadd.s32 s1, s30  }
0xbb: {  	s0 =	sor.u32 s3, s0;
	s1 =	sshll.u32 s1, $0x11  }
0xbc: {  	s0 =	sor.u32 s1, s0  }
0xbd: {  	s0 =	sadd.s32 $0x8F2B, s0  }
0xbe: {  	[sflag:s0] =	ssyncadd.remote.s32 $0x1  }
0xbf: {  	_ =	sfence.sel $0xFFFF  }
0xc0: {  	[dreg:$0x0] =	wrdreg $0xFFFFFFFF;
	(pc) =	sbr.abs _section_cstart, $3  }
0xc1: {  	[dreg:$0x1] =	wrdreg $0xFFFFFFFF  }
0xc2: {  	_ =	task.clear_ibuf [dreg:s7], $0x2FFFF;
	_ =	strace $0x9FFFFFFF  }
0xc3: {  	(tm) =	ssettm $0x7FFFFFFF  }
tec
execute0_lowered:
.L_overlay_start_1:
0x0: {  	(tag) =	ssettag $0x1  }
0x1: {  	s7 =	rddreg [dreg:$0x0]  }
0x2: {  	s9 =	rddreg [dreg:$0x1]  }
0x3: {  	s2 =	rddreg [dreg:$0x2];
	s3 =	srdreg.scid  }
0x4: {  	s0 =	rddreg [dreg:$0x3];
	s1 =	stileid.u32;
	s14 =	simm.s32 $0x7D  }
0x5: {  	s15 =	simm.s32 $0x1;
	s16 =	simm.s32 $0x2FD0;
	s17 =	simm.s32 $0x57D0  }
0x6: {  	s18 =	simm.s32 $0x0;
	s5 =	sand.u32 $0x1, s3;
	s8 =	smul.u32 $0x280, s1  }
0x7: {  	s3 =	simm.s32 $0x0;
	s6 =	smul.u32 $0xA000, s1;
	s31 =	sshll.u32 s1, $0x6  }
0x8: {  	s4 =	sshll.u32 s5, $0x4;
	[smem:$0x7FF] =	sst s3;
	s10 =	ssub.s32 $0x2, s5  }
0x9: {  	s13 =	smul.u32 $0x2800, s5;
	s5 =	sadd.s32 $0x15E00, s7;
	s4 =	sor.u32 s1, s4  }
0xa: {  	_ =	strace $0x80000047;
	s12 =	sshrl.u32 s10, $0x1;
	s6 =	sshrl.u32 s6, $0x2  }
0xb: {  	vm0 =	vmmov $0x1;
	vm1 =	vmmov $0x3;
	vm2 =	vmmov $0x7;
	s11 =	smul.u32 $0x2800, s4;
	s4 =	sadd.s32 $0x16400, s7;
	s10 =	ssub.s32 s10, s12  }
0xc: {  	vm3 =	vmmov $0xf;
	vm4 =	vmmov $0x1f;
	vm5 =	vmmov $0x3f;
	s6 =	sadd.s32 s6, s2;
	s8 =	sadd.s32 s8, s13;
	s12 =	simm.s32 $0x2  }
0xd: {  	vm6 =	vmmov $0x7f;
	vm7 =	vmmov $0xff;
	vm8 =	vmmov $0x1ff;
	s13 =	sshrl.u32 s8, $0x3;
	s10 =	smax.u32 s10, $0x1;
	s11 =	sshrl.u32 s11, $0x3  }
0xe: {  	vm9 =	vmmov $0x3ff;
	vm10 =	vmmov $0x7ff;
	vm11 =	vmmov $0xfff;
	s9 =	sadd.s32 s9, s13;
	s13 =	simm.s32 $0x2800;
	s11 =	sadd.s32 s7, s11  }
0xf: {  	vm12 =	vmmov $0x1fff;
	vm13 =	vmmov $0x3fff;
	vm14 =	vmmov $0x7fff;
	s7 =	sor.u32 $0x1C02, s31;
	s8 =	sadd.s32 $0xBE00, s11;
	s11 =	sshrl.u32 s6, $0x3  }
.LBB2_1:
0x10: {  	[spmem:s11], [sflag:s7] =	dma.local [hbm:s5], $0x500  }
0x11: {  	_ =	swait.ge [sflag:s12], $0x500  }
0x12: {  	[sflag:s12] =	ssyncset.done $0x0  }
0x13: {  	[sflag:s12] =	ssyncadd.s32 $0xFFFFFB00  }
0x14: {  	[tilespmem:s13], [sflag:$0x2] =	stream.linear.gather [hbm4b:s4+s3], $0x7D0, $0x38;
	[tilespmem:$0x8250] =	vst v63  }
0x15: {  	_ =	swait.ge [sflag:s12], $0x7D0  }
0x16: {  	[sflag:s12] =	ssyncset.done $0x0  }
0x17: {  	[sflag:s12] =	ssyncadd.s32 $0xFFFFF830  }
0x18: {  	[tilespmem:s3], [sflag:$0x2] =	stream.linear.gather [hbm4b:s8+s3], $0x2800, $0x38;
	[tilespmem:$0x8250] =	vst v63  }
0x19: {  	_ =	swait.ge [sflag:s12], $0x2800  }
0x1a: {  	[sflag:s12] =	ssyncset.done $0x0  }
0x1b: {  	[sflag:s12] =	ssyncadd.s32 $0xFFFFD800  }
0x1c: {  	s19 =	simm.s32 $0x0;
	[bflag:$0x0] =	sbarrier.arrive $0xFFFF  }
.LBB2_2:
0x1d: {  	p0 =	sne.s32 s19, $0x9E00  }
.Ltmp0:
0x1e: {  	_ = 	snop;
	(pc) =	sbr.rel @p0 .LBB2_2-.Ltmp0, $3  }
0x1f: {  	_ =	sdelay $0x1  }
0x20: {  	s20 =	sshra.s32 s19, $0x2;
	s19 =	sadd.s32 $0x200, s19  }
0x21: {  	[spmem:s2] =	stream.indirect.scatter.add.f32 [tilespmem:s13], [sflag:$0x1], $0x10, s20, s14, $0xb8;
	[tilespmem:$0x8250] =	vst v63  }
0x22: {  	_ =	swait.ge [sflag:s15], $0x7D0  }
0x23: {  	s19 =	simm.s32 $0x4F;
	[sflag:s15] =	ssyncset.done $0x0  }
.LBB2_4:
0x24: {  	p0 =	sne.s32 s19, $0x1;
	s19 =	sadd.s32 $0xFFFFFFFF, s19;
	[sflag:s15] =	ssyncadd.s32 $0xFFFFF830  }
.Ltmp1:
0x25: {  	(pc) =	sbr.rel @p0 .LBB2_4-.Ltmp1, $3  }
0x26: {  	_ =	sdelay $0x1  }
0x27: {  	_ =	swait.ge [sflag:s15], $0x7D0  }
0x28: {  	[sflag:s15] =	ssyncset.done $0x0  }
0x29: {  	[sflag:s15] =	ssyncadd.s32 $0xFFFFF830  }
0x2a: {  	[bflag:$0x0] =	sbarrier.arrive $0xFFFF  }
0x2b: {  	[tilespmem:s16], [sflag:$0x2] =	stream.linear.gather [spmem:s6], $0x2800, $0x38;
	[tilespmem:$0x8250] =	vst v63  }
0x2c: {  	_ =	swait.ge [sflag:s12], $0x2800  }
0x2d: {  	[sflag:s12] =	ssyncset.done $0x0  }
0x2e: {  	s20 =	simm.s32 $0x3050;
	[sflag:s12] =	ssyncadd.s32 $0xFFFFD800  }
0x2f: {  	v0 =	vld [tilespmem:s20+$0xFFFFFF90]  }
0x30: {  	s19 =	simm.s32 $0x0;
	s21 =	simm.s32 $0x40;
	v1 =	vld [tilespmem:s20+$0xFFFFFF80]  }
.LBB2_6:
0x31: {  	p0 =	sne.s32 s21, $0x9C0;
	v2 =	vld [tilespmem:s20+$0xFFFFFFA0]  }
0x32: {  	v3 =	vld [tilespmem:s20+$0xFFFFFFB0]  }
0x33: {  	v4 =	vld [tilespmem:s20+$0xFFFFFFC0]  }
0x34: {  	v5 =	vld [tilespmem:s20+$0xFFFFFFD0]  }
0x35: {  	v0 =	vsel vm0, v1, v0;
	v1 =	vld [tilespmem:s20+$0xFFFFFFE0]  }
0x36: {  	v0 =	vsel vm1, v0, v2;
	v2 =	vld [tilespmem:s20+$0xFFFFFFF0]  }
0x37: {  	v0 =	vsel vm2, v0, v3;
	v3 =	vld [tilespmem:s20+$0x0]  }
0x38: {  	v0 =	vsel vm3, v0, v4;
	v4 =	vld [tilespmem:s20+$0x10]  }
0x39: {  	v0 =	vsel vm4, v0, v5;
	v5 =	vld [tilespmem:s20+$0x20]  }
0x3a: {  	v0 =	vsel vm5, v0, v1;
	v1 =	vld [tilespmem:s20+$0x30]  }
0x3b: {  	v0 =	vsel vm6, v0, v2;
	v2 =	vld [tilespmem:s20+$0x40]  }
0x3c: {  	v0 =	vsel vm7, v0, v3;
	v3 =	vld [tilespmem:s20+$0x50]  }
0x3d: {  	v0 =	vsel vm8, v0, v4;
	v4 =	vld [tilespmem:s20+$0x60]  }
0x3e: {  	v0 =	vsel vm9, v0, v5;
	v5 =	vld [tilespmem:s20+$0x70]  }
0x3f: {  	v0 =	vsel vm10, v0, v1  }
0x40: {  	v0 =	vsel vm11, v0, v2  }
0x41: {  	v0 =	vsel vm12, v0, v3  }
.Ltmp2:
0x42: {  	v0 =	vsel vm13, v0, v4;
	(pc) =	sbr.rel @p0 .LBB2_6-.Ltmp2, $4  }
0x43: {  	s22 =	sshra.s32 s19, $0x2;
	s19 =	smov.u32 s21;
	v0 =	vsel vm14, v0, v5  }
0x44: {  	s20 =	sadd.s32 $0x100, s20;
	[tilespmem:s22+$0x57D0] =	vst v0  }
0x45: {  	v0 =	vld [tilespmem:s20+$0xFFFFFF90]  }
0x46: {  	s21 =	sadd.s32 $0x40, s21;
	v1 =	vld [tilespmem:s20+$0xFFFFFF80]  }
0x47: {  	v2 =	vld [tilespmem:s20+$0xFFFFFFA0]  }
0x48: {  	v3 =	vld [tilespmem:s20+$0xFFFFFFB0]  }
0x49: {  	v4 =	vld [tilespmem:s20+$0xFFFFFFC0]  }
0x4a: {  	v5 =	vld [tilespmem:s20+$0xFFFFFFD0]  }
0x4b: {  	v54 =	vld [tilespmem:s20+$0xFFFFFFE0];
	v0 =	vsel vm0, v1, v0  }
0x4c: {  	v55 =	vld [tilespmem:s20+$0xFFFFFFF0];
	v0 =	vsel vm1, v0, v2  }
0x4d: {  	v56 =	vld [tilespmem:s20+$0x0];
	v0 =	vsel vm2, v0, v3  }
0x4e: {  	v57 =	vld [tilespmem:s20+$0x10];
	v0 =	vsel vm3, v0, v4  }
0x4f: {  	v58 =	vld [tilespmem:s20+$0x20];
	v0 =	vsel vm4, v0, v5  }
0x50: {  	v59 =	vld [tilespmem:s20+$0x30];
	v0 =	vsel vm5, v0, v54  }
0x51: {  	v60 =	vld [tilespmem:s20+$0x40];
	v0 =	vsel vm6, v0, v55  }
0x52: {  	v61 =	vld [tilespmem:s20+$0x50];
	v0 =	vsel vm7, v0, v56  }
0x53: {  	v62 =	vld [tilespmem:s20+$0x60];
	v0 =	vsel vm8, v0, v57  }
0x54: {  	v63 =	vld [tilespmem:s20+$0x70];
	v0 =	vsel vm9, v0, v58  }
0x55: {  	v0 =	vsel vm10, v0, v59  }
0x56: {  	v0 =	vsel vm11, v0, v60  }
0x57: {  	v0 =	vsel vm12, v0, v61  }
0x58: {  	s18 =	sadd.s32 $0x1, s18;
	v0 =	vsel vm13, v0, v62  }
0x59: {  	s19 =	sshra.s32 s19, $0x2;
	p0 =	sne.s32 s18, s10;
	v0 =	vsel vm14, v0, v63  }
.Ltmp3:
0x5a: {  	[tilespmem:s19+$0x57D0] =	vst v0;
	(pc) =	sbr.rel @p0 .LBB2_1-.Ltmp3, $4  }
0x5b: {  	[hbm4b:s9+s3] =	stream.linear.scatter [tilespmem:s17], [sflag:$0x2], $0x280, $0x38;
	[tilespmem:$0x8250] =	vst v63  }
0x5c: {  	_ =	swait.ge [sflag:s12], $0x280  }
0x5d: {  	[sflag:s12] =	ssyncset.done $0x0  }
0x5e: {  	[sflag:s12] =	ssyncadd.s32 $0xFFFFFD80  }
0x5f: {  	_ =	sfence.sel $0x180000  }
0x60: {  	[bflag:$0x0] =	sbarrier.arrive $0xFFFF  }
0x61: {  	p0 =	sne.s32 s1, $0x0;
	_ =	strace $0x90000047  }
0x62: {  	s0 =	sadd.s32 @!p0 $0x100000, s0;
	[bflag:$0x2] =	sbarrier.arrive $0xFFFF  }
0x63: {  	[sflag:s0] =	ssyncadd.tile.s32 @!p0 $0x1;
	_ =	shalt  }
.Lfunc_end2:
_tile_overlayer_lowered:
.L_overlay_start_2:
0x64: {  	(tag) =	ssettag $0x2  }
0x65: {  	s0 =	rddreg [dreg:$0x0];
	s2 =	stileid.u32  }
0x66: {  	s1 =	rddreg [dreg:$0x1];
	p0 =	sne.s32 s2, $0x0  }
0x67: {  	s3 =	rddreg [dreg:$0x2];
	[bflag:$0x3] =	sbarrier.arrive $0xFFFF;
	s2 =	simm.s32 @!p0 $0x1C02  }
0x68: {  	[timem:s3], [sflag:s2] =	dma.local @!p0 [hbm:s0], s1  }
0x69: {  	s0 =	simm.s32 @!p0 $0x2  }
0x6a: {  	_ =	swait.ge @!p0 [sflag:s0], s1  }
0x6b: {  	s1 =	ssub.s32 @!p0 $0x0, s1;
	[sflag:s0] =	ssyncset.done @!p0 $0x0  }
0x6c: {  	[sflag:s0] =	ssyncadd.s32 @!p0 s1  }
0x6d: {  	[bflag:$0x3] =	sbarrier.arrive $0xFFFF  }
0x6e: {  	_ =	shalt  }

</sc_bundles>
